<compile_context>
chip_gen: v7x
topology: tpu7x:2x2x1
jax: 0.10.2.dev20260603
libtpu: 0.0.44.dev20260713+nightly
codegen_flags: <defaults>
</compile_context>

<pallas_src>
import functools

import jax
import jax.numpy as jnp
from jax import lax
from jax.experimental import pallas as pl
from jax.experimental.pallas import tpu as pltpu
from jax.experimental.pallas import tpu_sc as plsc

N = 10000
E = 320000
D = 128
N_PAD = 10240

_info = plsc.get_sparse_core_info()
NC = _info.num_cores
NS = _info.num_subcores
NW = NC * NS
EPW = E // NW
BLK = 80
NBLK = EPW // BLK
GRP = 25
NGRP = NBLK // GRP
ROWS_PT = N_PAD // NS
RCHUNK = BLK
NCHUNK = ROWS_PT // RCHUNK


def _sc_aggregate(h_pad, edge5):
    mesh = plsc.VectorSubcoreMesh(core_axis_name="c", subcore_axis_name="s")

    @functools.partial(
        pl.kernel,
        mesh=mesh,
        out_type=[
            jax.ShapeDtypeStruct((NC, N_PAD, D), jnp.float32),
            jax.ShapeDtypeStruct((NC, N_PAD), jnp.float32),
        ],
        scratch_types=[
            pltpu.VMEM((2, GRP, BLK), jnp.int32),
            pltpu.VMEM((2, GRP, BLK), jnp.int32),
            pltpu.VMEM((BLK, D), jnp.float32),
            pltpu.VMEM((BLK, D), jnp.float32),
            pltpu.VMEM((BLK,), jnp.float32),
            pltpu.VMEM((ROWS_PT,), jnp.float32),
            pltpu.VMEM_SHARED((N_PAD, D), jnp.float32),
            pltpu.VMEM_SHARED((N_PAD,), jnp.float32),
            pltpu.SemaphoreType.DMA,
            pltpu.SemaphoreType.DMA,
            pltpu.SemaphoreType.DMA,
            pltpu.SemaphoreType.DMA,
            pltpu.SemaphoreType.DMA,
            pltpu.SemaphoreType.DMA,
        ],
    )
    def body(h_hbm, edge_hbm, agg_out, deg_out,
             src_v, dst_v, rb0, rb1, ones_v, vec_v, agg_sh, deg_sh,
             sg0, sg1, ss0, ss1, sem_d, sem_i):
        cid = lax.axis_index("c")
        sid = lax.axis_index("s")
        wid = sid * NC + cid
        row0 = sid * ROWS_PT
        bufs = (rb0, rb1)
        gsems = (sg0, sg1)
        ssems = (ss0, ss1)

        def start_refill(g):
            p = g % 2
            pltpu.async_copy(edge_hbm.at[0, wid, g], src_v.at[p], sem_i)
            pltpu.async_copy(edge_hbm.at[1, wid, g], dst_v.at[p], sem_i)

        def wait_refill(g):
            p = g % 2
            pltpu.make_async_copy(edge_hbm.at[0, wid, 0], src_v.at[p],
                                  sem_i).wait()
            pltpu.make_async_copy(edge_hbm.at[1, wid, 0], dst_v.at[p],
                                  sem_i).wait()

        start_refill(0)

        zero16 = jnp.zeros((16,), jnp.float32)
        one16 = jnp.ones((16,), jnp.float32)

        def z_rows(i, _):
            for c in range(D // 16):
                rb0[i, pl.ds(c * 16, 16)] = zero16
            return 0
        lax.fori_loop(0, BLK, z_rows, 0)

        def z_vec(i, _):
            for c in range(8):
                vec_v[pl.ds(i * 128 + c * 16, 16)] = zero16
            return 0
        lax.fori_loop(0, ROWS_PT // 128, z_vec, 0)

        for i in range(BLK // 16):
            ones_v[pl.ds(i * 16, 16)] = one16

        for c in range(NCHUNK):
            pltpu.async_copy(rb0, agg_sh.at[pl.ds(row0 + c * RCHUNK, RCHUNK)],
                             ss0)
        pltpu.async_copy(vec_v, deg_sh.at[pl.ds(row0, ROWS_PT)], ss1)
        for c in range(NCHUNK):
            pltpu.make_async_copy(rb0, agg_sh.at[pl.ds(row0, RCHUNK)],
                                  ss0).wait()
        pltpu.make_async_copy(vec_v, deg_sh.at[pl.ds(row0, ROWS_PT)],
                              ss1).wait()
        plsc.subcore_barrier()

        def start_gather(p, i, k):
            pltpu.async_copy(h_hbm.at[src_v.at[p, i]], bufs[k], gsems[k])

        def wait_gather(k):
            pltpu.make_async_copy(h_hbm.at[src_v.at[0, 0]], bufs[k],
                                  gsems[k]).wait()

        def start_deg(p, i):
            pltpu.async_copy(ones_v, deg_sh.at[dst_v.at[p, i]], sem_d,
                             add=True)

        def wait_deg():
            pltpu.make_async_copy(ones_v, deg_sh.at[dst_v.at[0, 0]],
                                  sem_d).wait()

        def group(g, _):
            p = g % 2
            wait_refill(g)
            pl.when(g + 1 < NGRP)(lambda: start_refill(g + 1))

            start_gather(p, 0, 0)
            start_gather(p, 1, 1)
            start_deg(p, 0)

            def dstep(j, _):
                for k in (0, 1):
                    i = 2 * j + k
                    wait_gather(k)
                    pltpu.sync_copy(bufs[k], agg_sh.at[dst_v.at[p, i]],
                                    add=True)
                    wait_deg()
                    start_deg(p, jnp.minimum(i + 1, GRP - 1))
                    start_gather(p, jnp.minimum(i + 2, GRP - 1), k)
                return 0
            lax.fori_loop(0, (GRP - 1) // 2, dstep, 0)

            wait_gather(0)
            pltpu.sync_copy(bufs[0], agg_sh.at[dst_v.at[p, GRP - 1]],
                            add=True)
            wait_deg()
            wait_gather(1)
            return 0
        lax.fori_loop(0, NGRP, group, 0)
        plsc.subcore_barrier()

        pltpu.async_copy(deg_sh.at[pl.ds(row0, ROWS_PT)], vec_v, sem_d)
        rbs = (rb0, rb1)

        def win(c, k):
            pltpu.async_copy(agg_sh.at[pl.ds(row0 + c * RCHUNK, RCHUNK)],
                             rbs[k], gsems[k])

        def wout(c, k):
            pltpu.async_copy(rbs[k],
                             agg_out.at[cid, pl.ds(row0 + c * RCHUNK, RCHUNK)],
                             ssems[k])

        win(0, 0)
        win(1, 1)
        for c in range(NCHUNK):
            k = c % 2
            pltpu.make_async_copy(agg_sh.at[pl.ds(row0, RCHUNK)], rbs[k],
                                  gsems[k]).wait()
            wout(c, k)
            if c + 2 < NCHUNK:
                pltpu.make_async_copy(
                    rbs[k], agg_out.at[cid, pl.ds(row0, RCHUNK)],
                    ssems[k]).wait()
                win(c + 2, k)
        pltpu.make_async_copy(deg_sh.at[pl.ds(row0, ROWS_PT)], vec_v,
                              sem_d).wait()
        pltpu.async_copy(vec_v, deg_out.at[cid, pl.ds(row0, ROWS_PT)], sem_d)
        for k in (0, 1):
            pltpu.make_async_copy(rbs[k], agg_out.at[cid, pl.ds(row0, RCHUNK)],
                                  ssems[k]).wait()
        pltpu.make_async_copy(vec_v, deg_out.at[cid, pl.ds(row0, ROWS_PT)],
                              sem_d).wait()

    return body(h_pad, edge5)


def _dense_body(relu, h_ref, agg_ref, deg_ref, ws_ref, wn_ref, b_ref, o_ref):
    hv = h_ref[...]
    a = agg_ref[0, :N] + agg_ref[1, :N]
    dg = deg_ref[0, :N] + deg_ref[1, :N]
    r = 1.0 / jnp.maximum(dg, 1.0)
    hn = a * r[:, None]
    o = (jnp.dot(hv, ws_ref[...], preferred_element_type=jnp.float32)
         + jnp.dot(hn, wn_ref[...], preferred_element_type=jnp.float32)
         + b_ref[...])
    if relu:
        o = jnp.maximum(o, 0.0)
    o_ref[...] = o


def _dense_layer(h, agg_part, deg_part, w_self, w_neigh, b, relu):
    return pl.pallas_call(
        functools.partial(_dense_body, relu),
        out_shape=jax.ShapeDtypeStruct((N, D), jnp.float32),
    )(h, agg_part, deg_part, w_self, w_neigh, b.reshape(1, D))


def kernel(h, edge_index0, edge_index1, W_self0, W_neigh0, b0,
           W_self1, W_neigh1, b1):
    e0 = edge_index0.astype(jnp.int32).reshape(2, NW, NGRP, GRP, BLK)
    e1 = edge_index1.astype(jnp.int32).reshape(2, NW, NGRP, GRP, BLK)

    agg0, deg0 = _sc_aggregate(h, e0)
    x = _dense_layer(h, agg0, deg0, W_self0, W_neigh0, b0, relu=True)
    agg1, deg1 = _sc_aggregate(x, e1)
    out = _dense_layer(x, agg1, deg1, W_self1, W_neigh1, b1, relu=False)
    return out

# --- scband reference (transcript-rebuilt; emitter-appended) ---
"""Pipeline reference for scband-dglsagemodel-18073222381928 (READ-ONLY COPY).

The authoritative reference and input builder live on the scoring server;
editing this copy changes nothing except your own understanding.
"""

import jax, jax.numpy as jnp
import numpy as np

N = 10000
E = 320000
D = 128

def setup_inputs(seed: int = 0) -> dict:
    key = jax.random.key(seed)
    ks = jax.random.split(key, 10)
    h = jax.random.normal(ks[0], (N, D), dtype=jnp.float32)
    edge_index0 = jax.random.randint(ks[1], (2, E), 0, N, dtype=jnp.int64 if jax.config.jax_enable_x64 else jnp.int32)
    edge_index1 = jax.random.randint(ks[2], (2, E), 0, N, dtype=jnp.int64 if jax.config.jax_enable_x64 else jnp.int32)
    W_self0 = jax.random.normal(ks[3], (D, D), dtype=jnp.float32) * 0.05
    W_neigh0 = jax.random.normal(ks[4], (D, D), dtype=jnp.float32) * 0.05
    b0 = jnp.zeros((D,), dtype=jnp.float32)
    W_self1 = jax.random.normal(ks[5], (D, D), dtype=jnp.float32) * 0.05
    W_neigh1 = jax.random.normal(ks[6], (D, D), dtype=jnp.float32) * 0.05
    b1 = jnp.zeros((D,), dtype=jnp.float32)
    return {"h": h, "edge_index0": edge_index0, "edge_index1": edge_index1,
            "W_self0": W_self0, "W_neigh0": W_neigh0, "b0": b0,
            "W_self1": W_self1, "W_neigh1": W_neigh1, "b1": b1}

def _sage_conv(h, edge_index, W_self, W_neigh, b):
    # DGL SAGEConv with 'mean' aggregator: fc_self(h_dst) + fc_neigh(mean_{src->dst} h_src) + bias
    src = edge_index[0]
    dst = edge_index[1]
    msg = jnp.take(h, src, axis=0)                       # gather  [E, D]
    agg = jax.ops.segment_sum(msg, dst, num_segments=N)  # scatter-add [N, D]
    deg = jax.ops.segment_sum(jnp.ones((msg.shape[0],), dtype=h.dtype), dst, num_segments=N)
    h_neigh = agg / jnp.clip(deg, 1.0)[:, None]
    return h @ W_self + h_neigh @ W_neigh + b

def reference(h, edge_index0, edge_index1, W_self0, W_neigh0, b0, W_self1, W_neigh1, b1):
    # layer 0 + relu (dropout is identity in eval mode)
    x = _sage_conv(h, edge_index0, W_self0, W_neigh0, b0)
    x = jax.nn.relu(x)
    # layer 1 (final, no activation)
    x = _sage_conv(x, edge_index1, W_self1, W_neigh1, b1)
    return x

if __name__ == "__main__":
    import jax
    _d = setup_inputs()
    print(jax.jit(kernel)(*tuple(_d.values())))

</pallas_src>

<mosaic_0001>
#map = affine_map<(d0, d1) -> (0, 0)>
#map1 = affine_map<(d0, d1) -> (0, 0, 0, 0, 0)>
#map2 = affine_map<(d0, d1) -> (0, 0, 0)>
module attributes {stable_mosaic.version = 14 : i64} {
  func.func @body(%arg0: i32, %arg1: i32, %arg2: memref<10000x128xf32, #tpu.memory_space<hbm>>, %arg3: memref<2x32x5x25x80xi32, #tpu.memory_space<hbm>>, %arg4: memref<2x10240x128xf32, #tpu.memory_space<hbm>>, %arg5: memref<2x10240xf32, #tpu.memory_space<hbm>>, %arg6: memref<2x25x80xi32, #tpu.memory_space<vmem>>, %arg7: memref<2x25x80xi32, #tpu.memory_space<vmem>>, %arg8: memref<80x128xf32, #tpu.memory_space<vmem>>, %arg9: memref<80x128xf32, #tpu.memory_space<vmem>>, %arg10: memref<80xf32, #tpu.memory_space<vmem>>, %arg11: memref<640xf32, #tpu.memory_space<vmem>>, %arg12: memref<10240x128xf32, #tpu.memory_space<vmem_shared>>, %arg13: memref<10240xf32, #tpu.memory_space<vmem_shared>>, %arg14: memref<!tpu.dma_semaphore, #tpu.memory_space<semaphore_mem>>, %arg15: memref<!tpu.dma_semaphore, #tpu.memory_space<semaphore_mem>>, %arg16: memref<!tpu.dma_semaphore, #tpu.memory_space<semaphore_mem>>, %arg17: memref<!tpu.dma_semaphore, #tpu.memory_space<semaphore_mem>>, %arg18: memref<!tpu.dma_semaphore, #tpu.memory_space<semaphore_mem>>, %arg19: memref<!tpu.dma_semaphore, #tpu.memory_space<semaphore_mem>>) attributes {dimension_semantics = [#tpu.dimension_semantics<core_parallel>, #tpu.dimension_semantics<subcore_parallel>], iteration_bounds = array<i64: 2, 16>, scalar_prefetch = 0 : i64, scratch_operands = 14 : i64, tpu.core_type = #tpu.core_type<sc_vector_subcore>, window_params = [{transform_indices = #map}, {transform_indices = #map1}, {transform_indices = #map2}, {transform_indices = #map}]} {
    %mul3A = arith.constant 2 : i32
    %mul3A_0 = arith.muli %arg1, %mul3A : i32
    %add3A = arith.addi %mul3A_0, %arg0 : i32
    %mul3A_1 = arith.constant 640 : i32
    %mul3A_2 = arith.muli %arg1, %mul3A_1 : i32
    %dma_start3A = arith.constant 0 : i32
    %dma_start3A_3 = arith.constant 0 : i32
    %dma_start3A_4 = arith.constant 0 : i32
    %dma_start3A_5 = arith.constant 0 : i32
    %dma_start3A_6 = arith.constant 0 : i32
    %dma_start3A_7 = tpu.memref_slice %arg6[%dma_start3A_4, %dma_start3A_5, %dma_start3A_6] : memref<2x25x80xi32, #tpu.memory_space<vmem>> -> memref<1x25x80xi32, #tpu.memory_space<vmem>>
    %dma_start3A_8 = tpu.memref_squeeze %dma_start3A_7 : memref<1x25x80xi32, #tpu.memory_space<vmem>> -> memref<25x80xi32, #tpu.memory_space<vmem>>
    %dma_start3A_9 = arith.constant 0 : i32
    %dma_start3A_10 = arith.constant 0 : i32
    %dma_start3A_11 = tpu.memref_slice %arg3[%dma_start3A, %add3A, %dma_start3A_3, %dma_start3A_9, %dma_start3A_10] : memref<2x32x5x25x80xi32, #tpu.memory_space<hbm>> -> memref<1x1x1x25x80xi32, #tpu.memory_space<hbm>>
    %dma_start3A_12 = tpu.memref_squeeze %dma_start3A_11 : memref<1x1x1x25x80xi32, #tpu.memory_space<hbm>> -> memref<25x80xi32, #tpu.memory_space<hbm>>
    %dma_start3A_13 = arith.constant 0 : i32
    %dma_start3A_14 = arith.constant 0 : i32
    %dma_start3A_15 = tpu.memref_slice %arg6[%dma_start3A_4, %dma_start3A_13, %dma_start3A_14] : memref<2x25x80xi32, #tpu.memory_space<vmem>> -> memref<1x25x80xi32, #tpu.memory_space<vmem>>
    %dma_start3A_16 = tpu.memref_squeeze %dma_start3A_15 : memref<1x25x80xi32, #tpu.memory_space<vmem>> -> memref<25x80xi32, #tpu.memory_space<vmem>>
    %dma_start3A_17 = arith.constant 0 : i32
    %dma_start3A_18 = arith.constant 0 : i32
    %dma_start3A_19 = tpu.memref_slice %arg3[%dma_start3A, %add3A, %dma_start3A_3, %dma_start3A_17, %dma_start3A_18] : memref<2x32x5x25x80xi32, #tpu.memory_space<hbm>> -> memref<1x1x1x25x80xi32, #tpu.memory_space<hbm>>
    %dma_start3A_20 = tpu.memref_squeeze %dma_start3A_19 : memref<1x1x1x25x80xi32, #tpu.memory_space<hbm>> -> memref<25x80xi32, #tpu.memory_space<hbm>>
    tpu.enqueue_dma source(%dma_start3A_20 : memref<25x80xi32, #tpu.memory_space<hbm>>) target(%dma_start3A_16 : memref<25x80xi32, #tpu.memory_space<vmem>>) target_semaphore(%arg19 : memref<!tpu.dma_semaphore, #tpu.memory_space<semaphore_mem>>)
    %dma_start3A_21 = arith.constant 1 : i32
    %dma_start3A_22 = arith.constant 0 : i32
    %dma_start3A_23 = arith.constant 0 : i32
    %dma_start3A_24 = arith.constant 0 : i32
    %dma_start3A_25 = arith.constant 0 : i32
    %dma_start3A_26 = tpu.memref_slice %arg7[%dma_start3A_23, %dma_start3A_24, %dma_start3A_25] : memref<2x25x80xi32, #tpu.memory_space<vmem>> -> memref<1x25x80xi32, #tpu.memory_space<vmem>>
    %dma_start3A_27 = tpu.memref_squeeze %dma_start3A_26 : memref<1x25x80xi32, #tpu.memory_space<vmem>> -> memref<25x80xi32, #tpu.memory_space<vmem>>
    %dma_start3A_28 = arith.constant 0 : i32
    %dma_start3A_29 = arith.constant 0 : i32
    %dma_start3A_30 = tpu.memref_slice %arg3[%dma_start3A_21, %add3A, %dma_start3A_22, %dma_start3A_28, %dma_start3A_29] : memref<2x32x5x25x80xi32, #tpu.memory_space<hbm>> -> memref<1x1x1x25x80xi32, #tpu.memory_space<hbm>>
    %dma_start3A_31 = tpu.memref_squeeze %dma_start3A_30 : memref<1x1x1x25x80xi32, #tpu.memory_space<hbm>> -> memref<25x80xi32, #tpu.memory_space<hbm>>
    %dma_start3A_32 = arith.constant 0 : i32
    %dma_start3A_33 = arith.constant 0 : i32
    %dma_start3A_34 = tpu.memref_slice %arg7[%dma_start3A_23, %dma_start3A_32, %dma_start3A_33] : memref<2x25x80xi32, #tpu.memory_space<vmem>> -> memref<1x25x80xi32, #tpu.memory_space<vmem>>
    %dma_start3A_35 = tpu.memref_squeeze %dma_start3A_34 : memref<1x25x80xi32, #tpu.memory_space<vmem>> -> memref<25x80xi32, #tpu.memory_space<vmem>>
    %dma_start3A_36 = arith.constant 0 : i32
    %dma_start3A_37 = arith.constant 0 : i32
    %dma_start3A_38 = tpu.memref_slice %arg3[%dma_start3A_21, %add3A, %dma_start3A_22, %dma_start3A_36, %dma_start3A_37] : memref<2x32x5x25x80xi32, #tpu.memory_space<hbm>> -> memref<1x1x1x25x80xi32, #tpu.memory_space<hbm>>
    %dma_start3A_39 = tpu.memref_squeeze %dma_start3A_38 : memref<1x1x1x25x80xi32, #tpu.memory_space<hbm>> -> memref<25x80xi32, #tpu.memory_space<hbm>>
    tpu.enqueue_dma source(%dma_start3A_39 : memref<25x80xi32, #tpu.memory_space<hbm>>) target(%dma_start3A_35 : memref<25x80xi32, #tpu.memory_space<vmem>>) target_semaphore(%arg19 : memref<!tpu.dma_semaphore, #tpu.memory_space<semaphore_mem>>)
    %broadcast_in_dim3A = arith.constant 0.000000e+00 : f32
    %broadcast_in_dim3A_40 = vector.broadcast %broadcast_in_dim3A : f32 to vector<16xf32>
    %broadcast_in_dim3A_41 = arith.constant 1.000000e+00 : f32
    %broadcast_in_dim3A_42 = vector.broadcast %broadcast_in_dim3A_41 : f32 to vector<16xf32>
    %scan3A = arith.constant 0 : i32
    %scan3A_43 = arith.constant 0 : i32
    %scan3A_44 = arith.constant 80 : i32
    %scan3A_45 = arith.addi %scan3A_43, %scan3A_44 : i32
    %scan3A_46 = arith.constant 1 : i32
    %scan3A_47 = scf.for %scan3A_370 = %scan3A_43 to %scan3A_45 step %scan3A_46 iter_args(%scan3A_371 = %scan3A) -> (i32)  : i32 {
      %swap3A_372 = arith.index_cast %scan3A_370 : i32 to index
      %swap3A_373 = arith.constant 0 : index
      %swap3A_374 = tpu.vector_load %arg8[%swap3A_372, %swap3A_373] {strides = array<i32>} : memref<80x128xf32, #tpu.memory_space<vmem>>, vector<1x16xf32>,
      %swap3A_375 = vector.shape_cast %swap3A_374 : vector<1x16xf32> to vector<16xf32>
      %swap3A_376 = vector.shape_cast %broadcast_in_dim3A_40 : vector<16xf32> to vector<1x16xf32>
      tpu.vector_store %arg8[%swap3A_372, %swap3A_373], %swap3A_376 {strides = array<i32>} : memref<80x128xf32, #tpu.memory_space<vmem>>, vector<1x16xf32>,
      %swap3A_377 = arith.index_cast %scan3A_370 : i32 to index
      %swap3A_378 = arith.constant 16 : index
      %swap3A_379 = tpu.vector_load %arg8[%swap3A_377, %swap3A_378] {strides = array<i32>} : memref<80x128xf32, #tpu.memory_space<vmem>>, vector<1x16xf32>,
      %swap3A_380 = vector.shape_cast %swap3A_379 : vector<1x16xf32> to vector<16xf32>
      %swap3A_381 = vector.shape_cast %broadcast_in_dim3A_40 : vector<16xf32> to vector<1x16xf32>
      tpu.vector_store %arg8[%swap3A_377, %swap3A_378], %swap3A_381 {strides = array<i32>} : memref<80x128xf32, #tpu.memory_space<vmem>>, vector<1x16xf32>,
      %swap3A_382 = arith.index_cast %scan3A_370 : i32 to index
      %swap3A_383 = arith.constant 32 : index
      %swap3A_384 = tpu.vector_load %arg8[%swap3A_382, %swap3A_383] {strides = array<i32>} : memref<80x128xf32, #tpu.memory_space<vmem>>, vector<1x16xf32>,
      %swap3A_385 = vector.shape_cast %swap3A_384 : vector<1x16xf32> to vector<16xf32>
      %swap3A_386 = vector.shape_cast %broadcast_in_dim3A_40 : vector<16xf32> to vector<1x16xf32>
      tpu.vector_store %arg8[%swap3A_382, %swap3A_383], %swap3A_386 {strides = array<i32>} : memref<80x128xf32, #tpu.memory_space<vmem>>, vector<1x16xf32>,
      %swap3A_387 = arith.index_cast %scan3A_370 : i32 to index
      %swap3A_388 = arith.constant 48 : index
      %swap3A_389 = tpu.vector_load %arg8[%swap3A_387, %swap3A_388] {strides = array<i32>} : memref<80x128xf32, #tpu.memory_space<vmem>>, vector<1x16xf32>,
      %swap3A_390 = vector.shape_cast %swap3A_389 : vector<1x16xf32> to vector<16xf32>
      %swap3A_391 = vector.shape_cast %broadcast_in_dim3A_40 : vector<16xf32> to vector<1x16xf32>
      tpu.vector_store %arg8[%swap3A_387, %swap3A_388], %swap3A_391 {strides = array<i32>} : memref<80x128xf32, #tpu.memory_space<vmem>>, vector<1x16xf32>,
      %swap3A_392 = arith.index_cast %scan3A_370 : i32 to index
      %swap3A_393 = arith.constant 64 : index
      %swap3A_394 = tpu.vector_load %arg8[%swap3A_392, %swap3A_393] {strides = array<i32>} : memref<80x128xf32, #tpu.memory_space<vmem>>, vector<1x16xf32>,
      %swap3A_395 = vector.shape_cast %swap3A_394 : vector<1x16xf32> to vector<16xf32>
      %swap3A_396 = vector.shape_cast %broadcast_in_dim3A_40 : vector<16xf32> to vector<1x16xf32>
      tpu.vector_store %arg8[%swap3A_392, %swap3A_393], %swap3A_396 {strides = array<i32>} : memref<80x128xf32, #tpu.memory_space<vmem>>, vector<1x16xf32>,
      %swap3A_397 = arith.index_cast %scan3A_370 : i32 to index
      %swap3A_398 = arith.constant 80 : index
      %swap3A_399 = tpu.vector_load %arg8[%swap3A_397, %swap3A_398] {strides = array<i32>} : memref<80x128xf32, #tpu.memory_space<vmem>>, vector<1x16xf32>,
      %swap3A_400 = vector.shape_cast %swap3A_399 : vector<1x16xf32> to vector<16xf32>
      %swap3A_401 = vector.shape_cast %broadcast_in_dim3A_40 : vector<16xf32> to vector<1x16xf32>
      tpu.vector_store %arg8[%swap3A_397, %swap3A_398], %swap3A_401 {strides = array<i32>} : memref<80x128xf32, #tpu.memory_space<vmem>>, vector<1x16xf32>,
      %swap3A_402 = arith.index_cast %scan3A_370 : i32 to index
      %swap3A_403 = arith.constant 96 : index
      %swap3A_404 = tpu.vector_load %arg8[%swap3A_402, %swap3A_403] {strides = array<i32>} : memref<80x128xf32, #tpu.memory_space<vmem>>, vector<1x16xf32>,
      %swap3A_405 = vector.shape_cast %swap3A_404 : vector<1x16xf32> to vector<16xf32>
      %swap3A_406 = vector.shape_cast %broadcast_in_dim3A_40 : vector<16xf32> to vector<1x16xf32>
      tpu.vector_store %arg8[%swap3A_402, %swap3A_403], %swap3A_406 {strides = array<i32>} : memref<80x128xf32, #tpu.memory_space<vmem>>, vector<1x16xf32>,
      %swap3A_407 = arith.index_cast %scan3A_370 : i32 to index
      %swap3A_408 = arith.constant 112 : index
      %swap3A_409 = tpu.vector_load %arg8[%swap3A_407, %swap3A_408] {strides = array<i32>} : memref<80x128xf32, #tpu.memory_space<vmem>>, vector<1x16xf32>,
      %swap3A_410 = vector.shape_cast %swap3A_409 : vector<1x16xf32> to vector<16xf32>
      %swap3A_411 = vector.shape_cast %broadcast_in_dim3A_40 : vector<16xf32> to vector<1x16xf32>
      tpu.vector_store %arg8[%swap3A_407, %swap3A_408], %swap3A_411 {strides = array<i32>} : memref<80x128xf32, #tpu.memory_space<vmem>>, vector<1x16xf32>,
      %scan3A_412 = arith.constant 0 : i32
      scf.yield %scan3A_412 : i32
    }
    %scan3A_48 = arith.constant 80 : i32
    %scan3A_49 = arith.constant 0 : i32
    %scan3A_50 = arith.constant 0 : i32
    %scan3A_51 = arith.constant 5 : i32
    %scan3A_52 = arith.addi %scan3A_50, %scan3A_51 : i32
    %scan3A_53 = arith.constant 1 : i32
    %scan3A_54 = scf.for %scan3A_370 = %scan3A_50 to %scan3A_52 step %scan3A_53 iter_args(%scan3A_371 = %scan3A_49) -> (i32)  : i32 {
      %mul3A_372 = arith.constant 128 : i32
      %mul3A_373 = arith.muli %scan3A_370, %mul3A_372 : i32
      %add3A_374 = arith.constant 0 : i32
      %add3A_375 = arith.addi %mul3A_373, %add3A_374 : i32
      %swap3A_376 = arith.index_cast %add3A_375 : i32 to index
      %swap3A_377 = tpu.vector_load %arg11[%swap3A_376] {strides = array<i32>} : memref<640xf32, #tpu.memory_space<vmem>>, vector<16xf32>,
      %swap3A_378 = vector.shape_cast %swap3A_377 : vector<16xf32> to vector<16xf32>
      %swap3A_379 = vector.shape_cast %broadcast_in_dim3A_40 : vector<16xf32> to vector<16xf32>
      tpu.vector_store %arg11[%swap3A_376], %swap3A_379 {strides = array<i32>} : memref<640xf32, #tpu.memory_space<vmem>>, vector<16xf32>,
      %mul3A_380 = arith.constant 128 : i32
      %mul3A_381 = arith.muli %scan3A_370, %mul3A_380 : i32
      %add3A_382 = arith.constant 16 : i32
      %add3A_383 = arith.addi %mul3A_381, %add3A_382 : i32
      %swap3A_384 = arith.index_cast %add3A_383 : i32 to index
      %swap3A_385 = tpu.vector_load %arg11[%swap3A_384] {strides = array<i32>} : memref<640xf32, #tpu.memory_space<vmem>>, vector<16xf32>,
      %swap3A_386 = vector.shape_cast %swap3A_385 : vector<16xf32> to vector<16xf32>
      %swap3A_387 = vector.shape_cast %broadcast_in_dim3A_40 : vector<16xf32> to vector<16xf32>
      tpu.vector_store %arg11[%swap3A_384], %swap3A_387 {strides = array<i32>} : memref<640xf32, #tpu.memory_space<vmem>>, vector<16xf32>,
      %mul3A_388 = arith.constant 128 : i32
      %mul3A_389 = arith.muli %scan3A_370, %mul3A_388 : i32
      %add3A_390 = arith.constant 32 : i32
      %add3A_391 = arith.addi %mul3A_389, %add3A_390 : i32
      %swap3A_392 = arith.index_cast %add3A_391 : i32 to index
      %swap3A_393 = tpu.vector_load %arg11[%swap3A_392] {strides = array<i32>} : memref<640xf32, #tpu.memory_space<vmem>>, vector<16xf32>,
      %swap3A_394 = vector.shape_cast %swap3A_393 : vector<16xf32> to vector<16xf32>
      %swap3A_395 = vector.shape_cast %broadcast_in_dim3A_40 : vector<16xf32> to vector<16xf32>
      tpu.vector_store %arg11[%swap3A_392], %swap3A_395 {strides = array<i32>} : memref<640xf32, #tpu.memory_space<vmem>>, vector<16xf32>,
      %mul3A_396 = arith.constant 128 : i32
      %mul3A_397 = arith.muli %scan3A_370, %mul3A_396 : i32
      %add3A_398 = arith.constant 48 : i32
      %add3A_399 = arith.addi %mul3A_397, %add3A_398 : i32
      %swap3A_400 = arith.index_cast %add3A_399 : i32 to index
      %swap3A_401 = tpu.vector_load %arg11[%swap3A_400] {strides = array<i32>} : memref<640xf32, #tpu.memory_space<vmem>>, vector<16xf32>,
      %swap3A_402 = vector.shape_cast %swap3A_401 : vector<16xf32> to vector<16xf32>
      %swap3A_403 = vector.shape_cast %broadcast_in_dim3A_40 : vector<16xf32> to vector<16xf32>
      tpu.vector_store %arg11[%swap3A_400], %swap3A_403 {strides = array<i32>} : memref<640xf32, #tpu.memory_space<vmem>>, vector<16xf32>,
      %mul3A_404 = arith.constant 128 : i32
      %mul3A_405 = arith.muli %scan3A_370, %mul3A_404 : i32
      %add3A_406 = arith.constant 64 : i32
      %add3A_407 = arith.addi %mul3A_405, %add3A_406 : i32
      %swap3A_408 = arith.index_cast %add3A_407 : i32 to index
      %swap3A_409 = tpu.vector_load %arg11[%swap3A_408] {strides = array<i32>} : memref<640xf32, #tpu.memory_space<vmem>>, vector<16xf32>,
      %swap3A_410 = vector.shape_cast %swap3A_409 : vector<16xf32> to vector<16xf32>
      %swap3A_411 = vector.shape_cast %broadcast_in_dim3A_40 : vector<16xf32> to vector<16xf32>
      tpu.vector_store %arg11[%swap3A_408], %swap3A_411 {strides = array<i32>} : memref<640xf32, #tpu.memory_space<vmem>>, vector<16xf32>,
      %mul3A_412 = arith.constant 128 : i32
      %mul3A_413 = arith.muli %scan3A_370, %mul3A_412 : i32
      %add3A_414 = arith.constant 80 : i32
      %add3A_415 = arith.addi %mul3A_413, %add3A_414 : i32
      %swap3A_416 = arith.index_cast %add3A_415 : i32 to index
      %swap3A_417 = tpu.vector_load %arg11[%swap3A_416] {strides = array<i32>} : memref<640xf32, #tpu.memory_space<vmem>>, vector<16xf32>,
      %swap3A_418 = vector.shape_cast %swap3A_417 : vector<16xf32> to vector<16xf32>
      %swap3A_419 = vector.shape_cast %broadcast_in_dim3A_40 : vector<16xf32> to vector<16xf32>
      tpu.vector_store %arg11[%swap3A_416], %swap3A_419 {strides = array<i32>} : memref<640xf32, #tpu.memory_space<vmem>>, vector<16xf32>,
      %mul3A_420 = arith.constant 128 : i32
      %mul3A_421 = arith.muli %scan3A_370, %mul3A_420 : i32
      %add3A_422 = arith.constant 96 : i32
      %add3A_423 = arith.addi %mul3A_421, %add3A_422 : i32
      %swap3A_424 = arith.index_cast %add3A_423 : i32 to index
      %swap3A_425 = tpu.vector_load %arg11[%swap3A_424] {strides = array<i32>} : memref<640xf32, #tpu.memory_space<vmem>>, vector<16xf32>,
      %swap3A_426 = vector.shape_cast %swap3A_425 : vector<16xf32> to vector<16xf32>
      %swap3A_427 = vector.shape_cast %broadcast_in_dim3A_40 : vector<16xf32> to vector<16xf32>
      tpu.vector_store %arg11[%swap3A_424], %swap3A_427 {strides = array<i32>} : memref<640xf32, #tpu.memory_space<vmem>>, vector<16xf32>,
      %mul3A_428 = arith.constant 128 : i32
      %mul3A_429 = arith.muli %scan3A_370, %mul3A_428 : i32
      %add3A_430 = arith.constant 112 : i32
      %add3A_431 = arith.addi %mul3A_429, %add3A_430 : i32
      %swap3A_432 = arith.index_cast %add3A_431 : i32 to index
      %swap3A_433 = tpu.vector_load %arg11[%swap3A_432] {strides = array<i32>} : memref<640xf32, #tpu.memory_space<vmem>>, vector<16xf32>,
      %swap3A_434 = vector.shape_cast %swap3A_433 : vector<16xf32> to vector<16xf32>
      %swap3A_435 = vector.shape_cast %broadcast_in_dim3A_40 : vector<16xf32> to vector<16xf32>
      tpu.vector_store %arg11[%swap3A_432], %swap3A_435 {strides = array<i32>} : memref<640xf32, #tpu.memory_space<vmem>>, vector<16xf32>,
      %scan3A_436 = arith.constant 0 : i32
      scf.yield %scan3A_436 : i32
    }
    %scan3A_55 = arith.constant 5 : i32
    %swap3A = arith.constant 0 : index
    %swap3A_56 = tpu.vector_load %arg10[%swap3A] {strides = array<i32>} : memref<80xf32, #tpu.memory_space<vmem>>, vector<16xf32>,
    %swap3A_57 = vector.shape_cast %swap3A_56 : vector<16xf32> to vector<16xf32>
    %swap3A_58 = vector.shape_cast %broadcast_in_dim3A_42 : vector<16xf32> to vector<16xf32>
    tpu.vector_store %arg10[%swap3A], %swap3A_58 {strides = array<i32>} : memref<80xf32, #tpu.memory_space<vmem>>, vector<16xf32>,
    %swap3A_59 = arith.constant 16 : index
    %swap3A_60 = tpu.vector_load %arg10[%swap3A_59] {strides = array<i32>} : memref<80xf32, #tpu.memory_space<vmem>>, vector<16xf32>,
    %swap3A_61 = vector.shape_cast %swap3A_60 : vector<16xf32> to vector<16xf32>
    %swap3A_62 = vector.shape_cast %broadcast_in_dim3A_42 : vector<16xf32> to vector<16xf32>
    tpu.vector_store %arg10[%swap3A_59], %swap3A_62 {strides = array<i32>} : memref<80xf32, #tpu.memory_space<vmem>>, vector<16xf32>,
    %swap3A_63 = arith.constant 32 : index
    %swap3A_64 = tpu.vector_load %arg10[%swap3A_63] {strides = array<i32>} : memref<80xf32, #tpu.memory_space<vmem>>, vector<16xf32>,
    %swap3A_65 = vector.shape_cast %swap3A_64 : vector<16xf32> to vector<16xf32>
    %swap3A_66 = vector.shape_cast %broadcast_in_dim3A_42 : vector<16xf32> to vector<16xf32>
    tpu.vector_store %arg10[%swap3A_63], %swap3A_66 {strides = array<i32>} : memref<80xf32, #tpu.memory_space<vmem>>, vector<16xf32>,
    %swap3A_67 = arith.constant 48 : index
    %swap3A_68 = tpu.vector_load %arg10[%swap3A_67] {strides = array<i32>} : memref<80xf32, #tpu.memory_space<vmem>>, vector<16xf32>,
    %swap3A_69 = vector.shape_cast %swap3A_68 : vector<16xf32> to vector<16xf32>
    %swap3A_70 = vector.shape_cast %broadcast_in_dim3A_42 : vector<16xf32> to vector<16xf32>
    tpu.vector_store %arg10[%swap3A_67], %swap3A_70 {strides = array<i32>} : memref<80xf32, #tpu.memory_space<vmem>>, vector<16xf32>,
    %swap3A_71 = arith.constant 64 : index
    %swap3A_72 = tpu.vector_load %arg10[%swap3A_71] {strides = array<i32>} : memref<80xf32, #tpu.memory_space<vmem>>, vector<16xf32>,
    %swap3A_73 = vector.shape_cast %swap3A_72 : vector<16xf32> to vector<16xf32>
    %swap3A_74 = vector.shape_cast %broadcast_in_dim3A_42 : vector<16xf32> to vector<16xf32>
    tpu.vector_store %arg10[%swap3A_71], %swap3A_74 {strides = array<i32>} : memref<80xf32, #tpu.memory_space<vmem>>, vector<16xf32>,
    %add3A_75 = arith.constant 0 : i32
    %add3A_76 = arith.addi %mul3A_2, %add3A_75 : i32
    %dma_start3A_77 = arith.constant 0 : i32
    %dma_start3A_78 = tpu.memref_slice %arg12[%add3A_76, %dma_start3A_77] : memref<10240x128xf32, #tpu.memory_space<vmem_shared>> -> memref<80x128xf32, #tpu.memory_space<vmem_shared>>
    %dma_start3A_79 = arith.constant 0 : i32
    %dma_start3A_80 = tpu.memref_slice %arg12[%add3A_76, %dma_start3A_79] : memref<10240x128xf32, #tpu.memory_space<vmem_shared>> -> memref<80x128xf32, #tpu.memory_space<vmem_shared>>
    tpu.enqueue_dma source(%arg8 : memref<80x128xf32, #tpu.memory_space<vmem>>) target(%dma_start3A_80 : memref<80x128xf32, #tpu.memory_space<vmem_shared>>) target_semaphore(%arg16 : memref<!tpu.dma_semaphore, #tpu.memory_space<semaphore_mem>>)
    %add3A_81 = arith.constant 80 : i32
    %add3A_82 = arith.addi %mul3A_2, %add3A_81 : i32
    %dma_start3A_83 = arith.constant 0 : i32
    %dma_start3A_84 = tpu.memref_slice %arg12[%add3A_82, %dma_start3A_83] : memref<10240x128xf32, #tpu.memory_space<vmem_shared>> -> memref<80x128xf32, #tpu.memory_space<vmem_shared>>
    %dma_start3A_85 = arith.constant 0 : i32
    %dma_start3A_86 = tpu.memref_slice %arg12[%add3A_82, %dma_start3A_85] : memref<10240x128xf32, #tpu.memory_space<vmem_shared>> -> memref<80x128xf32, #tpu.memory_space<vmem_shared>>
    tpu.enqueue_dma source(%arg8 : memref<80x128xf32, #tpu.memory_space<vmem>>) target(%dma_start3A_86 : memref<80x128xf32, #tpu.memory_space<vmem_shared>>) target_semaphore(%arg16 : memref<!tpu.dma_semaphore, #tpu.memory_space<semaphore_mem>>)
    %add3A_87 = arith.constant 160 : i32
    %add3A_88 = arith.addi %mul3A_2, %add3A_87 : i32
    %dma_start3A_89 = arith.constant 0 : i32
    %dma_start3A_90 = tpu.memref_slice %arg12[%add3A_88, %dma_start3A_89] : memref<10240x128xf32, #tpu.memory_space<vmem_shared>> -> memref<80x128xf32, #tpu.memory_space<vmem_shared>>
    %dma_start3A_91 = arith.constant 0 : i32
    %dma_start3A_92 = tpu.memref_slice %arg12[%add3A_88, %dma_start3A_91] : memref<10240x128xf32, #tpu.memory_space<vmem_shared>> -> memref<80x128xf32, #tpu.memory_space<vmem_shared>>
    tpu.enqueue_dma source(%arg8 : memref<80x128xf32, #tpu.memory_space<vmem>>) target(%dma_start3A_92 : memref<80x128xf32, #tpu.memory_space<vmem_shared>>) target_semaphore(%arg16 : memref<!tpu.dma_semaphore, #tpu.memory_space<semaphore_mem>>)
    %add3A_93 = arith.constant 240 : i32
    %add3A_94 = arith.addi %mul3A_2, %add3A_93 : i32
    %dma_start3A_95 = arith.constant 0 : i32
    %dma_start3A_96 = tpu.memref_slice %arg12[%add3A_94, %dma_start3A_95] : memref<10240x128xf32, #tpu.memory_space<vmem_shared>> -> memref<80x128xf32, #tpu.memory_space<vmem_shared>>
    %dma_start3A_97 = arith.constant 0 : i32
    %dma_start3A_98 = tpu.memref_slice %arg12[%add3A_94, %dma_start3A_97] : memref<10240x128xf32, #tpu.memory_space<vmem_shared>> -> memref<80x128xf32, #tpu.memory_space<vmem_shared>>
    tpu.enqueue_dma source(%arg8 : memref<80x128xf32, #tpu.memory_space<vmem>>) target(%dma_start3A_98 : memref<80x128xf32, #tpu.memory_space<vmem_shared>>) target_semaphore(%arg16 : memref<!tpu.dma_semaphore, #tpu.memory_space<semaphore_mem>>)
    %add3A_99 = arith.constant 320 : i32
    %add3A_100 = arith.addi %mul3A_2, %add3A_99 : i32
    %dma_start3A_101 = arith.constant 0 : i32
    %dma_start3A_102 = tpu.memref_slice %arg12[%add3A_100, %dma_start3A_101] : memref<10240x128xf32, #tpu.memory_space<vmem_shared>> -> memref<80x128xf32, #tpu.memory_space<vmem_shared>>
    %dma_start3A_103 = arith.constant 0 : i32
    %dma_start3A_104 = tpu.memref_slice %arg12[%add3A_100, %dma_start3A_103] : memref<10240x128xf32, #tpu.memory_space<vmem_shared>> -> memref<80x128xf32, #tpu.memory_space<vmem_shared>>
    tpu.enqueue_dma source(%arg8 : memref<80x128xf32, #tpu.memory_space<vmem>>) target(%dma_start3A_104 : memref<80x128xf32, #tpu.memory_space<vmem_shared>>) target_semaphore(%arg16 : memref<!tpu.dma_semaphore, #tpu.memory_space<semaphore_mem>>)
    %add3A_105 = arith.constant 400 : i32
    %add3A_106 = arith.addi %mul3A_2, %add3A_105 : i32
    %dma_start3A_107 = arith.constant 0 : i32
    %dma_start3A_108 = tpu.memref_slice %arg12[%add3A_106, %dma_start3A_107] : memref<10240x128xf32, #tpu.memory_space<vmem_shared>> -> memref<80x128xf32, #tpu.memory_space<vmem_shared>>
    %dma_start3A_109 = arith.constant 0 : i32
    %dma_start3A_110 = tpu.memref_slice %arg12[%add3A_106, %dma_start3A_109] : memref<10240x128xf32, #tpu.memory_space<vmem_shared>> -> memref<80x128xf32, #tpu.memory_space<vmem_shared>>
    tpu.enqueue_dma source(%arg8 : memref<80x128xf32, #tpu.memory_space<vmem>>) target(%dma_start3A_110 : memref<80x128xf32, #tpu.memory_space<vmem_shared>>) target_semaphore(%arg16 : memref<!tpu.dma_semaphore, #tpu.memory_space<semaphore_mem>>)
    %add3A_111 = arith.constant 480 : i32
    %add3A_112 = arith.addi %mul3A_2, %add3A_111 : i32
    %dma_start3A_113 = arith.constant 0 : i32
    %dma_start3A_114 = tpu.memref_slice %arg12[%add3A_112, %dma_start3A_113] : memref<10240x128xf32, #tpu.memory_space<vmem_shared>> -> memref<80x128xf32, #tpu.memory_space<vmem_shared>>
    %dma_start3A_115 = arith.constant 0 : i32
    %dma_start3A_116 = tpu.memref_slice %arg12[%add3A_112, %dma_start3A_115] : memref<10240x128xf32, #tpu.memory_space<vmem_shared>> -> memref<80x128xf32, #tpu.memory_space<vmem_shared>>
    tpu.enqueue_dma source(%arg8 : memref<80x128xf32, #tpu.memory_space<vmem>>) target(%dma_start3A_116 : memref<80x128xf32, #tpu.memory_space<vmem_shared>>) target_semaphore(%arg16 : memref<!tpu.dma_semaphore, #tpu.memory_space<semaphore_mem>>)
    %add3A_117 = arith.constant 560 : i32
    %add3A_118 = arith.addi %mul3A_2, %add3A_117 : i32
    %dma_start3A_119 = arith.constant 0 : i32
    %dma_start3A_120 = tpu.memref_slice %arg12[%add3A_118, %dma_start3A_119] : memref<10240x128xf32, #tpu.memory_space<vmem_shared>> -> memref<80x128xf32, #tpu.memory_space<vmem_shared>>
    %dma_start3A_121 = arith.constant 0 : i32
    %dma_start3A_122 = tpu.memref_slice %arg12[%add3A_118, %dma_start3A_121] : memref<10240x128xf32, #tpu.memory_space<vmem_shared>> -> memref<80x128xf32, #tpu.memory_space<vmem_shared>>
    tpu.enqueue_dma source(%arg8 : memref<80x128xf32, #tpu.memory_space<vmem>>) target(%dma_start3A_122 : memref<80x128xf32, #tpu.memory_space<vmem_shared>>) target_semaphore(%arg16 : memref<!tpu.dma_semaphore, #tpu.memory_space<semaphore_mem>>)
    %dma_start3A_123 = tpu.memref_slice %arg13[%mul3A_2] : memref<10240xf32, #tpu.memory_space<vmem_shared>> -> memref<640xf32, #tpu.memory_space<vmem_shared>>
    %dma_start3A_124 = tpu.memref_slice %arg13[%mul3A_2] : memref<10240xf32, #tpu.memory_space<vmem_shared>> -> memref<640xf32, #tpu.memory_space<vmem_shared>>
    tpu.enqueue_dma source(%arg11 : memref<640xf32, #tpu.memory_space<vmem>>) target(%dma_start3A_124 : memref<640xf32, #tpu.memory_space<vmem_shared>>) target_semaphore(%arg17 : memref<!tpu.dma_semaphore, #tpu.memory_space<semaphore_mem>>)
    %dma_wait3A = arith.constant 0 : i32
    %dma_wait3A_125 = tpu.memref_slice %arg12[%mul3A_2, %dma_wait3A] : memref<10240x128xf32, #tpu.memory_space<vmem_shared>> -> memref<80x128xf32, #tpu.memory_space<vmem_shared>>
    %dma_wait3A_126 = arith.constant 0 : i32
    %dma_wait3A_127 = tpu.memref_slice %arg12[%mul3A_2, %dma_wait3A_126] : memref<10240x128xf32, #tpu.memory_space<vmem_shared>> -> memref<80x128xf32, #tpu.memory_space<vmem_shared>>
    tpu.wait_dma2 semaphore(%arg16 : memref<!tpu.dma_semaphore, #tpu.memory_space<semaphore_mem>>) src(%arg8 : memref<80x128xf32, #tpu.memory_space<vmem>>) dst(%dma_wait3A_127 : memref<80x128xf32, #tpu.memory_space<vmem_shared>>)
    %dma_wait3A_128 = arith.constant 0 : i32
    %dma_wait3A_129 = tpu.memref_slice %arg12[%mul3A_2, %dma_wait3A_128] : memref<10240x128xf32, #tpu.memory_space<vmem_shared>> -> memref<80x128xf32, #tpu.memory_space<vmem_shared>>
    %dma_wait3A_130 = arith.constant 0 : i32
    %dma_wait3A_131 = tpu.memref_slice %arg12[%mul3A_2, %dma_wait3A_130] : memref<10240x128xf32, #tpu.memory_space<vmem_shared>> -> memref<80x128xf32, #tpu.memory_space<vmem_shared>>
    tpu.wait_dma2 semaphore(%arg16 : memref<!tpu.dma_semaphore, #tpu.memory_space<semaphore_mem>>) src(%arg8 : memref<80x128xf32, #tpu.memory_space<vmem>>) dst(%dma_wait3A_131 : memref<80x128xf32, #tpu.memory_space<vmem_shared>>)
    %dma_wait3A_132 = arith.constant 0 : i32
    %dma_wait3A_133 = tpu.memref_slice %arg12[%mul3A_2, %dma_wait3A_132] : memref<10240x128xf32, #tpu.memory_space<vmem_shared>> -> memref<80x128xf32, #tpu.memory_space<vmem_shared>>
    %dma_wait3A_134 = arith.constant 0 : i32
    %dma_wait3A_135 = tpu.memref_slice %arg12[%mul3A_2, %dma_wait3A_134] : memref<10240x128xf32, #tpu.memory_space<vmem_shared>> -> memref<80x128xf32, #tpu.memory_space<vmem_shared>>
    tpu.wait_dma2 semaphore(%arg16 : memref<!tpu.dma_semaphore, #tpu.memory_space<semaphore_mem>>) src(%arg8 : memref<80x128xf32, #tpu.memory_space<vmem>>) dst(%dma_wait3A_135 : memref<80x128xf32, #tpu.memory_space<vmem_shared>>)
    %dma_wait3A_136 = arith.constant 0 : i32
    %dma_wait3A_137 = tpu.memref_slice %arg12[%mul3A_2, %dma_wait3A_136] : memref<10240x128xf32, #tpu.memory_space<vmem_shared>> -> memref<80x128xf32, #tpu.memory_space<vmem_shared>>
    %dma_wait3A_138 = arith.constant 0 : i32
    %dma_wait3A_139 = tpu.memref_slice %arg12[%mul3A_2, %dma_wait3A_138] : memref<10240x128xf32, #tpu.memory_space<vmem_shared>> -> memref<80x128xf32, #tpu.memory_space<vmem_shared>>
    tpu.wait_dma2 semaphore(%arg16 : memref<!tpu.dma_semaphore, #tpu.memory_space<semaphore_mem>>) src(%arg8 : memref<80x128xf32, #tpu.memory_space<vmem>>) dst(%dma_wait3A_139 : memref<80x128xf32, #tpu.memory_space<vmem_shared>>)
    %dma_wait3A_140 = arith.constant 0 : i32
    %dma_wait3A_141 = tpu.memref_slice %arg12[%mul3A_2, %dma_wait3A_140] : memref<10240x128xf32, #tpu.memory_space<vmem_shared>> -> memref<80x128xf32, #tpu.memory_space<vmem_shared>>
    %dma_wait3A_142 = arith.constant 0 : i32
    %dma_wait3A_143 = tpu.memref_slice %arg12[%mul3A_2, %dma_wait3A_142] : memref<10240x128xf32, #tpu.memory_space<vmem_shared>> -> memref<80x128xf32, #tpu.memory_space<vmem_shared>>
    tpu.wait_dma2 semaphore(%arg16 : memref<!tpu.dma_semaphore, #tpu.memory_space<semaphore_mem>>) src(%arg8 : memref<80x128xf32, #tpu.memory_space<vmem>>) dst(%dma_wait3A_143 : memref<80x128xf32, #tpu.memory_space<vmem_shared>>)
    %dma_wait3A_144 = arith.constant 0 : i32
    %dma_wait3A_145 = tpu.memref_slice %arg12[%mul3A_2, %dma_wait3A_144] : memref<10240x128xf32, #tpu.memory_space<vmem_shared>> -> memref<80x128xf32, #tpu.memory_space<vmem_shared>>
    %dma_wait3A_146 = arith.constant 0 : i32
    %dma_wait3A_147 = tpu.memref_slice %arg12[%mul3A_2, %dma_wait3A_146] : memref<10240x128xf32, #tpu.memory_space<vmem_shared>> -> memref<80x128xf32, #tpu.memory_space<vmem_shared>>
    tpu.wait_dma2 semaphore(%arg16 : memref<!tpu.dma_semaphore, #tpu.memory_space<semaphore_mem>>) src(%arg8 : memref<80x128xf32, #tpu.memory_space<vmem>>) dst(%dma_wait3A_147 : memref<80x128xf32, #tpu.memory_space<vmem_shared>>)
    %dma_wait3A_148 = arith.constant 0 : i32
    %dma_wait3A_149 = tpu.memref_slice %arg12[%mul3A_2, %dma_wait3A_148] : memref<10240x128xf32, #tpu.memory_space<vmem_shared>> -> memref<80x128xf32, #tpu.memory_space<vmem_shared>>
    %dma_wait3A_150 = arith.constant 0 : i32
    %dma_wait3A_151 = tpu.memref_slice %arg12[%mul3A_2, %dma_wait3A_150] : memref<10240x128xf32, #tpu.memory_space<vmem_shared>> -> memref<80x128xf32, #tpu.memory_space<vmem_shared>>
    tpu.wait_dma2 semaphore(%arg16 : memref<!tpu.dma_semaphore, #tpu.memory_space<semaphore_mem>>) src(%arg8 : memref<80x128xf32, #tpu.memory_space<vmem>>) dst(%dma_wait3A_151 : memref<80x128xf32, #tpu.memory_space<vmem_shared>>)
    %dma_wait3A_152 = arith.constant 0 : i32
    %dma_wait3A_153 = tpu.memref_slice %arg12[%mul3A_2, %dma_wait3A_152] : memref<10240x128xf32, #tpu.memory_space<vmem_shared>> -> memref<80x128xf32, #tpu.memory_space<vmem_shared>>
    %dma_wait3A_154 = arith.constant 0 : i32
    %dma_wait3A_155 = tpu.memref_slice %arg12[%mul3A_2, %dma_wait3A_154] : memref<10240x128xf32, #tpu.memory_space<vmem_shared>> -> memref<80x128xf32, #tpu.memory_space<vmem_shared>>
    tpu.wait_dma2 semaphore(%arg16 : memref<!tpu.dma_semaphore, #tpu.memory_space<semaphore_mem>>) src(%arg8 : memref<80x128xf32, #tpu.memory_space<vmem>>) dst(%dma_wait3A_155 : memref<80x128xf32, #tpu.memory_space<vmem_shared>>)
    %dma_wait3A_156 = tpu.memref_slice %arg13[%mul3A_2] : memref<10240xf32, #tpu.memory_space<vmem_shared>> -> memref<640xf32, #tpu.memory_space<vmem_shared>>
    %dma_wait3A_157 = tpu.memref_slice %arg13[%mul3A_2] : memref<10240xf32, #tpu.memory_space<vmem_shared>> -> memref<640xf32, #tpu.memory_space<vmem_shared>>
    tpu.wait_dma2 semaphore(%arg17 : memref<!tpu.dma_semaphore, #tpu.memory_space<semaphore_mem>>) src(%arg11 : memref<640xf32, #tpu.memory_space<vmem>>) dst(%dma_wait3A_157 : memref<640xf32, #tpu.memory_space<vmem_shared>>)
    %barrier3A = arith.constant 0 : index
    tpu.barrier barrier_id(%barrier3A)
    %scan3A_158 = arith.constant 0 : i32
    %scan3A_159 = arith.constant 0 : i32
    %scan3A_160 = arith.constant 5 : i32
    %scan3A_161 = arith.addi %scan3A_159, %scan3A_160 : i32
    %scan3A_162 = arith.constant 1 : i32
    %scan3A_163 = scf.for %scan3A_370 = %scan3A_159 to %scan3A_161 step %scan3A_162 iter_args(%scan3A_371 = %scan3A_158) -> (i32)  : i32 {
      %jit3A = arith.constant 2 : i32
      %eq3A = arith.constant 0 : i32
      %eq3A_372 = arith.cmpi eq, %jit3A, %eq3A : i32
      %jit3A_373 = arith.constant 1 : i32
      %select_n3A = arith.select %eq3A_372, %jit3A_373, %jit3A : i32
      %rem3A = arith.remsi %scan3A_370, %select_n3A : i32
      %ne3A = arith.constant 0 : i32
      %ne3A_374 = arith.cmpi ne, %rem3A, %ne3A : i32
      %lt3A = arith.constant 0 : i32
      %lt3A_375 = arith.cmpi slt, %rem3A, %lt3A : i32
      %lt3A_376 = arith.constant 0 : i32
      %lt3A_377 = arith.cmpi slt, %select_n3A, %lt3A_376 : i32
      %ne3A_378 = arith.xori %lt3A_375, %lt3A_377 : i1
      %and3A = arith.andi %ne3A_378, %ne3A_374 : i1
      %add3A_379 = arith.addi %rem3A, %select_n3A : i32
      %select_n3A_380 = arith.select %and3A, %add3A_379, %rem3A : i32
      %jit3A_381 = arith.constant 2 : i32
      %eq3A_382 = arith.constant 0 : i32
      %eq3A_383 = arith.cmpi eq, %jit3A_381, %eq3A_382 : i32
      %jit3A_384 = arith.constant 1 : i32
      %select_n3A_385 = arith.select %eq3A_383, %jit3A_384, %jit3A_381 : i32
      %rem3A_386 = arith.remsi %scan3A_370, %select_n3A_385 : i32
      %ne3A_387 = arith.constant 0 : i32
      %ne3A_388 = arith.cmpi ne, %rem3A_386, %ne3A_387 : i32
      %lt3A_389 = arith.constant 0 : i32
      %lt3A_390 = arith.cmpi slt, %rem3A_386, %lt3A_389 : i32
      %lt3A_391 = arith.constant 0 : i32
      %lt3A_392 = arith.cmpi slt, %select_n3A_385, %lt3A_391 : i32
      %ne3A_393 = arith.xori %lt3A_390, %lt3A_392 : i1
      %and3A_394 = arith.andi %ne3A_393, %ne3A_388 : i1
      %add3A_395 = arith.addi %rem3A_386, %select_n3A_385 : i32
      %select_n3A_396 = arith.select %and3A_394, %add3A_395, %rem3A_386 : i32
      %dma_wait3A_397 = arith.constant 0 : i32
      %dma_wait3A_398 = arith.constant 0 : i32
      %dma_wait3A_399 = arith.constant 0 : i32
      %dma_wait3A_400 = arith.constant 0 : i32
      %dma_wait3A_401 = tpu.memref_slice %arg6[%select_n3A_396, %dma_wait3A_399, %dma_wait3A_400] : memref<2x25x80xi32, #tpu.memory_space<vmem>> -> memref<1x25x80xi32, #tpu.memory_space<vmem>>
      %dma_wait3A_402 = tpu.memref_squeeze %dma_wait3A_401 : memref<1x25x80xi32, #tpu.memory_space<vmem>> -> memref<25x80xi32, #tpu.memory_space<vmem>>
      %dma_wait3A_403 = arith.constant 0 : i32
      %dma_wait3A_404 = arith.constant 0 : i32
      %dma_wait3A_405 = tpu.memref_slice %arg3[%dma_wait3A_397, %add3A, %dma_wait3A_398, %dma_wait3A_403, %dma_wait3A_404] : memref<2x32x5x25x80xi32, #tpu.memory_space<hbm>> -> memref<1x1x1x25x80xi32, #tpu.memory_space<hbm>>
      %dma_wait3A_406 = tpu.memref_squeeze %dma_wait3A_405 : memref<1x1x1x25x80xi32, #tpu.memory_space<hbm>> -> memref<25x80xi32, #tpu.memory_space<hbm>>
      %dma_wait3A_407 = arith.constant 0 : i32
      %dma_wait3A_408 = arith.constant 0 : i32
      %dma_wait3A_409 = tpu.memref_slice %arg6[%select_n3A_396, %dma_wait3A_407, %dma_wait3A_408] : memref<2x25x80xi32, #tpu.memory_space<vmem>> -> memref<1x25x80xi32, #tpu.memory_space<vmem>>
      %dma_wait3A_410 = tpu.memref_squeeze %dma_wait3A_409 : memref<1x25x80xi32, #tpu.memory_space<vmem>> -> memref<25x80xi32, #tpu.memory_space<vmem>>
      %dma_wait3A_411 = arith.constant 0 : i32
      %dma_wait3A_412 = arith.constant 0 : i32
      %dma_wait3A_413 = tpu.memref_slice %arg3[%dma_wait3A_397, %add3A, %dma_wait3A_398, %dma_wait3A_411, %dma_wait3A_412] : memref<2x32x5x25x80xi32, #tpu.memory_space<hbm>> -> memref<1x1x1x25x80xi32, #tpu.memory_space<hbm>>
      %dma_wait3A_414 = tpu.memref_squeeze %dma_wait3A_413 : memref<1x1x1x25x80xi32, #tpu.memory_space<hbm>> -> memref<25x80xi32, #tpu.memory_space<hbm>>
      tpu.wait_dma2 semaphore(%arg19 : memref<!tpu.dma_semaphore, #tpu.memory_space<semaphore_mem>>) src(%dma_wait3A_414 : memref<25x80xi32, #tpu.memory_space<hbm>>) dst(%dma_wait3A_410 : memref<25x80xi32, #tpu.memory_space<vmem>>)
      %dma_wait3A_415 = arith.constant 1 : i32
      %dma_wait3A_416 = arith.constant 0 : i32
      %dma_wait3A_417 = arith.constant 0 : i32
      %dma_wait3A_418 = arith.constant 0 : i32
      %dma_wait3A_419 = tpu.memref_slice %arg7[%select_n3A_396, %dma_wait3A_417, %dma_wait3A_418] : memref<2x25x80xi32, #tpu.memory_space<vmem>> -> memref<1x25x80xi32, #tpu.memory_space<vmem>>
      %dma_wait3A_420 = tpu.memref_squeeze %dma_wait3A_419 : memref<1x25x80xi32, #tpu.memory_space<vmem>> -> memref<25x80xi32, #tpu.memory_space<vmem>>
      %dma_wait3A_421 = arith.constant 0 : i32
      %dma_wait3A_422 = arith.constant 0 : i32
      %dma_wait3A_423 = tpu.memref_slice %arg3[%dma_wait3A_415, %add3A, %dma_wait3A_416, %dma_wait3A_421, %dma_wait3A_422] : memref<2x32x5x25x80xi32, #tpu.memory_space<hbm>> -> memref<1x1x1x25x80xi32, #tpu.memory_space<hbm>>
      %dma_wait3A_424 = tpu.memref_squeeze %dma_wait3A_423 : memref<1x1x1x25x80xi32, #tpu.memory_space<hbm>> -> memref<25x80xi32, #tpu.memory_space<hbm>>
      %dma_wait3A_425 = arith.constant 0 : i32
      %dma_wait3A_426 = arith.constant 0 : i32
      %dma_wait3A_427 = tpu.memref_slice %arg7[%select_n3A_396, %dma_wait3A_425, %dma_wait3A_426] : memref<2x25x80xi32, #tpu.memory_space<vmem>> -> memref<1x25x80xi32, #tpu.memory_space<vmem>>
      %dma_wait3A_428 = tpu.memref_squeeze %dma_wait3A_427 : memref<1x25x80xi32, #tpu.memory_space<vmem>> -> memref<25x80xi32, #tpu.memory_space<vmem>>
      %dma_wait3A_429 = arith.constant 0 : i32
      %dma_wait3A_430 = arith.constant 0 : i32
      %dma_wait3A_431 = tpu.memref_slice %arg3[%dma_wait3A_415, %add3A, %dma_wait3A_416, %dma_wait3A_429, %dma_wait3A_430] : memref<2x32x5x25x80xi32, #tpu.memory_space<hbm>> -> memref<1x1x1x25x80xi32, #tpu.memory_space<hbm>>
      %dma_wait3A_432 = tpu.memref_squeeze %dma_wait3A_431 : memref<1x1x1x25x80xi32, #tpu.memory_space<hbm>> -> memref<25x80xi32, #tpu.memory_space<hbm>>
      tpu.wait_dma2 semaphore(%arg19 : memref<!tpu.dma_semaphore, #tpu.memory_space<semaphore_mem>>) src(%dma_wait3A_432 : memref<25x80xi32, #tpu.memory_space<hbm>>) dst(%dma_wait3A_428 : memref<25x80xi32, #tpu.memory_space<vmem>>)
      %add3A_433 = arith.constant 1 : i32
      %add3A_434 = arith.addi %scan3A_370, %add3A_433 : i32
      %lt3A_435 = arith.constant 5 : i32
      %lt3A_436 = arith.cmpi slt, %add3A_434, %lt3A_435 : i32
      %convert_element_type3A = arith.extui %lt3A_436 : i1 to i32
      %cond3A = arith.constant 0 : i32
      %cond3A_437 = arith.cmpi ne, %convert_element_type3A, %cond3A : i32
      scf.if %cond3A_437 {
        %add3A_489 = arith.constant 1 : i32
        %add3A_490 = arith.addi %scan3A_370, %add3A_489 : i32
        %jit3A_491 = arith.constant 2 : i32
        %eq3A_492 = arith.constant 0 : i32
        %eq3A_493 = arith.cmpi eq, %jit3A_491, %eq3A_492 : i32
        %jit3A_494 = arith.constant 1 : i32
        %select_n3A_495 = arith.select %eq3A_493, %jit3A_494, %jit3A_491 : i32
        %rem3A_496 = arith.remsi %add3A_490, %select_n3A_495 : i32
        %ne3A_497 = arith.constant 0 : i32
        %ne3A_498 = arith.cmpi ne, %rem3A_496, %ne3A_497 : i32
        %lt3A_499 = arith.constant 0 : i32
        %lt3A_500 = arith.cmpi slt, %rem3A_496, %lt3A_499 : i32
        %lt3A_501 = arith.constant 0 : i32
        %lt3A_502 = arith.cmpi slt, %select_n3A_495, %lt3A_501 : i32
        %ne3A_503 = arith.xori %lt3A_500, %lt3A_502 : i1
        %and3A_504 = arith.andi %ne3A_503, %ne3A_498 : i1
        %add3A_505 = arith.addi %rem3A_496, %select_n3A_495 : i32
        %select_n3A_506 = arith.select %and3A_504, %add3A_505, %rem3A_496 : i32
        %dma_start3A_507 = arith.constant 0 : i32
        %dma_start3A_508 = arith.constant 0 : i32
        %dma_start3A_509 = arith.constant 0 : i32
        %dma_start3A_510 = tpu.memref_slice %arg6[%select_n3A_506, %dma_start3A_508, %dma_start3A_509] : memref<2x25x80xi32, #tpu.memory_space<vmem>> -> memref<1x25x80xi32, #tpu.memory_space<vmem>>
        %dma_start3A_511 = tpu.memref_squeeze %dma_start3A_510 : memref<1x25x80xi32, #tpu.memory_space<vmem>> -> memref<25x80xi32, #tpu.memory_space<vmem>>
        %dma_start3A_512 = arith.constant 0 : i32
        %dma_start3A_513 = arith.constant 0 : i32
        %dma_start3A_514 = tpu.memref_slice %arg3[%dma_start3A_507, %add3A, %add3A_490, %dma_start3A_512, %dma_start3A_513] : memref<2x32x5x25x80xi32, #tpu.memory_space<hbm>> -> memref<1x1x1x25x80xi32, #tpu.memory_space<hbm>>
        %dma_start3A_515 = tpu.memref_squeeze %dma_start3A_514 : memref<1x1x1x25x80xi32, #tpu.memory_space<hbm>> -> memref<25x80xi32, #tpu.memory_space<hbm>>
        %dma_start3A_516 = arith.constant 0 : i32
        %dma_start3A_517 = arith.constant 0 : i32
        %dma_start3A_518 = tpu.memref_slice %arg6[%select_n3A_506, %dma_start3A_516, %dma_start3A_517] : memref<2x25x80xi32, #tpu.memory_space<vmem>> -> memref<1x25x80xi32, #tpu.memory_space<vmem>>
        %dma_start3A_519 = tpu.memref_squeeze %dma_start3A_518 : memref<1x25x80xi32, #tpu.memory_space<vmem>> -> memref<25x80xi32, #tpu.memory_space<vmem>>
        %dma_start3A_520 = arith.constant 0 : i32
        %dma_start3A_521 = arith.constant 0 : i32
        %dma_start3A_522 = tpu.memref_slice %arg3[%dma_start3A_507, %add3A, %add3A_490, %dma_start3A_520, %dma_start3A_521] : memref<2x32x5x25x80xi32, #tpu.memory_space<hbm>> -> memref<1x1x1x25x80xi32, #tpu.memory_space<hbm>>
        %dma_start3A_523 = tpu.memref_squeeze %dma_start3A_522 : memref<1x1x1x25x80xi32, #tpu.memory_space<hbm>> -> memref<25x80xi32, #tpu.memory_space<hbm>>
        tpu.enqueue_dma source(%dma_start3A_523 : memref<25x80xi32, #tpu.memory_space<hbm>>) target(%dma_start3A_519 : memref<25x80xi32, #tpu.memory_space<vmem>>) target_semaphore(%arg19 : memref<!tpu.dma_semaphore, #tpu.memory_space<semaphore_mem>>)
        %dma_start3A_524 = arith.constant 1 : i32
        %dma_start3A_525 = arith.constant 0 : i32
        %dma_start3A_526 = arith.constant 0 : i32
        %dma_start3A_527 = tpu.memref_slice %arg7[%select_n3A_506, %dma_start3A_525, %dma_start3A_526] : memref<2x25x80xi32, #tpu.memory_space<vmem>> -> memref<1x25x80xi32, #tpu.memory_space<vmem>>
        %dma_start3A_528 = tpu.memref_squeeze %dma_start3A_527 : memref<1x25x80xi32, #tpu.memory_space<vmem>> -> memref<25x80xi32, #tpu.memory_space<vmem>>
        %dma_start3A_529 = arith.constant 0 : i32
        %dma_start3A_530 = arith.constant 0 : i32
        %dma_start3A_531 = tpu.memref_slice %arg3[%dma_start3A_524, %add3A, %add3A_490, %dma_start3A_529, %dma_start3A_530] : memref<2x32x5x25x80xi32, #tpu.memory_space<hbm>> -> memref<1x1x1x25x80xi32, #tpu.memory_space<hbm>>
        %dma_start3A_532 = tpu.memref_squeeze %dma_start3A_531 : memref<1x1x1x25x80xi32, #tpu.memory_space<hbm>> -> memref<25x80xi32, #tpu.memory_space<hbm>>
        %dma_start3A_533 = arith.constant 0 : i32
        %dma_start3A_534 = arith.constant 0 : i32
        %dma_start3A_535 = tpu.memref_slice %arg7[%select_n3A_506, %dma_start3A_533, %dma_start3A_534] : memref<2x25x80xi32, #tpu.memory_space<vmem>> -> memref<1x25x80xi32, #tpu.memory_space<vmem>>
        %dma_start3A_536 = tpu.memref_squeeze %dma_start3A_535 : memref<1x25x80xi32, #tpu.memory_space<vmem>> -> memref<25x80xi32, #tpu.memory_space<vmem>>
        %dma_start3A_537 = arith.constant 0 : i32
        %dma_start3A_538 = arith.constant 0 : i32
        %dma_start3A_539 = tpu.memref_slice %arg3[%dma_start3A_524, %add3A, %add3A_490, %dma_start3A_537, %dma_start3A_538] : memref<2x32x5x25x80xi32, #tpu.memory_space<hbm>> -> memref<1x1x1x25x80xi32, #tpu.memory_space<hbm>>
        %dma_start3A_540 = tpu.memref_squeeze %dma_start3A_539 : memref<1x1x1x25x80xi32, #tpu.memory_space<hbm>> -> memref<25x80xi32, #tpu.memory_space<hbm>>
        tpu.enqueue_dma source(%dma_start3A_540 : memref<25x80xi32, #tpu.memory_space<hbm>>) target(%dma_start3A_536 : memref<25x80xi32, #tpu.memory_space<vmem>>) target_semaphore(%arg19 : memref<!tpu.dma_semaphore, #tpu.memory_space<semaphore_mem>>)
      } else {
      }
      %dma_start3A_438 = arith.constant 0 : i32
      %dma_start3A_439 = arith.constant 0 : i32
      %dma_start3A_440 = tpu.memref_slice %arg6[%select_n3A_380, %dma_start3A_438, %dma_start3A_439] : memref<2x25x80xi32, #tpu.memory_space<vmem>> -> memref<1x1x80xi32, #tpu.memory_space<vmem>>
      %dma_start3A_441 = tpu.memref_squeeze %dma_start3A_440 : memref<1x1x80xi32, #tpu.memory_space<vmem>> -> memref<80xi32, #tpu.memory_space<vmem>>
      %dma_start3A_442 = arith.constant 0 : i32
      %dma_start3A_443 = arith.constant 0 : i32
      %dma_start3A_444 = tpu.memref_slice %arg2[%dma_start3A_442, %dma_start3A_443] : memref<10000x128xf32, #tpu.memory_space<hbm>> -> memref<10000x128xf32, #tpu.memory_space<hbm>>
      tpu.enqueue_indirect_dma source(%dma_start3A_444 : memref<10000x128xf32, #tpu.memory_space<hbm>>) target(%arg8 : memref<80x128xf32, #tpu.memory_space<vmem>>) offsets(%dma_start3A_441 : memref<80xi32, #tpu.memory_space<vmem>>) semaphore(%arg14 : memref<!tpu.dma_semaphore, #tpu.memory_space<semaphore_mem>>)
      %dma_start3A_445 = arith.constant 1 : i32
      %dma_start3A_446 = arith.constant 0 : i32
      %dma_start3A_447 = tpu.memref_slice %arg6[%select_n3A_380, %dma_start3A_445, %dma_start3A_446] : memref<2x25x80xi32, #tpu.memory_space<vmem>> -> memref<1x1x80xi32, #tpu.memory_space<vmem>>
      %dma_start3A_448 = tpu.memref_squeeze %dma_start3A_447 : memref<1x1x80xi32, #tpu.memory_space<vmem>> -> memref<80xi32, #tpu.memory_space<vmem>>
      %dma_start3A_449 = arith.constant 0 : i32
      %dma_start3A_450 = arith.constant 0 : i32
      %dma_start3A_451 = tpu.memref_slice %arg2[%dma_start3A_449, %dma_start3A_450] : memref<10000x128xf32, #tpu.memory_space<hbm>> -> memref<10000x128xf32, #tpu.memory_space<hbm>>
      tpu.enqueue_indirect_dma source(%dma_start3A_451 : memref<10000x128xf32, #tpu.memory_space<hbm>>) target(%arg9 : memref<80x128xf32, #tpu.memory_space<vmem>>) offsets(%dma_start3A_448 : memref<80xi32, #tpu.memory_space<vmem>>) semaphore(%arg15 : memref<!tpu.dma_semaphore, #tpu.memory_space<semaphore_mem>>)
      %dma_start3A_452 = arith.constant 0 : i32
      %dma_start3A_453 = arith.constant 0 : i32
      %dma_start3A_454 = tpu.memref_slice %arg7[%select_n3A_380, %dma_start3A_452, %dma_start3A_453] : memref<2x25x80xi32, #tpu.memory_space<vmem>> -> memref<1x1x80xi32, #tpu.memory_space<vmem>>
      %dma_start3A_455 = tpu.memref_squeeze %dma_start3A_454 : memref<1x1x80xi32, #tpu.memory_space<vmem>> -> memref<80xi32, #tpu.memory_space<vmem>>
      %dma_start3A_456 = arith.constant 0 : i32
      %dma_start3A_457 = tpu.memref_slice %arg13[%dma_start3A_456] : memref<10240xf32, #tpu.memory_space<vmem_shared>> -> memref<10240xf32, #tpu.memory_space<vmem_shared>>
      tpu.enqueue_indirect_dma source(%arg10 : memref<80xf32, #tpu.memory_space<vmem>>) target(%dma_start3A_457 : memref<10240xf32, #tpu.memory_space<vmem_shared>>) offsets(%dma_start3A_455 : memref<80xi32, #tpu.memory_space<vmem>>) semaphore(%arg18 : memref<!tpu.dma_semaphore, #tpu.memory_space<semaphore_mem>>) {add = true}
      %scan3A_458 = arith.constant 0 : i32
      %scan3A_459 = arith.constant 0 : i32
      %scan3A_460 = arith.constant 12 : i32
      %scan3A_461 = arith.addi %scan3A_459, %scan3A_460 : i32
      %scan3A_462 = arith.constant 1 : i32
      %scan3A_463 = scf.for %scan3A_489 = %scan3A_459 to %scan3A_461 step %scan3A_462 iter_args(%scan3A_490 = %scan3A_458) -> (i32)  : i32 {
        %mul3A_491 = arith.constant 2 : i32
        %mul3A_492 = arith.muli %mul3A_491, %scan3A_489 : i32
        %add3A_493 = arith.constant 0 : i32
        %add3A_494 = arith.addi %mul3A_492, %add3A_493 : i32
        %dma_wait3A_495 = arith.constant 0 : i32
        %dma_wait3A_496 = arith.constant 0 : i32
        %dma_wait3A_497 = arith.constant 0 : i32
        %dma_wait3A_498 = tpu.memref_slice %arg6[%dma_wait3A_495, %dma_wait3A_496, %dma_wait3A_497] : memref<2x25x80xi32, #tpu.memory_space<vmem>> -> memref<1x1x80xi32, #tpu.memory_space<vmem>>
        %dma_wait3A_499 = tpu.memref_squeeze %dma_wait3A_498 : memref<1x1x80xi32, #tpu.memory_space<vmem>> -> memref<80xi32, #tpu.memory_space<vmem>>
        %dma_wait3A_500 = arith.constant 0 : i32
        %dma_wait3A_501 = arith.constant 0 : i32
        %dma_wait3A_502 = tpu.memref_slice %arg2[%dma_wait3A_500, %dma_wait3A_501] : memref<10000x128xf32, #tpu.memory_space<hbm>> -> memref<10000x128xf32, #tpu.memory_space<hbm>>
        tpu.wait_indirect_dma semaphore(%arg14 : memref<!tpu.dma_semaphore, #tpu.memory_space<semaphore_mem>>) src(%dma_wait3A_502 : memref<10000x128xf32, #tpu.memory_space<hbm>>) dst(%arg8 : memref<80x128xf32, #tpu.memory_space<vmem>>)
        "tpu.region"() ({
          %run_scoped3A_567 = tpu.sem_alloc : memref<!tpu.dma_semaphore, #tpu.memory_space<semaphore_mem>>
          %dma_start3A_568 = arith.constant 0 : i32
          %dma_start3A_569 = tpu.memref_slice %arg7[%select_n3A_380, %add3A_494, %dma_start3A_568] : memref<2x25x80xi32, #tpu.memory_space<vmem>> -> memref<1x1x80xi32, #tpu.memory_space<vmem>>
          %dma_start3A_570 = tpu.memref_squeeze %dma_start3A_569 : memref<1x1x80xi32, #tpu.memory_space<vmem>> -> memref<80xi32, #tpu.memory_space<vmem>>
          %dma_start3A_571 = arith.constant 0 : i32
          %dma_start3A_572 = arith.constant 0 : i32
          %dma_start3A_573 = tpu.memref_slice %arg12[%dma_start3A_571, %dma_start3A_572] : memref<10240x128xf32, #tpu.memory_space<vmem_shared>> -> memref<10240x128xf32, #tpu.memory_space<vmem_shared>>
          tpu.enqueue_indirect_dma source(%arg8 : memref<80x128xf32, #tpu.memory_space<vmem>>) target(%dma_start3A_573 : memref<10240x128xf32, #tpu.memory_space<vmem_shared>>) offsets(%dma_start3A_570 : memref<80xi32, #tpu.memory_space<vmem>>) semaphore(%run_scoped3A_567 : memref<!tpu.dma_semaphore, #tpu.memory_space<semaphore_mem>>) {add = true}
          %dma_wait3A_574 = arith.constant 0 : i32
          %dma_wait3A_575 = tpu.memref_slice %arg7[%select_n3A_380, %add3A_494, %dma_wait3A_574] : memref<2x25x80xi32, #tpu.memory_space<vmem>> -> memref<1x1x80xi32, #tpu.memory_space<vmem>>
          %dma_wait3A_576 = tpu.memref_squeeze %dma_wait3A_575 : memref<1x1x80xi32, #tpu.memory_space<vmem>> -> memref<80xi32, #tpu.memory_space<vmem>>
          %dma_wait3A_577 = arith.constant 0 : i32
          %dma_wait3A_578 = arith.constant 0 : i32
          %dma_wait3A_579 = tpu.memref_slice %arg12[%dma_wait3A_577, %dma_wait3A_578] : memref<10240x128xf32, #tpu.memory_space<vmem_shared>> -> memref<10240x128xf32, #tpu.memory_space<vmem_shared>>
          tpu.wait_indirect_dma semaphore(%run_scoped3A_567 : memref<!tpu.dma_semaphore, #tpu.memory_space<semaphore_mem>>) src(%arg8 : memref<80x128xf32, #tpu.memory_space<vmem>>) dst(%dma_wait3A_579 : memref<10240x128xf32, #tpu.memory_space<vmem_shared>>)
          tpu.yield
        }) : () -> ()
        %dma_wait3A_503 = arith.constant 0 : i32
        %dma_wait3A_504 = arith.constant 0 : i32
        %dma_wait3A_505 = arith.constant 0 : i32
        %dma_wait3A_506 = tpu.memref_slice %arg7[%dma_wait3A_503, %dma_wait3A_504, %dma_wait3A_505] : memref<2x25x80xi32, #tpu.memory_space<vmem>> -> memref<1x1x80xi32, #tpu.memory_space<vmem>>
        %dma_wait3A_507 = tpu.memref_squeeze %dma_wait3A_506 : memref<1x1x80xi32, #tpu.memory_space<vmem>> -> memref<80xi32, #tpu.memory_space<vmem>>
        %dma_wait3A_508 = arith.constant 0 : i32
        %dma_wait3A_509 = tpu.memref_slice %arg13[%dma_wait3A_508] : memref<10240xf32, #tpu.memory_space<vmem_shared>> -> memref<10240xf32, #tpu.memory_space<vmem_shared>>
        tpu.wait_indirect_dma semaphore(%arg18 : memref<!tpu.dma_semaphore, #tpu.memory_space<semaphore_mem>>) src(%arg10 : memref<80xf32, #tpu.memory_space<vmem>>) dst(%dma_wait3A_509 : memref<10240xf32, #tpu.memory_space<vmem_shared>>)
        %add3A_510 = arith.constant 1 : i32
        %add3A_511 = arith.addi %add3A_494, %add3A_510 : i32
        %min3A = arith.constant 24 : i32
        %min3A_512 = arith.minsi %add3A_511, %min3A : i32
        %dma_start3A_513 = arith.constant 0 : i32
        %dma_start3A_514 = tpu.memref_slice %arg7[%select_n3A_380, %min3A_512, %dma_start3A_513] : memref<2x25x80xi32, #tpu.memory_space<vmem>> -> memref<1x1x80xi32, #tpu.memory_space<vmem>>
        %dma_start3A_515 = tpu.memref_squeeze %dma_start3A_514 : memref<1x1x80xi32, #tpu.memory_space<vmem>> -> memref<80xi32, #tpu.memory_space<vmem>>
        %dma_start3A_516 = arith.constant 0 : i32
        %dma_start3A_517 = tpu.memref_slice %arg13[%dma_start3A_516] : memref<10240xf32, #tpu.memory_space<vmem_shared>> -> memref<10240xf32, #tpu.memory_space<vmem_shared>>
        tpu.enqueue_indirect_dma source(%arg10 : memref<80xf32, #tpu.memory_space<vmem>>) target(%dma_start3A_517 : memref<10240xf32, #tpu.memory_space<vmem_shared>>) offsets(%dma_start3A_515 : memref<80xi32, #tpu.memory_space<vmem>>) semaphore(%arg18 : memref<!tpu.dma_semaphore, #tpu.memory_space<semaphore_mem>>) {add = true}
        %add3A_518 = arith.constant 2 : i32
        %add3A_519 = arith.addi %add3A_494, %add3A_518 : i32
        %min3A_520 = arith.constant 24 : i32
        %min3A_521 = arith.minsi %add3A_519, %min3A_520 : i32
        %dma_start3A_522 = arith.constant 0 : i32
        %dma_start3A_523 = tpu.memref_slice %arg6[%select_n3A_380, %min3A_521, %dma_start3A_522] : memref<2x25x80xi32, #tpu.memory_space<vmem>> -> memref<1x1x80xi32, #tpu.memory_space<vmem>>
        %dma_start3A_524 = tpu.memref_squeeze %dma_start3A_523 : memref<1x1x80xi32, #tpu.memory_space<vmem>> -> memref<80xi32, #tpu.memory_space<vmem>>
        %dma_start3A_525 = arith.constant 0 : i32
        %dma_start3A_526 = arith.constant 0 : i32
        %dma_start3A_527 = tpu.memref_slice %arg2[%dma_start3A_525, %dma_start3A_526] : memref<10000x128xf32, #tpu.memory_space<hbm>> -> memref<10000x128xf32, #tpu.memory_space<hbm>>
        tpu.enqueue_indirect_dma source(%dma_start3A_527 : memref<10000x128xf32, #tpu.memory_space<hbm>>) target(%arg8 : memref<80x128xf32, #tpu.memory_space<vmem>>) offsets(%dma_start3A_524 : memref<80xi32, #tpu.memory_space<vmem>>) semaphore(%arg14 : memref<!tpu.dma_semaphore, #tpu.memory_space<semaphore_mem>>)
        %mul3A_528 = arith.constant 2 : i32
        %mul3A_529 = arith.muli %mul3A_528, %scan3A_489 : i32
        %add3A_530 = arith.constant 1 : i32
        %add3A_531 = arith.addi %mul3A_529, %add3A_530 : i32
        %dma_wait3A_532 = arith.constant 0 : i32
        %dma_wait3A_533 = arith.constant 0 : i32
        %dma_wait3A_534 = arith.constant 0 : i32
        %dma_wait3A_535 = tpu.memref_slice %arg6[%dma_wait3A_532, %dma_wait3A_533, %dma_wait3A_534] : memref<2x25x80xi32, #tpu.memory_space<vmem>> -> memref<1x1x80xi32, #tpu.memory_space<vmem>>
        %dma_wait3A_536 = tpu.memref_squeeze %dma_wait3A_535 : memref<1x1x80xi32, #tpu.memory_space<vmem>> -> memref<80xi32, #tpu.memory_space<vmem>>
        %dma_wait3A_537 = arith.constant 0 : i32
        %dma_wait3A_538 = arith.constant 0 : i32
        %dma_wait3A_539 = tpu.memref_slice %arg2[%dma_wait3A_537, %dma_wait3A_538] : memref<10000x128xf32, #tpu.memory_space<hbm>> -> memref<10000x128xf32, #tpu.memory_space<hbm>>
        tpu.wait_indirect_dma semaphore(%arg15 : memref<!tpu.dma_semaphore, #tpu.memory_space<semaphore_mem>>) src(%dma_wait3A_539 : memref<10000x128xf32, #tpu.memory_space<hbm>>) dst(%arg9 : memref<80x128xf32, #tpu.memory_space<vmem>>)
        "tpu.region"() ({
          %run_scoped3A_567 = tpu.sem_alloc : memref<!tpu.dma_semaphore, #tpu.memory_space<semaphore_mem>>
          %dma_start3A_568 = arith.constant 0 : i32
          %dma_start3A_569 = tpu.memref_slice %arg7[%select_n3A_380, %add3A_531, %dma_start3A_568] : memref<2x25x80xi32, #tpu.memory_space<vmem>> -> memref<1x1x80xi32, #tpu.memory_space<vmem>>
          %dma_start3A_570 = tpu.memref_squeeze %dma_start3A_569 : memref<1x1x80xi32, #tpu.memory_space<vmem>> -> memref<80xi32, #tpu.memory_space<vmem>>
          %dma_start3A_571 = arith.constant 0 : i32
          %dma_start3A_572 = arith.constant 0 : i32
          %dma_start3A_573 = tpu.memref_slice %arg12[%dma_start3A_571, %dma_start3A_572] : memref<10240x128xf32, #tpu.memory_space<vmem_shared>> -> memref<10240x128xf32, #tpu.memory_space<vmem_shared>>
          tpu.enqueue_indirect_dma source(%arg9 : memref<80x128xf32, #tpu.memory_space<vmem>>) target(%dma_start3A_573 : memref<10240x128xf32, #tpu.memory_space<vmem_shared>>) offsets(%dma_start3A_570 : memref<80xi32, #tpu.memory_space<vmem>>) semaphore(%run_scoped3A_567 : memref<!tpu.dma_semaphore, #tpu.memory_space<semaphore_mem>>) {add = true}
          %dma_wait3A_574 = arith.constant 0 : i32
          %dma_wait3A_575 = tpu.memref_slice %arg7[%select_n3A_380, %add3A_531, %dma_wait3A_574] : memref<2x25x80xi32, #tpu.memory_space<vmem>> -> memref<1x1x80xi32, #tpu.memory_space<vmem>>
          %dma_wait3A_576 = tpu.memref_squeeze %dma_wait3A_575 : memref<1x1x80xi32, #tpu.memory_space<vmem>> -> memref<80xi32, #tpu.memory_space<vmem>>
          %dma_wait3A_577 = arith.constant 0 : i32
          %dma_wait3A_578 = arith.constant 0 : i32
          %dma_wait3A_579 = tpu.memref_slice %arg12[%dma_wait3A_577, %dma_wait3A_578] : memref<10240x128xf32, #tpu.memory_space<vmem_shared>> -> memref<10240x128xf32, #tpu.memory_space<vmem_shared>>
          tpu.wait_indirect_dma semaphore(%run_scoped3A_567 : memref<!tpu.dma_semaphore, #tpu.memory_space<semaphore_mem>>) src(%arg9 : memref<80x128xf32, #tpu.memory_space<vmem>>) dst(%dma_wait3A_579 : memref<10240x128xf32, #tpu.memory_space<vmem_shared>>)
          tpu.yield
        }) : () -> ()
        %dma_wait3A_540 = arith.constant 0 : i32
        %dma_wait3A_541 = arith.constant 0 : i32
        %dma_wait3A_542 = arith.constant 0 : i32
        %dma_wait3A_543 = tpu.memref_slice %arg7[%dma_wait3A_540, %dma_wait3A_541, %dma_wait3A_542] : memref<2x25x80xi32, #tpu.memory_space<vmem>> -> memref<1x1x80xi32, #tpu.memory_space<vmem>>
        %dma_wait3A_544 = tpu.memref_squeeze %dma_wait3A_543 : memref<1x1x80xi32, #tpu.memory_space<vmem>> -> memref<80xi32, #tpu.memory_space<vmem>>
        %dma_wait3A_545 = arith.constant 0 : i32
        %dma_wait3A_546 = tpu.memref_slice %arg13[%dma_wait3A_545] : memref<10240xf32, #tpu.memory_space<vmem_shared>> -> memref<10240xf32, #tpu.memory_space<vmem_shared>>
        tpu.wait_indirect_dma semaphore(%arg18 : memref<!tpu.dma_semaphore, #tpu.memory_space<semaphore_mem>>) src(%arg10 : memref<80xf32, #tpu.memory_space<vmem>>) dst(%dma_wait3A_546 : memref<10240xf32, #tpu.memory_space<vmem_shared>>)
        %add3A_547 = arith.constant 1 : i32
        %add3A_548 = arith.addi %add3A_531, %add3A_547 : i32
        %min3A_549 = arith.constant 24 : i32
        %min3A_550 = arith.minsi %add3A_548, %min3A_549 : i32
        %dma_start3A_551 = arith.constant 0 : i32
        %dma_start3A_552 = tpu.memref_slice %arg7[%select_n3A_380, %min3A_550, %dma_start3A_551] : memref<2x25x80xi32, #tpu.memory_space<vmem>> -> memref<1x1x80xi32, #tpu.memory_space<vmem>>
        %dma_start3A_553 = tpu.memref_squeeze %dma_start3A_552 : memref<1x1x80xi32, #tpu.memory_space<vmem>> -> memref<80xi32, #tpu.memory_space<vmem>>
        %dma_start3A_554 = arith.constant 0 : i32
        %dma_start3A_555 = tpu.memref_slice %arg13[%dma_start3A_554] : memref<10240xf32, #tpu.memory_space<vmem_shared>> -> memref<10240xf32, #tpu.memory_space<vmem_shared>>
        tpu.enqueue_indirect_dma source(%arg10 : memref<80xf32, #tpu.memory_space<vmem>>) target(%dma_start3A_555 : memref<10240xf32, #tpu.memory_space<vmem_shared>>) offsets(%dma_start3A_553 : memref<80xi32, #tpu.memory_space<vmem>>) semaphore(%arg18 : memref<!tpu.dma_semaphore, #tpu.memory_space<semaphore_mem>>) {add = true}
        %add3A_556 = arith.constant 2 : i32
        %add3A_557 = arith.addi %add3A_531, %add3A_556 : i32
        %min3A_558 = arith.constant 24 : i32
        %min3A_559 = arith.minsi %add3A_557, %min3A_558 : i32
        %dma_start3A_560 = arith.constant 0 : i32
        %dma_start3A_561 = tpu.memref_slice %arg6[%select_n3A_380, %min3A_559, %dma_start3A_560] : memref<2x25x80xi32, #tpu.memory_space<vmem>> -> memref<1x1x80xi32, #tpu.memory_space<vmem>>
        %dma_start3A_562 = tpu.memref_squeeze %dma_start3A_561 : memref<1x1x80xi32, #tpu.memory_space<vmem>> -> memref<80xi32, #tpu.memory_space<vmem>>
        %dma_start3A_563 = arith.constant 0 : i32
        %dma_start3A_564 = arith.constant 0 : i32
        %dma_start3A_565 = tpu.memref_slice %arg2[%dma_start3A_563, %dma_start3A_564] : memref<10000x128xf32, #tpu.memory_space<hbm>> -> memref<10000x128xf32, #tpu.memory_space<hbm>>
        tpu.enqueue_indirect_dma source(%dma_start3A_565 : memref<10000x128xf32, #tpu.memory_space<hbm>>) target(%arg9 : memref<80x128xf32, #tpu.memory_space<vmem>>) offsets(%dma_start3A_562 : memref<80xi32, #tpu.memory_space<vmem>>) semaphore(%arg15 : memref<!tpu.dma_semaphore, #tpu.memory_space<semaphore_mem>>)
        %scan3A_566 = arith.constant 0 : i32
        scf.yield %scan3A_566 : i32
      }
      %scan3A_464 = arith.constant 12 : i32
      %dma_wait3A_465 = arith.constant 0 : i32
      %dma_wait3A_466 = arith.constant 0 : i32
      %dma_wait3A_467 = arith.constant 0 : i32
      %dma_wait3A_468 = tpu.memref_slice %arg6[%dma_wait3A_465, %dma_wait3A_466, %dma_wait3A_467] : memref<2x25x80xi32, #tpu.memory_space<vmem>> -> memref<1x1x80xi32, #tpu.memory_space<vmem>>
      %dma_wait3A_469 = tpu.memref_squeeze %dma_wait3A_468 : memref<1x1x80xi32, #tpu.memory_space<vmem>> -> memref<80xi32, #tpu.memory_space<vmem>>
      %dma_wait3A_470 = arith.constant 0 : i32
      %dma_wait3A_471 = arith.constant 0 : i32
      %dma_wait3A_472 = tpu.memref_slice %arg2[%dma_wait3A_470, %dma_wait3A_471] : memref<10000x128xf32, #tpu.memory_space<hbm>> -> memref<10000x128xf32, #tpu.memory_space<hbm>>
      tpu.wait_indirect_dma semaphore(%arg14 : memref<!tpu.dma_semaphore, #tpu.memory_space<semaphore_mem>>) src(%dma_wait3A_472 : memref<10000x128xf32, #tpu.memory_space<hbm>>) dst(%arg8 : memref<80x128xf32, #tpu.memory_space<vmem>>)
      %run_scoped3A = arith.constant 24 : i32
      "tpu.region"() ({
        %run_scoped3A_489 = tpu.sem_alloc : memref<!tpu.dma_semaphore, #tpu.memory_space<semaphore_mem>>
        %dma_start3A_490 = arith.constant 0 : i32
        %dma_start3A_491 = tpu.memref_slice %arg7[%select_n3A_380, %run_scoped3A, %dma_start3A_490] : memref<2x25x80xi32, #tpu.memory_space<vmem>> -> memref<1x1x80xi32, #tpu.memory_space<vmem>>
        %dma_start3A_492 = tpu.memref_squeeze %dma_start3A_491 : memref<1x1x80xi32, #tpu.memory_space<vmem>> -> memref<80xi32, #tpu.memory_space<vmem>>
        %dma_start3A_493 = arith.constant 0 : i32
        %dma_start3A_494 = arith.constant 0 : i32
        %dma_start3A_495 = tpu.memref_slice %arg12[%dma_start3A_493, %dma_start3A_494] : memref<10240x128xf32, #tpu.memory_space<vmem_shared>> -> memref<10240x128xf32, #tpu.memory_space<vmem_shared>>
        tpu.enqueue_indirect_dma source(%arg8 : memref<80x128xf32, #tpu.memory_space<vmem>>) target(%dma_start3A_495 : memref<10240x128xf32, #tpu.memory_space<vmem_shared>>) offsets(%dma_start3A_492 : memref<80xi32, #tpu.memory_space<vmem>>) semaphore(%run_scoped3A_489 : memref<!tpu.dma_semaphore, #tpu.memory_space<semaphore_mem>>) {add = true}
        %dma_wait3A_496 = arith.constant 0 : i32
        %dma_wait3A_497 = tpu.memref_slice %arg7[%select_n3A_380, %run_scoped3A, %dma_wait3A_496] : memref<2x25x80xi32, #tpu.memory_space<vmem>> -> memref<1x1x80xi32, #tpu.memory_space<vmem>>
        %dma_wait3A_498 = tpu.memref_squeeze %dma_wait3A_497 : memref<1x1x80xi32, #tpu.memory_space<vmem>> -> memref<80xi32, #tpu.memory_space<vmem>>
        %dma_wait3A_499 = arith.constant 0 : i32
        %dma_wait3A_500 = arith.constant 0 : i32
        %dma_wait3A_501 = tpu.memref_slice %arg12[%dma_wait3A_499, %dma_wait3A_500] : memref<10240x128xf32, #tpu.memory_space<vmem_shared>> -> memref<10240x128xf32, #tpu.memory_space<vmem_shared>>
        tpu.wait_indirect_dma semaphore(%run_scoped3A_489 : memref<!tpu.dma_semaphore, #tpu.memory_space<semaphore_mem>>) src(%arg8 : memref<80x128xf32, #tpu.memory_space<vmem>>) dst(%dma_wait3A_501 : memref<10240x128xf32, #tpu.memory_space<vmem_shared>>)
        tpu.yield
      }) : () -> ()
      %dma_wait3A_473 = arith.constant 0 : i32
      %dma_wait3A_474 = arith.constant 0 : i32
      %dma_wait3A_475 = arith.constant 0 : i32
      %dma_wait3A_476 = tpu.memref_slice %arg7[%dma_wait3A_473, %dma_wait3A_474, %dma_wait3A_475] : memref<2x25x80xi32, #tpu.memory_space<vmem>> -> memref<1x1x80xi32, #tpu.memory_space<vmem>>
      %dma_wait3A_477 = tpu.memref_squeeze %dma_wait3A_476 : memref<1x1x80xi32, #tpu.memory_space<vmem>> -> memref<80xi32, #tpu.memory_space<vmem>>
      %dma_wait3A_478 = arith.constant 0 : i32
      %dma_wait3A_479 = tpu.memref_slice %arg13[%dma_wait3A_478] : memref<10240xf32, #tpu.memory_space<vmem_shared>> -> memref<10240xf32, #tpu.memory_space<vmem_shared>>
      tpu.wait_indirect_dma semaphore(%arg18 : memref<!tpu.dma_semaphore, #tpu.memory_space<semaphore_mem>>) src(%arg10 : memref<80xf32, #tpu.memory_space<vmem>>) dst(%dma_wait3A_479 : memref<10240xf32, #tpu.memory_space<vmem_shared>>)
      %dma_wait3A_480 = arith.constant 0 : i32
      %dma_wait3A_481 = arith.constant 0 : i32
      %dma_wait3A_482 = arith.constant 0 : i32
      %dma_wait3A_483 = tpu.memref_slice %arg6[%dma_wait3A_480, %dma_wait3A_481, %dma_wait3A_482] : memref<2x25x80xi32, #tpu.memory_space<vmem>> -> memref<1x1x80xi32, #tpu.memory_space<vmem>>
      %dma_wait3A_484 = tpu.memref_squeeze %dma_wait3A_483 : memref<1x1x80xi32, #tpu.memory_space<vmem>> -> memref<80xi32, #tpu.memory_space<vmem>>
      %dma_wait3A_485 = arith.constant 0 : i32
      %dma_wait3A_486 = arith.constant 0 : i32
      %dma_wait3A_487 = tpu.memref_slice %arg2[%dma_wait3A_485, %dma_wait3A_486] : memref<10000x128xf32, #tpu.memory_space<hbm>> -> memref<10000x128xf32, #tpu.memory_space<hbm>>
      tpu.wait_indirect_dma semaphore(%arg15 : memref<!tpu.dma_semaphore, #tpu.memory_space<semaphore_mem>>) src(%dma_wait3A_487 : memref<10000x128xf32, #tpu.memory_space<hbm>>) dst(%arg9 : memref<80x128xf32, #tpu.memory_space<vmem>>)
      %scan3A_488 = arith.constant 0 : i32
      scf.yield %scan3A_488 : i32
    }
    %scan3A_164 = arith.constant 5 : i32
    %barrier3A_165 = arith.constant 0 : index
    tpu.barrier barrier_id(%barrier3A_165)
    %dma_start3A_166 = tpu.memref_slice %arg13[%mul3A_2] : memref<10240xf32, #tpu.memory_space<vmem_shared>> -> memref<640xf32, #tpu.memory_space<vmem_shared>>
    %dma_start3A_167 = tpu.memref_slice %arg13[%mul3A_2] : memref<10240xf32, #tpu.memory_space<vmem_shared>> -> memref<640xf32, #tpu.memory_space<vmem_shared>>
    tpu.enqueue_dma source(%dma_start3A_167 : memref<640xf32, #tpu.memory_space<vmem_shared>>) target(%arg11 : memref<640xf32, #tpu.memory_space<vmem>>) target_semaphore(%arg18 : memref<!tpu.dma_semaphore, #tpu.memory_space<semaphore_mem>>)
    %add3A_168 = arith.constant 0 : i32
    %add3A_169 = arith.addi %mul3A_2, %add3A_168 : i32
    %dma_start3A_170 = arith.constant 0 : i32
    %dma_start3A_171 = tpu.memref_slice %arg12[%add3A_169, %dma_start3A_170] : memref<10240x128xf32, #tpu.memory_space<vmem_shared>> -> memref<80x128xf32, #tpu.memory_space<vmem_shared>>
    %dma_start3A_172 = arith.constant 0 : i32
    %dma_start3A_173 = tpu.memref_slice %arg12[%add3A_169, %dma_start3A_172] : memref<10240x128xf32, #tpu.memory_space<vmem_shared>> -> memref<80x128xf32, #tpu.memory_space<vmem_shared>>
    tpu.enqueue_dma source(%dma_start3A_173 : memref<80x128xf32, #tpu.memory_space<vmem_shared>>) target(%arg8 : memref<80x128xf32, #tpu.memory_space<vmem>>) target_semaphore(%arg14 : memref<!tpu.dma_semaphore, #tpu.memory_space<semaphore_mem>>)
    %add3A_174 = arith.constant 80 : i32
    %add3A_175 = arith.addi %mul3A_2, %add3A_174 : i32
    %dma_start3A_176 = arith.constant 0 : i32
    %dma_start3A_177 = tpu.memref_slice %arg12[%add3A_175, %dma_start3A_176] : memref<10240x128xf32, #tpu.memory_space<vmem_shared>> -> memref<80x128xf32, #tpu.memory_space<vmem_shared>>
    %dma_start3A_178 = arith.constant 0 : i32
    %dma_start3A_179 = tpu.memref_slice %arg12[%add3A_175, %dma_start3A_178] : memref<10240x128xf32, #tpu.memory_space<vmem_shared>> -> memref<80x128xf32, #tpu.memory_space<vmem_shared>>
    tpu.enqueue_dma source(%dma_start3A_179 : memref<80x128xf32, #tpu.memory_space<vmem_shared>>) target(%arg9 : memref<80x128xf32, #tpu.memory_space<vmem>>) target_semaphore(%arg15 : memref<!tpu.dma_semaphore, #tpu.memory_space<semaphore_mem>>)
    %dma_wait3A_180 = arith.constant 0 : i32
    %dma_wait3A_181 = tpu.memref_slice %arg12[%mul3A_2, %dma_wait3A_180] : memref<10240x128xf32, #tpu.memory_space<vmem_shared>> -> memref<80x128xf32, #tpu.memory_space<vmem_shared>>
    %dma_wait3A_182 = arith.constant 0 : i32
    %dma_wait3A_183 = tpu.memref_slice %arg12[%mul3A_2, %dma_wait3A_182] : memref<10240x128xf32, #tpu.memory_space<vmem_shared>> -> memref<80x128xf32, #tpu.memory_space<vmem_shared>>
    tpu.wait_dma2 semaphore(%arg14 : memref<!tpu.dma_semaphore, #tpu.memory_space<semaphore_mem>>) src(%dma_wait3A_183 : memref<80x128xf32, #tpu.memory_space<vmem_shared>>) dst(%arg8 : memref<80x128xf32, #tpu.memory_space<vmem>>)
    %add3A_184 = arith.constant 0 : i32
    %add3A_185 = arith.addi %mul3A_2, %add3A_184 : i32
    %dma_start3A_186 = arith.constant 0 : i32
    %dma_start3A_187 = tpu.memref_slice %arg4[%arg0, %add3A_185, %dma_start3A_186] : memref<2x10240x128xf32, #tpu.memory_space<hbm>> -> memref<1x80x128xf32, #tpu.memory_space<hbm>>
    %dma_start3A_188 = tpu.memref_squeeze %dma_start3A_187 : memref<1x80x128xf32, #tpu.memory_space<hbm>> -> memref<80x128xf32, #tpu.memory_space<hbm>>
    %dma_start3A_189 = arith.constant 0 : i32
    %dma_start3A_190 = tpu.memref_slice %arg4[%arg0, %add3A_185, %dma_start3A_189] : memref<2x10240x128xf32, #tpu.memory_space<hbm>> -> memref<1x80x128xf32, #tpu.memory_space<hbm>>
    %dma_start3A_191 = tpu.memref_squeeze %dma_start3A_190 : memref<1x80x128xf32, #tpu.memory_space<hbm>> -> memref<80x128xf32, #tpu.memory_space<hbm>>
    tpu.enqueue_dma source(%arg8 : memref<80x128xf32, #tpu.memory_space<vmem>>) target(%dma_start3A_191 : memref<80x128xf32, #tpu.memory_space<hbm>>) target_semaphore(%arg16 : memref<!tpu.dma_semaphore, #tpu.memory_space<semaphore_mem>>)
    %dma_wait3A_192 = arith.constant 0 : i32
    %dma_wait3A_193 = tpu.memref_slice %arg4[%arg0, %mul3A_2, %dma_wait3A_192] : memref<2x10240x128xf32, #tpu.memory_space<hbm>> -> memref<1x80x128xf32, #tpu.memory_space<hbm>>
    %dma_wait3A_194 = tpu.memref_squeeze %dma_wait3A_193 : memref<1x80x128xf32, #tpu.memory_space<hbm>> -> memref<80x128xf32, #tpu.memory_space<hbm>>
    %dma_wait3A_195 = arith.constant 0 : i32
    %dma_wait3A_196 = tpu.memref_slice %arg4[%arg0, %mul3A_2, %dma_wait3A_195] : memref<2x10240x128xf32, #tpu.memory_space<hbm>> -> memref<1x80x128xf32, #tpu.memory_space<hbm>>
    %dma_wait3A_197 = tpu.memref_squeeze %dma_wait3A_196 : memref<1x80x128xf32, #tpu.memory_space<hbm>> -> memref<80x128xf32, #tpu.memory_space<hbm>>
    tpu.wait_dma2 semaphore(%arg16 : memref<!tpu.dma_semaphore, #tpu.memory_space<semaphore_mem>>) src(%arg8 : memref<80x128xf32, #tpu.memory_space<vmem>>) dst(%dma_wait3A_197 : memref<80x128xf32, #tpu.memory_space<hbm>>)
    %add3A_198 = arith.constant 160 : i32
    %add3A_199 = arith.addi %mul3A_2, %add3A_198 : i32
    %dma_start3A_200 = arith.constant 0 : i32
    %dma_start3A_201 = tpu.memref_slice %arg12[%add3A_199, %dma_start3A_200] : memref<10240x128xf32, #tpu.memory_space<vmem_shared>> -> memref<80x128xf32, #tpu.memory_space<vmem_shared>>
    %dma_start3A_202 = arith.constant 0 : i32
    %dma_start3A_203 = tpu.memref_slice %arg12[%add3A_199, %dma_start3A_202] : memref<10240x128xf32, #tpu.memory_space<vmem_shared>> -> memref<80x128xf32, #tpu.memory_space<vmem_shared>>
    tpu.enqueue_dma source(%dma_start3A_203 : memref<80x128xf32, #tpu.memory_space<vmem_shared>>) target(%arg8 : memref<80x128xf32, #tpu.memory_space<vmem>>) target_semaphore(%arg14 : memref<!tpu.dma_semaphore, #tpu.memory_space<semaphore_mem>>)
    %dma_wait3A_204 = arith.constant 0 : i32
    %dma_wait3A_205 = tpu.memref_slice %arg12[%mul3A_2, %dma_wait3A_204] : memref<10240x128xf32, #tpu.memory_space<vmem_shared>> -> memref<80x128xf32, #tpu.memory_space<vmem_shared>>
    %dma_wait3A_206 = arith.constant 0 : i32
    %dma_wait3A_207 = tpu.memref_slice %arg12[%mul3A_2, %dma_wait3A_206] : memref<10240x128xf32, #tpu.memory_space<vmem_shared>> -> memref<80x128xf32, #tpu.memory_space<vmem_shared>>
    tpu.wait_dma2 semaphore(%arg15 : memref<!tpu.dma_semaphore, #tpu.memory_space<semaphore_mem>>) src(%dma_wait3A_207 : memref<80x128xf32, #tpu.memory_space<vmem_shared>>) dst(%arg9 : memref<80x128xf32, #tpu.memory_space<vmem>>)
    %add3A_208 = arith.constant 80 : i32
    %add3A_209 = arith.addi %mul3A_2, %add3A_208 : i32
    %dma_start3A_210 = arith.constant 0 : i32
    %dma_start3A_211 = tpu.memref_slice %arg4[%arg0, %add3A_209, %dma_start3A_210] : memref<2x10240x128xf32, #tpu.memory_space<hbm>> -> memref<1x80x128xf32, #tpu.memory_space<hbm>>
    %dma_start3A_212 = tpu.memref_squeeze %dma_start3A_211 : memref<1x80x128xf32, #tpu.memory_space<hbm>> -> memref<80x128xf32, #tpu.memory_space<hbm>>
    %dma_start3A_213 = arith.constant 0 : i32
    %dma_start3A_214 = tpu.memref_slice %arg4[%arg0, %add3A_209, %dma_start3A_213] : memref<2x10240x128xf32, #tpu.memory_space<hbm>> -> memref<1x80x128xf32, #tpu.memory_space<hbm>>
    %dma_start3A_215 = tpu.memref_squeeze %dma_start3A_214 : memref<1x80x128xf32, #tpu.memory_space<hbm>> -> memref<80x128xf32, #tpu.memory_space<hbm>>
    tpu.enqueue_dma source(%arg9 : memref<80x128xf32, #tpu.memory_space<vmem>>) target(%dma_start3A_215 : memref<80x128xf32, #tpu.memory_space<hbm>>) target_semaphore(%arg17 : memref<!tpu.dma_semaphore, #tpu.memory_space<semaphore_mem>>)
    %dma_wait3A_216 = arith.constant 0 : i32
    %dma_wait3A_217 = tpu.memref_slice %arg4[%arg0, %mul3A_2, %dma_wait3A_216] : memref<2x10240x128xf32, #tpu.memory_space<hbm>> -> memref<1x80x128xf32, #tpu.memory_space<hbm>>
    %dma_wait3A_218 = tpu.memref_squeeze %dma_wait3A_217 : memref<1x80x128xf32, #tpu.memory_space<hbm>> -> memref<80x128xf32, #tpu.memory_space<hbm>>
    %dma_wait3A_219 = arith.constant 0 : i32
    %dma_wait3A_220 = tpu.memref_slice %arg4[%arg0, %mul3A_2, %dma_wait3A_219] : memref<2x10240x128xf32, #tpu.memory_space<hbm>> -> memref<1x80x128xf32, #tpu.memory_space<hbm>>
    %dma_wait3A_221 = tpu.memref_squeeze %dma_wait3A_220 : memref<1x80x128xf32, #tpu.memory_space<hbm>> -> memref<80x128xf32, #tpu.memory_space<hbm>>
    tpu.wait_dma2 semaphore(%arg17 : memref<!tpu.dma_semaphore, #tpu.memory_space<semaphore_mem>>) src(%arg9 : memref<80x128xf32, #tpu.memory_space<vmem>>) dst(%dma_wait3A_221 : memref<80x128xf32, #tpu.memory_space<hbm>>)
    %add3A_222 = arith.constant 240 : i32
    %add3A_223 = arith.addi %mul3A_2, %add3A_222 : i32
    %dma_start3A_224 = arith.constant 0 : i32
    %dma_start3A_225 = tpu.memref_slice %arg12[%add3A_223, %dma_start3A_224] : memref<10240x128xf32, #tpu.memory_space<vmem_shared>> -> memref<80x128xf32, #tpu.memory_space<vmem_shared>>
    %dma_start3A_226 = arith.constant 0 : i32
    %dma_start3A_227 = tpu.memref_slice %arg12[%add3A_223, %dma_start3A_226] : memref<10240x128xf32, #tpu.memory_space<vmem_shared>> -> memref<80x128xf32, #tpu.memory_space<vmem_shared>>
    tpu.enqueue_dma source(%dma_start3A_227 : memref<80x128xf32, #tpu.memory_space<vmem_shared>>) target(%arg9 : memref<80x128xf32, #tpu.memory_space<vmem>>) target_semaphore(%arg15 : memref<!tpu.dma_semaphore, #tpu.memory_space<semaphore_mem>>)
    %dma_wait3A_228 = arith.constant 0 : i32
    %dma_wait3A_229 = tpu.memref_slice %arg12[%mul3A_2, %dma_wait3A_228] : memref<10240x128xf32, #tpu.memory_space<vmem_shared>> -> memref<80x128xf32, #tpu.memory_space<vmem_shared>>
    %dma_wait3A_230 = arith.constant 0 : i32
    %dma_wait3A_231 = tpu.memref_slice %arg12[%mul3A_2, %dma_wait3A_230] : memref<10240x128xf32, #tpu.memory_space<vmem_shared>> -> memref<80x128xf32, #tpu.memory_space<vmem_shared>>
    tpu.wait_dma2 semaphore(%arg14 : memref<!tpu.dma_semaphore, #tpu.memory_space<semaphore_mem>>) src(%dma_wait3A_231 : memref<80x128xf32, #tpu.memory_space<vmem_shared>>) dst(%arg8 : memref<80x128xf32, #tpu.memory_space<vmem>>)
    %add3A_232 = arith.constant 160 : i32
    %add3A_233 = arith.addi %mul3A_2, %add3A_232 : i32
    %dma_start3A_234 = arith.constant 0 : i32
    %dma_start3A_235 = tpu.memref_slice %arg4[%arg0, %add3A_233, %dma_start3A_234] : memref<2x10240x128xf32, #tpu.memory_space<hbm>> -> memref<1x80x128xf32, #tpu.memory_space<hbm>>
    %dma_start3A_236 = tpu.memref_squeeze %dma_start3A_235 : memref<1x80x128xf32, #tpu.memory_space<hbm>> -> memref<80x128xf32, #tpu.memory_space<hbm>>
    %dma_start3A_237 = arith.constant 0 : i32
    %dma_start3A_238 = tpu.memref_slice %arg4[%arg0, %add3A_233, %dma_start3A_237] : memref<2x10240x128xf32, #tpu.memory_space<hbm>> -> memref<1x80x128xf32, #tpu.memory_space<hbm>>
    %dma_start3A_239 = tpu.memref_squeeze %dma_start3A_238 : memref<1x80x128xf32, #tpu.memory_space<hbm>> -> memref<80x128xf32, #tpu.memory_space<hbm>>
    tpu.enqueue_dma source(%arg8 : memref<80x128xf32, #tpu.memory_space<vmem>>) target(%dma_start3A_239 : memref<80x128xf32, #tpu.memory_space<hbm>>) target_semaphore(%arg16 : memref<!tpu.dma_semaphore, #tpu.memory_space<semaphore_mem>>)
    %dma_wait3A_240 = arith.constant 0 : i32
    %dma_wait3A_241 = tpu.memref_slice %arg4[%arg0, %mul3A_2, %dma_wait3A_240] : memref<2x10240x128xf32, #tpu.memory_space<hbm>> -> memref<1x80x128xf32, #tpu.memory_space<hbm>>
    %dma_wait3A_242 = tpu.memref_squeeze %dma_wait3A_241 : memref<1x80x128xf32, #tpu.memory_space<hbm>> -> memref<80x128xf32, #tpu.memory_space<hbm>>
    %dma_wait3A_243 = arith.constant 0 : i32
    %dma_wait3A_244 = tpu.memref_slice %arg4[%arg0, %mul3A_2, %dma_wait3A_243] : memref<2x10240x128xf32, #tpu.memory_space<hbm>> -> memref<1x80x128xf32, #tpu.memory_space<hbm>>
    %dma_wait3A_245 = tpu.memref_squeeze %dma_wait3A_244 : memref<1x80x128xf32, #tpu.memory_space<hbm>> -> memref<80x128xf32, #tpu.memory_space<hbm>>
    tpu.wait_dma2 semaphore(%arg16 : memref<!tpu.dma_semaphore, #tpu.memory_space<semaphore_mem>>) src(%arg8 : memref<80x128xf32, #tpu.memory_space<vmem>>) dst(%dma_wait3A_245 : memref<80x128xf32, #tpu.memory_space<hbm>>)
    %add3A_246 = arith.constant 320 : i32
    %add3A_247 = arith.addi %mul3A_2, %add3A_246 : i32
    %dma_start3A_248 = arith.constant 0 : i32
    %dma_start3A_249 = tpu.memref_slice %arg12[%add3A_247, %dma_start3A_248] : memref<10240x128xf32, #tpu.memory_space<vmem_shared>> -> memref<80x128xf32, #tpu.memory_space<vmem_shared>>
    %dma_start3A_250 = arith.constant 0 : i32
    %dma_start3A_251 = tpu.memref_slice %arg12[%add3A_247, %dma_start3A_250] : memref<10240x128xf32, #tpu.memory_space<vmem_shared>> -> memref<80x128xf32, #tpu.memory_space<vmem_shared>>
    tpu.enqueue_dma source(%dma_start3A_251 : memref<80x128xf32, #tpu.memory_space<vmem_shared>>) target(%arg8 : memref<80x128xf32, #tpu.memory_space<vmem>>) target_semaphore(%arg14 : memref<!tpu.dma_semaphore, #tpu.memory_space<semaphore_mem>>)
    %dma_wait3A_252 = arith.constant 0 : i32
    %dma_wait3A_253 = tpu.memref_slice %arg12[%mul3A_2, %dma_wait3A_252] : memref<10240x128xf32, #tpu.memory_space<vmem_shared>> -> memref<80x128xf32, #tpu.memory_space<vmem_shared>>
    %dma_wait3A_254 = arith.constant 0 : i32
    %dma_wait3A_255 = tpu.memref_slice %arg12[%mul3A_2, %dma_wait3A_254] : memref<10240x128xf32, #tpu.memory_space<vmem_shared>> -> memref<80x128xf32, #tpu.memory_space<vmem_shared>>
    tpu.wait_dma2 semaphore(%arg15 : memref<!tpu.dma_semaphore, #tpu.memory_space<semaphore_mem>>) src(%dma_wait3A_255 : memref<80x128xf32, #tpu.memory_space<vmem_shared>>) dst(%arg9 : memref<80x128xf32, #tpu.memory_space<vmem>>)
    %add3A_256 = arith.constant 240 : i32
    %add3A_257 = arith.addi %mul3A_2, %add3A_256 : i32
    %dma_start3A_258 = arith.constant 0 : i32
    %dma_start3A_259 = tpu.memref_slice %arg4[%arg0, %add3A_257, %dma_start3A_258] : memref<2x10240x128xf32, #tpu.memory_space<hbm>> -> memref<1x80x128xf32, #tpu.memory_space<hbm>>
    %dma_start3A_260 = tpu.memref_squeeze %dma_start3A_259 : memref<1x80x128xf32, #tpu.memory_space<hbm>> -> memref<80x128xf32, #tpu.memory_space<hbm>>
    %dma_start3A_261 = arith.constant 0 : i32
    %dma_start3A_262 = tpu.memref_slice %arg4[%arg0, %add3A_257, %dma_start3A_261] : memref<2x10240x128xf32, #tpu.memory_space<hbm>> -> memref<1x80x128xf32, #tpu.memory_space<hbm>>
    %dma_start3A_263 = tpu.memref_squeeze %dma_start3A_262 : memref<1x80x128xf32, #tpu.memory_space<hbm>> -> memref<80x128xf32, #tpu.memory_space<hbm>>
    tpu.enqueue_dma source(%arg9 : memref<80x128xf32, #tpu.memory_space<vmem>>) target(%dma_start3A_263 : memref<80x128xf32, #tpu.memory_space<hbm>>) target_semaphore(%arg17 : memref<!tpu.dma_semaphore, #tpu.memory_space<semaphore_mem>>)
    %dma_wait3A_264 = arith.constant 0 : i32
    %dma_wait3A_265 = tpu.memref_slice %arg4[%arg0, %mul3A_2, %dma_wait3A_264] : memref<2x10240x128xf32, #tpu.memory_space<hbm>> -> memref<1x80x128xf32, #tpu.memory_space<hbm>>
    %dma_wait3A_266 = tpu.memref_squeeze %dma_wait3A_265 : memref<1x80x128xf32, #tpu.memory_space<hbm>> -> memref<80x128xf32, #tpu.memory_space<hbm>>
    %dma_wait3A_267 = arith.constant 0 : i32
    %dma_wait3A_268 = tpu.memref_slice %arg4[%arg0, %mul3A_2, %dma_wait3A_267] : memref<2x10240x128xf32, #tpu.memory_space<hbm>> -> memref<1x80x128xf32, #tpu.memory_space<hbm>>
    %dma_wait3A_269 = tpu.memref_squeeze %dma_wait3A_268 : memref<1x80x128xf32, #tpu.memory_space<hbm>> -> memref<80x128xf32, #tpu.memory_space<hbm>>
    tpu.wait_dma2 semaphore(%arg17 : memref<!tpu.dma_semaphore, #tpu.memory_space<semaphore_mem>>) src(%arg9 : memref<80x128xf32, #tpu.memory_space<vmem>>) dst(%dma_wait3A_269 : memref<80x128xf32, #tpu.memory_space<hbm>>)
    %add3A_270 = arith.constant 400 : i32
    %add3A_271 = arith.addi %mul3A_2, %add3A_270 : i32
    %dma_start3A_272 = arith.constant 0 : i32
    %dma_start3A_273 = tpu.memref_slice %arg12[%add3A_271, %dma_start3A_272] : memref<10240x128xf32, #tpu.memory_space<vmem_shared>> -> memref<80x128xf32, #tpu.memory_space<vmem_shared>>
    %dma_start3A_274 = arith.constant 0 : i32
    %dma_start3A_275 = tpu.memref_slice %arg12[%add3A_271, %dma_start3A_274] : memref<10240x128xf32, #tpu.memory_space<vmem_shared>> -> memref<80x128xf32, #tpu.memory_space<vmem_shared>>
    tpu.enqueue_dma source(%dma_start3A_275 : memref<80x128xf32, #tpu.memory_space<vmem_shared>>) target(%arg9 : memref<80x128xf32, #tpu.memory_space<vmem>>) target_semaphore(%arg15 : memref<!tpu.dma_semaphore, #tpu.memory_space<semaphore_mem>>)
    %dma_wait3A_276 = arith.constant 0 : i32
    %dma_wait3A_277 = tpu.memref_slice %arg12[%mul3A_2, %dma_wait3A_276] : memref<10240x128xf32, #tpu.memory_space<vmem_shared>> -> memref<80x128xf32, #tpu.memory_space<vmem_shared>>
    %dma_wait3A_278 = arith.constant 0 : i32
    %dma_wait3A_279 = tpu.memref_slice %arg12[%mul3A_2, %dma_wait3A_278] : memref<10240x128xf32, #tpu.memory_space<vmem_shared>> -> memref<80x128xf32, #tpu.memory_space<vmem_shared>>
    tpu.wait_dma2 semaphore(%arg14 : memref<!tpu.dma_semaphore, #tpu.memory_space<semaphore_mem>>) src(%dma_wait3A_279 : memref<80x128xf32, #tpu.memory_space<vmem_shared>>) dst(%arg8 : memref<80x128xf32, #tpu.memory_space<vmem>>)
    %add3A_280 = arith.constant 320 : i32
    %add3A_281 = arith.addi %mul3A_2, %add3A_280 : i32
    %dma_start3A_282 = arith.constant 0 : i32
    %dma_start3A_283 = tpu.memref_slice %arg4[%arg0, %add3A_281, %dma_start3A_282] : memref<2x10240x128xf32, #tpu.memory_space<hbm>> -> memref<1x80x128xf32, #tpu.memory_space<hbm>>
    %dma_start3A_284 = tpu.memref_squeeze %dma_start3A_283 : memref<1x80x128xf32, #tpu.memory_space<hbm>> -> memref<80x128xf32, #tpu.memory_space<hbm>>
    %dma_start3A_285 = arith.constant 0 : i32
    %dma_start3A_286 = tpu.memref_slice %arg4[%arg0, %add3A_281, %dma_start3A_285] : memref<2x10240x128xf32, #tpu.memory_space<hbm>> -> memref<1x80x128xf32, #tpu.memory_space<hbm>>
    %dma_start3A_287 = tpu.memref_squeeze %dma_start3A_286 : memref<1x80x128xf32, #tpu.memory_space<hbm>> -> memref<80x128xf32, #tpu.memory_space<hbm>>
    tpu.enqueue_dma source(%arg8 : memref<80x128xf32, #tpu.memory_space<vmem>>) target(%dma_start3A_287 : memref<80x128xf32, #tpu.memory_space<hbm>>) target_semaphore(%arg16 : memref<!tpu.dma_semaphore, #tpu.memory_space<semaphore_mem>>)
    %dma_wait3A_288 = arith.constant 0 : i32
    %dma_wait3A_289 = tpu.memref_slice %arg4[%arg0, %mul3A_2, %dma_wait3A_288] : memref<2x10240x128xf32, #tpu.memory_space<hbm>> -> memref<1x80x128xf32, #tpu.memory_space<hbm>>
    %dma_wait3A_290 = tpu.memref_squeeze %dma_wait3A_289 : memref<1x80x128xf32, #tpu.memory_space<hbm>> -> memref<80x128xf32, #tpu.memory_space<hbm>>
    %dma_wait3A_291 = arith.constant 0 : i32
    %dma_wait3A_292 = tpu.memref_slice %arg4[%arg0, %mul3A_2, %dma_wait3A_291] : memref<2x10240x128xf32, #tpu.memory_space<hbm>> -> memref<1x80x128xf32, #tpu.memory_space<hbm>>
    %dma_wait3A_293 = tpu.memref_squeeze %dma_wait3A_292 : memref<1x80x128xf32, #tpu.memory_space<hbm>> -> memref<80x128xf32, #tpu.memory_space<hbm>>
    tpu.wait_dma2 semaphore(%arg16 : memref<!tpu.dma_semaphore, #tpu.memory_space<semaphore_mem>>) src(%arg8 : memref<80x128xf32, #tpu.memory_space<vmem>>) dst(%dma_wait3A_293 : memref<80x128xf32, #tpu.memory_space<hbm>>)
    %add3A_294 = arith.constant 480 : i32
    %add3A_295 = arith.addi %mul3A_2, %add3A_294 : i32
    %dma_start3A_296 = arith.constant 0 : i32
    %dma_start3A_297 = tpu.memref_slice %arg12[%add3A_295, %dma_start3A_296] : memref<10240x128xf32, #tpu.memory_space<vmem_shared>> -> memref<80x128xf32, #tpu.memory_space<vmem_shared>>
    %dma_start3A_298 = arith.constant 0 : i32
    %dma_start3A_299 = tpu.memref_slice %arg12[%add3A_295, %dma_start3A_298] : memref<10240x128xf32, #tpu.memory_space<vmem_shared>> -> memref<80x128xf32, #tpu.memory_space<vmem_shared>>
    tpu.enqueue_dma source(%dma_start3A_299 : memref<80x128xf32, #tpu.memory_space<vmem_shared>>) target(%arg8 : memref<80x128xf32, #tpu.memory_space<vmem>>) target_semaphore(%arg14 : memref<!tpu.dma_semaphore, #tpu.memory_space<semaphore_mem>>)
    %dma_wait3A_300 = arith.constant 0 : i32
    %dma_wait3A_301 = tpu.memref_slice %arg12[%mul3A_2, %dma_wait3A_300] : memref<10240x128xf32, #tpu.memory_space<vmem_shared>> -> memref<80x128xf32, #tpu.memory_space<vmem_shared>>
    %dma_wait3A_302 = arith.constant 0 : i32
    %dma_wait3A_303 = tpu.memref_slice %arg12[%mul3A_2, %dma_wait3A_302] : memref<10240x128xf32, #tpu.memory_space<vmem_shared>> -> memref<80x128xf32, #tpu.memory_space<vmem_shared>>
    tpu.wait_dma2 semaphore(%arg15 : memref<!tpu.dma_semaphore, #tpu.memory_space<semaphore_mem>>) src(%dma_wait3A_303 : memref<80x128xf32, #tpu.memory_space<vmem_shared>>) dst(%arg9 : memref<80x128xf32, #tpu.memory_space<vmem>>)
    %add3A_304 = arith.constant 400 : i32
    %add3A_305 = arith.addi %mul3A_2, %add3A_304 : i32
    %dma_start3A_306 = arith.constant 0 : i32
    %dma_start3A_307 = tpu.memref_slice %arg4[%arg0, %add3A_305, %dma_start3A_306] : memref<2x10240x128xf32, #tpu.memory_space<hbm>> -> memref<1x80x128xf32, #tpu.memory_space<hbm>>
    %dma_start3A_308 = tpu.memref_squeeze %dma_start3A_307 : memref<1x80x128xf32, #tpu.memory_space<hbm>> -> memref<80x128xf32, #tpu.memory_space<hbm>>
    %dma_start3A_309 = arith.constant 0 : i32
    %dma_start3A_310 = tpu.memref_slice %arg4[%arg0, %add3A_305, %dma_start3A_309] : memref<2x10240x128xf32, #tpu.memory_space<hbm>> -> memref<1x80x128xf32, #tpu.memory_space<hbm>>
    %dma_start3A_311 = tpu.memref_squeeze %dma_start3A_310 : memref<1x80x128xf32, #tpu.memory_space<hbm>> -> memref<80x128xf32, #tpu.memory_space<hbm>>
    tpu.enqueue_dma source(%arg9 : memref<80x128xf32, #tpu.memory_space<vmem>>) target(%dma_start3A_311 : memref<80x128xf32, #tpu.memory_space<hbm>>) target_semaphore(%arg17 : memref<!tpu.dma_semaphore, #tpu.memory_space<semaphore_mem>>)
    %dma_wait3A_312 = arith.constant 0 : i32
    %dma_wait3A_313 = tpu.memref_slice %arg4[%arg0, %mul3A_2, %dma_wait3A_312] : memref<2x10240x128xf32, #tpu.memory_space<hbm>> -> memref<1x80x128xf32, #tpu.memory_space<hbm>>
    %dma_wait3A_314 = tpu.memref_squeeze %dma_wait3A_313 : memref<1x80x128xf32, #tpu.memory_space<hbm>> -> memref<80x128xf32, #tpu.memory_space<hbm>>
    %dma_wait3A_315 = arith.constant 0 : i32
    %dma_wait3A_316 = tpu.memref_slice %arg4[%arg0, %mul3A_2, %dma_wait3A_315] : memref<2x10240x128xf32, #tpu.memory_space<hbm>> -> memref<1x80x128xf32, #tpu.memory_space<hbm>>
    %dma_wait3A_317 = tpu.memref_squeeze %dma_wait3A_316 : memref<1x80x128xf32, #tpu.memory_space<hbm>> -> memref<80x128xf32, #tpu.memory_space<hbm>>
    tpu.wait_dma2 semaphore(%arg17 : memref<!tpu.dma_semaphore, #tpu.memory_space<semaphore_mem>>) src(%arg9 : memref<80x128xf32, #tpu.memory_space<vmem>>) dst(%dma_wait3A_317 : memref<80x128xf32, #tpu.memory_space<hbm>>)
    %add3A_318 = arith.constant 560 : i32
    %add3A_319 = arith.addi %mul3A_2, %add3A_318 : i32
    %dma_start3A_320 = arith.constant 0 : i32
    %dma_start3A_321 = tpu.memref_slice %arg12[%add3A_319, %dma_start3A_320] : memref<10240x128xf32, #tpu.memory_space<vmem_shared>> -> memref<80x128xf32, #tpu.memory_space<vmem_shared>>
    %dma_start3A_322 = arith.constant 0 : i32
    %dma_start3A_323 = tpu.memref_slice %arg12[%add3A_319, %dma_start3A_322] : memref<10240x128xf32, #tpu.memory_space<vmem_shared>> -> memref<80x128xf32, #tpu.memory_space<vmem_shared>>
    tpu.enqueue_dma source(%dma_start3A_323 : memref<80x128xf32, #tpu.memory_space<vmem_shared>>) target(%arg9 : memref<80x128xf32, #tpu.memory_space<vmem>>) target_semaphore(%arg15 : memref<!tpu.dma_semaphore, #tpu.memory_space<semaphore_mem>>)
    %dma_wait3A_324 = arith.constant 0 : i32
    %dma_wait3A_325 = tpu.memref_slice %arg12[%mul3A_2, %dma_wait3A_324] : memref<10240x128xf32, #tpu.memory_space<vmem_shared>> -> memref<80x128xf32, #tpu.memory_space<vmem_shared>>
    %dma_wait3A_326 = arith.constant 0 : i32
    %dma_wait3A_327 = tpu.memref_slice %arg12[%mul3A_2, %dma_wait3A_326] : memref<10240x128xf32, #tpu.memory_space<vmem_shared>> -> memref<80x128xf32, #tpu.memory_space<vmem_shared>>
    tpu.wait_dma2 semaphore(%arg14 : memref<!tpu.dma_semaphore, #tpu.memory_space<semaphore_mem>>) src(%dma_wait3A_327 : memref<80x128xf32, #tpu.memory_space<vmem_shared>>) dst(%arg8 : memref<80x128xf32, #tpu.memory_space<vmem>>)
    %add3A_328 = arith.constant 480 : i32
    %add3A_329 = arith.addi %mul3A_2, %add3A_328 : i32
    %dma_start3A_330 = arith.constant 0 : i32
    %dma_start3A_331 = tpu.memref_slice %arg4[%arg0, %add3A_329, %dma_start3A_330] : memref<2x10240x128xf32, #tpu.memory_space<hbm>> -> memref<1x80x128xf32, #tpu.memory_space<hbm>>
    %dma_start3A_332 = tpu.memref_squeeze %dma_start3A_331 : memref<1x80x128xf32, #tpu.memory_space<hbm>> -> memref<80x128xf32, #tpu.memory_space<hbm>>
    %dma_start3A_333 = arith.constant 0 : i32
    %dma_start3A_334 = tpu.memref_slice %arg4[%arg0, %add3A_329, %dma_start3A_333] : memref<2x10240x128xf32, #tpu.memory_space<hbm>> -> memref<1x80x128xf32, #tpu.memory_space<hbm>>
    %dma_start3A_335 = tpu.memref_squeeze %dma_start3A_334 : memref<1x80x128xf32, #tpu.memory_space<hbm>> -> memref<80x128xf32, #tpu.memory_space<hbm>>
    tpu.enqueue_dma source(%arg8 : memref<80x128xf32, #tpu.memory_space<vmem>>) target(%dma_start3A_335 : memref<80x128xf32, #tpu.memory_space<hbm>>) target_semaphore(%arg16 : memref<!tpu.dma_semaphore, #tpu.memory_space<semaphore_mem>>)
    %dma_wait3A_336 = arith.constant 0 : i32
    %dma_wait3A_337 = tpu.memref_slice %arg12[%mul3A_2, %dma_wait3A_336] : memref<10240x128xf32, #tpu.memory_space<vmem_shared>> -> memref<80x128xf32, #tpu.memory_space<vmem_shared>>
    %dma_wait3A_338 = arith.constant 0 : i32
    %dma_wait3A_339 = tpu.memref_slice %arg12[%mul3A_2, %dma_wait3A_338] : memref<10240x128xf32, #tpu.memory_space<vmem_shared>> -> memref<80x128xf32, #tpu.memory_space<vmem_shared>>
    tpu.wait_dma2 semaphore(%arg15 : memref<!tpu.dma_semaphore, #tpu.memory_space<semaphore_mem>>) src(%dma_wait3A_339 : memref<80x128xf32, #tpu.memory_space<vmem_shared>>) dst(%arg9 : memref<80x128xf32, #tpu.memory_space<vmem>>)
    %add3A_340 = arith.constant 560 : i32
    %add3A_341 = arith.addi %mul3A_2, %add3A_340 : i32
    %dma_start3A_342 = arith.constant 0 : i32
    %dma_start3A_343 = tpu.memref_slice %arg4[%arg0, %add3A_341, %dma_start3A_342] : memref<2x10240x128xf32, #tpu.memory_space<hbm>> -> memref<1x80x128xf32, #tpu.memory_space<hbm>>
    %dma_start3A_344 = tpu.memref_squeeze %dma_start3A_343 : memref<1x80x128xf32, #tpu.memory_space<hbm>> -> memref<80x128xf32, #tpu.memory_space<hbm>>
    %dma_start3A_345 = arith.constant 0 : i32
    %dma_start3A_346 = tpu.memref_slice %arg4[%arg0, %add3A_341, %dma_start3A_345] : memref<2x10240x128xf32, #tpu.memory_space<hbm>> -> memref<1x80x128xf32, #tpu.memory_space<hbm>>
    %dma_start3A_347 = tpu.memref_squeeze %dma_start3A_346 : memref<1x80x128xf32, #tpu.memory_space<hbm>> -> memref<80x128xf32, #tpu.memory_space<hbm>>
    tpu.enqueue_dma source(%arg9 : memref<80x128xf32, #tpu.memory_space<vmem>>) target(%dma_start3A_347 : memref<80x128xf32, #tpu.memory_space<hbm>>) target_semaphore(%arg17 : memref<!tpu.dma_semaphore, #tpu.memory_space<semaphore_mem>>)
    %dma_wait3A_348 = tpu.memref_slice %arg13[%mul3A_2] : memref<10240xf32, #tpu.memory_space<vmem_shared>> -> memref<640xf32, #tpu.memory_space<vmem_shared>>
    %dma_wait3A_349 = tpu.memref_slice %arg13[%mul3A_2] : memref<10240xf32, #tpu.memory_space<vmem_shared>> -> memref<640xf32, #tpu.memory_space<vmem_shared>>
    tpu.wait_dma2 semaphore(%arg18 : memref<!tpu.dma_semaphore, #tpu.memory_space<semaphore_mem>>) src(%dma_wait3A_349 : memref<640xf32, #tpu.memory_space<vmem_shared>>) dst(%arg11 : memref<640xf32, #tpu.memory_space<vmem>>)
    %dma_start3A_350 = tpu.memref_slice %arg5[%arg0, %mul3A_2] : memref<2x10240xf32, #tpu.memory_space<hbm>> -> memref<1x640xf32, #tpu.memory_space<hbm>>
    %dma_start3A_351 = tpu.memref_squeeze %dma_start3A_350 : memref<1x640xf32, #tpu.memory_space<hbm>> -> memref<640xf32, #tpu.memory_space<hbm>>
    %dma_start3A_352 = tpu.memref_slice %arg5[%arg0, %mul3A_2] : memref<2x10240xf32, #tpu.memory_space<hbm>> -> memref<1x640xf32, #tpu.memory_space<hbm>>
    %dma_start3A_353 = tpu.memref_squeeze %dma_start3A_352 : memref<1x640xf32, #tpu.memory_space<hbm>> -> memref<640xf32, #tpu.memory_space<hbm>>
    tpu.enqueue_dma source(%arg11 : memref<640xf32, #tpu.memory_space<vmem>>) target(%dma_start3A_353 : memref<640xf32, #tpu.memory_space<hbm>>) target_semaphore(%arg18 : memref<!tpu.dma_semaphore, #tpu.memory_space<semaphore_mem>>)
    %dma_wait3A_354 = arith.constant 0 : i32
    %dma_wait3A_355 = tpu.memref_slice %arg4[%arg0, %mul3A_2, %dma_wait3A_354] : memref<2x10240x128xf32, #tpu.memory_space<hbm>> -> memref<1x80x128xf32, #tpu.memory_space<hbm>>
    %dma_wait3A_356 = tpu.memref_squeeze %dma_wait3A_355 : memref<1x80x128xf32, #tpu.memory_space<hbm>> -> memref<80x128xf32, #tpu.memory_space<hbm>>
    %dma_wait3A_357 = arith.constant 0 : i32
    %dma_wait3A_358 = tpu.memref_slice %arg4[%arg0, %mul3A_2, %dma_wait3A_357] : memref<2x10240x128xf32, #tpu.memory_space<hbm>> -> memref<1x80x128xf32, #tpu.memory_space<hbm>>
    %dma_wait3A_359 = tpu.memref_squeeze %dma_wait3A_358 : memref<1x80x128xf32, #tpu.memory_space<hbm>> -> memref<80x128xf32, #tpu.memory_space<hbm>>
    tpu.wait_dma2 semaphore(%arg16 : memref<!tpu.dma_semaphore, #tpu.memory_space<semaphore_mem>>) src(%arg8 : memref<80x128xf32, #tpu.memory_space<vmem>>) dst(%dma_wait3A_359 : memref<80x128xf32, #tpu.memory_space<hbm>>)
    %dma_wait3A_360 = arith.constant 0 : i32
    %dma_wait3A_361 = tpu.memref_slice %arg4[%arg0, %mul3A_2, %dma_wait3A_360] : memref<2x10240x128xf32, #tpu.memory_space<hbm>> -> memref<1x80x128xf32, #tpu.memory_space<hbm>>
    %dma_wait3A_362 = tpu.memref_squeeze %dma_wait3A_361 : memref<1x80x128xf32, #tpu.memory_space<hbm>> -> memref<80x128xf32, #tpu.memory_space<hbm>>
    %dma_wait3A_363 = arith.constant 0 : i32
    %dma_wait3A_364 = tpu.memref_slice %arg4[%arg0, %mul3A_2, %dma_wait3A_363] : memref<2x10240x128xf32, #tpu.memory_space<hbm>> -> memref<1x80x128xf32, #tpu.memory_space<hbm>>
    %dma_wait3A_365 = tpu.memref_squeeze %dma_wait3A_364 : memref<1x80x128xf32, #tpu.memory_space<hbm>> -> memref<80x128xf32, #tpu.memory_space<hbm>>
    tpu.wait_dma2 semaphore(%arg17 : memref<!tpu.dma_semaphore, #tpu.memory_space<semaphore_mem>>) src(%arg9 : memref<80x128xf32, #tpu.memory_space<vmem>>) dst(%dma_wait3A_365 : memref<80x128xf32, #tpu.memory_space<hbm>>)
    %dma_wait3A_366 = tpu.memref_slice %arg5[%arg0, %mul3A_2] : memref<2x10240xf32, #tpu.memory_space<hbm>> -> memref<1x640xf32, #tpu.memory_space<hbm>>
    %dma_wait3A_367 = tpu.memref_squeeze %dma_wait3A_366 : memref<1x640xf32, #tpu.memory_space<hbm>> -> memref<640xf32, #tpu.memory_space<hbm>>
    %dma_wait3A_368 = tpu.memref_slice %arg5[%arg0, %mul3A_2] : memref<2x10240xf32, #tpu.memory_space<hbm>> -> memref<1x640xf32, #tpu.memory_space<hbm>>
    %dma_wait3A_369 = tpu.memref_squeeze %dma_wait3A_368 : memref<1x640xf32, #tpu.memory_space<hbm>> -> memref<640xf32, #tpu.memory_space<hbm>>
    tpu.wait_dma2 semaphore(%arg18 : memref<!tpu.dma_semaphore, #tpu.memory_space<semaphore_mem>>) src(%arg11 : memref<640xf32, #tpu.memory_space<vmem>>) dst(%dma_wait3A_369 : memref<640xf32, #tpu.memory_space<hbm>>)
    return
  }
}

#map = affine_map<(d0, d1) -> (0, 0)>
#map1 = affine_map<(d0, d1) -> (0, 0, 0, 0, 0)>
#map2 = affine_map<(d0, d1) -> (0, 0, 0)>
module attributes {stable_mosaic.version = 14 : i64} {
  func.func @body(%arg0: i32, %arg1: i32, %arg2: memref<10000x128xf32, #tpu.memory_space<hbm>>, %arg3: memref<2x32x5x25x80xi32, #tpu.memory_space<hbm>>, %arg4: memref<2x10240x128xf32, #tpu.memory_space<hbm>>, %arg5: memref<2x10240xf32, #tpu.memory_space<hbm>>, %arg6: memref<2x25x80xi32, #tpu.memory_space<vmem>>, %arg7: memref<2x25x80xi32, #tpu.memory_space<vmem>>, %arg8: memref<80x128xf32, #tpu.memory_space<vmem>>, %arg9: memref<80x128xf32, #tpu.memory_space<vmem>>, %arg10: memref<80xf32, #tpu.memory_space<vmem>>, %arg11: memref<640xf32, #tpu.memory_space<vmem>>, %arg12: memref<10240x128xf32, #tpu.memory_space<vmem_shared>>, %arg13: memref<10240xf32, #tpu.memory_space<vmem_shared>>, %arg14: memref<!tpu.dma_semaphore, #tpu.memory_space<semaphore_mem>>, %arg15: memref<!tpu.dma_semaphore, #tpu.memory_space<semaphore_mem>>, %arg16: memref<!tpu.dma_semaphore, #tpu.memory_space<semaphore_mem>>, %arg17: memref<!tpu.dma_semaphore, #tpu.memory_space<semaphore_mem>>, %arg18: memref<!tpu.dma_semaphore, #tpu.memory_space<semaphore_mem>>, %arg19: memref<!tpu.dma_semaphore, #tpu.memory_space<semaphore_mem>>) attributes {dimension_semantics = [#tpu.dimension_semantics<core_parallel>, #tpu.dimension_semantics<subcore_parallel>], iteration_bounds = array<i64: 2, 16>, scalar_prefetch = 0 : i64, scratch_operands = 14 : i64, tpu.core_type = #tpu.core_type<sc_vector_subcore>, window_params = [{transform_indices = #map}, {transform_indices = #map1}, {transform_indices = #map2}, {transform_indices = #map}]} {
    %mul3A = arith.constant 2 : i32
    %mul3A_0 = arith.muli %arg1, %mul3A : i32
    %add3A = arith.addi %mul3A_0, %arg0 : i32
    %mul3A_1 = arith.constant 640 : i32
    %mul3A_2 = arith.muli %arg1, %mul3A_1 : i32
    %dma_start3A = arith.constant 0 : i32
    %dma_start3A_3 = arith.constant 0 : i32
    %dma_start3A_4 = arith.constant 0 : i32
    %dma_start3A_5 = arith.constant 0 : i32
    %dma_start3A_6 = arith.constant 0 : i32
    %dma_start3A_7 = tpu.memref_slice %arg6[%dma_start3A_4, %dma_start3A_5, %dma_start3A_6] : memref<2x25x80xi32, #tpu.memory_space<vmem>> -> memref<1x25x80xi32, #tpu.memory_space<vmem>>
    %dma_start3A_8 = tpu.memref_squeeze %dma_start3A_7 : memref<1x25x80xi32, #tpu.memory_space<vmem>> -> memref<25x80xi32, #tpu.memory_space<vmem>>
    %dma_start3A_9 = arith.constant 0 : i32
    %dma_start3A_10 = arith.constant 0 : i32
    %dma_start3A_11 = tpu.memref_slice %arg3[%dma_start3A, %add3A, %dma_start3A_3, %dma_start3A_9, %dma_start3A_10] : memref<2x32x5x25x80xi32, #tpu.memory_space<hbm>> -> memref<1x1x1x25x80xi32, #tpu.memory_space<hbm>>
    %dma_start3A_12 = tpu.memref_squeeze %dma_start3A_11 : memref<1x1x1x25x80xi32, #tpu.memory_space<hbm>> -> memref<25x80xi32, #tpu.memory_space<hbm>>
    %dma_start3A_13 = arith.constant 0 : i32
    %dma_start3A_14 = arith.constant 0 : i32
    %dma_start3A_15 = tpu.memref_slice %arg6[%dma_start3A_4, %dma_start3A_13, %dma_start3A_14] : memref<2x25x80xi32, #tpu.memory_space<vmem>> -> memref<1x25x80xi32, #tpu.memory_space<vmem>>
    %dma_start3A_16 = tpu.memref_squeeze %dma_start3A_15 : memref<1x25x80xi32, #tpu.memory_space<vmem>> -> memref<25x80xi32, #tpu.memory_space<vmem>>
    %dma_start3A_17 = arith.constant 0 : i32
    %dma_start3A_18 = arith.constant 0 : i32
    %dma_start3A_19 = tpu.memref_slice %arg3[%dma_start3A, %add3A, %dma_start3A_3, %dma_start3A_17, %dma_start3A_18] : memref<2x32x5x25x80xi32, #tpu.memory_space<hbm>> -> memref<1x1x1x25x80xi32, #tpu.memory_space<hbm>>
    %dma_start3A_20 = tpu.memref_squeeze %dma_start3A_19 : memref<1x1x1x25x80xi32, #tpu.memory_space<hbm>> -> memref<25x80xi32, #tpu.memory_space<hbm>>
    tpu.enqueue_dma source(%dma_start3A_20 : memref<25x80xi32, #tpu.memory_space<hbm>>) target(%dma_start3A_16 : memref<25x80xi32, #tpu.memory_space<vmem>>) target_semaphore(%arg19 : memref<!tpu.dma_semaphore, #tpu.memory_space<semaphore_mem>>)
    %dma_start3A_21 = arith.constant 1 : i32
    %dma_start3A_22 = arith.constant 0 : i32
    %dma_start3A_23 = arith.constant 0 : i32
    %dma_start3A_24 = arith.constant 0 : i32
    %dma_start3A_25 = arith.constant 0 : i32
    %dma_start3A_26 = tpu.memref_slice %arg7[%dma_start3A_23, %dma_start3A_24, %dma_start3A_25] : memref<2x25x80xi32, #tpu.memory_space<vmem>> -> memref<1x25x80xi32, #tpu.memory_space<vmem>>
    %dma_start3A_27 = tpu.memref_squeeze %dma_start3A_26 : memref<1x25x80xi32, #tpu.memory_space<vmem>> -> memref<25x80xi32, #tpu.memory_space<vmem>>
    %dma_start3A_28 = arith.constant 0 : i32
    %dma_start3A_29 = arith.constant 0 : i32
    %dma_start3A_30 = tpu.memref_slice %arg3[%dma_start3A_21, %add3A, %dma_start3A_22, %dma_start3A_28, %dma_start3A_29] : memref<2x32x5x25x80xi32, #tpu.memory_space<hbm>> -> memref<1x1x1x25x80xi32, #tpu.memory_space<hbm>>
    %dma_start3A_31 = tpu.memref_squeeze %dma_start3A_30 : memref<1x1x1x25x80xi32, #tpu.memory_space<hbm>> -> memref<25x80xi32, #tpu.memory_space<hbm>>
    %dma_start3A_32 = arith.constant 0 : i32
    %dma_start3A_33 = arith.constant 0 : i32
    %dma_start3A_34 = tpu.memref_slice %arg7[%dma_start3A_23, %dma_start3A_32, %dma_start3A_33] : memref<2x25x80xi32, #tpu.memory_space<vmem>> -> memref<1x25x80xi32, #tpu.memory_space<vmem>>
    %dma_start3A_35 = tpu.memref_squeeze %dma_start3A_34 : memref<1x25x80xi32, #tpu.memory_space<vmem>> -> memref<25x80xi32, #tpu.memory_space<vmem>>
    %dma_start3A_36 = arith.constant 0 : i32
    %dma_start3A_37 = arith.constant 0 : i32
    %dma_start3A_38 = tpu.memref_slice %arg3[%dma_start3A_21, %add3A, %dma_start3A_22, %dma_start3A_36, %dma_start3A_37] : memref<2x32x5x25x80xi32, #tpu.memory_space<hbm>> -> memref<1x1x1x25x80xi32, #tpu.memory_space<hbm>>
    %dma_start3A_39 = tpu.memref_squeeze %dma_start3A_38 : memref<1x1x1x25x80xi32, #tpu.memory_space<hbm>> -> memref<25x80xi32, #tpu.memory_space<hbm>>
    tpu.enqueue_dma source(%dma_start3A_39 : memref<25x80xi32, #tpu.memory_space<hbm>>) target(%dma_start3A_35 : memref<25x80xi32, #tpu.memory_space<vmem>>) target_semaphore(%arg19 : memref<!tpu.dma_semaphore, #tpu.memory_space<semaphore_mem>>)
    %broadcast_in_dim3A = arith.constant 0.000000e+00 : f32
    %broadcast_in_dim3A_40 = vector.broadcast %broadcast_in_dim3A : f32 to vector<16xf32>
    %broadcast_in_dim3A_41 = arith.constant 1.000000e+00 : f32
    %broadcast_in_dim3A_42 = vector.broadcast %broadcast_in_dim3A_41 : f32 to vector<16xf32>
    %scan3A = arith.constant 0 : i32
    %scan3A_43 = arith.constant 0 : i32
    %scan3A_44 = arith.constant 80 : i32
    %scan3A_45 = arith.addi %scan3A_43, %scan3A_44 : i32
    %scan3A_46 = arith.constant 1 : i32
    %scan3A_47 = scf.for %scan3A_370 = %scan3A_43 to %scan3A_45 step %scan3A_46 iter_args(%scan3A_371 = %scan3A) -> (i32)  : i32 {
      %swap3A_372 = arith.index_cast %scan3A_370 : i32 to index
      %swap3A_373 = arith.constant 0 : index
      %swap3A_374 = tpu.vector_load %arg8[%swap3A_372, %swap3A_373] {strides = array<i32>} : memref<80x128xf32, #tpu.memory_space<vmem>>, vector<1x16xf32>,
      %swap3A_375 = vector.shape_cast %swap3A_374 : vector<1x16xf32> to vector<16xf32>
      %swap3A_376 = vector.shape_cast %broadcast_in_dim3A_40 : vector<16xf32> to vector<1x16xf32>
      tpu.vector_store %arg8[%swap3A_372, %swap3A_373], %swap3A_376 {strides = array<i32>} : memref<80x128xf32, #tpu.memory_space<vmem>>, vector<1x16xf32>,
      %swap3A_377 = arith.index_cast %scan3A_370 : i32 to index
      %swap3A_378 = arith.constant 16 : index
      %swap3A_379 = tpu.vector_load %arg8[%swap3A_377, %swap3A_378] {strides = array<i32>} : memref<80x128xf32, #tpu.memory_space<vmem>>, vector<1x16xf32>,
      %swap3A_380 = vector.shape_cast %swap3A_379 : vector<1x16xf32> to vector<16xf32>
      %swap3A_381 = vector.shape_cast %broadcast_in_dim3A_40 : vector<16xf32> to vector<1x16xf32>
      tpu.vector_store %arg8[%swap3A_377, %swap3A_378], %swap3A_381 {strides = array<i32>} : memref<80x128xf32, #tpu.memory_space<vmem>>, vector<1x16xf32>,
      %swap3A_382 = arith.index_cast %scan3A_370 : i32 to index
      %swap3A_383 = arith.constant 32 : index
      %swap3A_384 = tpu.vector_load %arg8[%swap3A_382, %swap3A_383] {strides = array<i32>} : memref<80x128xf32, #tpu.memory_space<vmem>>, vector<1x16xf32>,
      %swap3A_385 = vector.shape_cast %swap3A_384 : vector<1x16xf32> to vector<16xf32>
      %swap3A_386 = vector.shape_cast %broadcast_in_dim3A_40 : vector<16xf32> to vector<1x16xf32>
      tpu.vector_store %arg8[%swap3A_382, %swap3A_383], %swap3A_386 {strides = array<i32>} : memref<80x128xf32, #tpu.memory_space<vmem>>, vector<1x16xf32>,
      %swap3A_387 = arith.index_cast %scan3A_370 : i32 to index
      %swap3A_388 = arith.constant 48 : index
      %swap3A_389 = tpu.vector_load %arg8[%swap3A_387, %swap3A_388] {strides = array<i32>} : memref<80x128xf32, #tpu.memory_space<vmem>>, vector<1x16xf32>,
      %swap3A_390 = vector.shape_cast %swap3A_389 : vector<1x16xf32> to vector<16xf32>
      %swap3A_391 = vector.shape_cast %broadcast_in_dim3A_40 : vector<16xf32> to vector<1x16xf32>
      tpu.vector_store %arg8[%swap3A_387, %swap3A_388], %swap3A_391 {strides = array<i32>} : memref<80x128xf32, #tpu.memory_space<vmem>>, vector<1x16xf32>,
      %swap3A_392 = arith.index_cast %scan3A_370 : i32 to index
      %swap3A_393 = arith.constant 64 : index
      %swap3A_394 = tpu.vector_load %arg8[%swap3A_392, %swap3A_393] {strides = array<i32>} : memref<80x128xf32, #tpu.memory_space<vmem>>, vector<1x16xf32>,
      %swap3A_395 = vector.shape_cast %swap3A_394 : vector<1x16xf32> to vector<16xf32>
      %swap3A_396 = vector.shape_cast %broadcast_in_dim3A_40 : vector<16xf32> to vector<1x16xf32>
      tpu.vector_store %arg8[%swap3A_392, %swap3A_393], %swap3A_396 {strides = array<i32>} : memref<80x128xf32, #tpu.memory_space<vmem>>, vector<1x16xf32>,
      %swap3A_397 = arith.index_cast %scan3A_370 : i32 to index
      %swap3A_398 = arith.constant 80 : index
      %swap3A_399 = tpu.vector_load %arg8[%swap3A_397, %swap3A_398] {strides = array<i32>} : memref<80x128xf32, #tpu.memory_space<vmem>>, vector<1x16xf32>,
      %swap3A_400 = vector.shape_cast %swap3A_399 : vector<1x16xf32> to vector<16xf32>
      %swap3A_401 = vector.shape_cast %broadcast_in_dim3A_40 : vector<16xf32> to vector<1x16xf32>
      tpu.vector_store %arg8[%swap3A_397, %swap3A_398], %swap3A_401 {strides = array<i32>} : memref<80x128xf32, #tpu.memory_space<vmem>>, vector<1x16xf32>,
      %swap3A_402 = arith.index_cast %scan3A_370 : i32 to index
      %swap3A_403 = arith.constant 96 : index
      %swap3A_404 = tpu.vector_load %arg8[%swap3A_402, %swap3A_403] {strides = array<i32>} : memref<80x128xf32, #tpu.memory_space<vmem>>, vector<1x16xf32>,
      %swap3A_405 = vector.shape_cast %swap3A_404 : vector<1x16xf32> to vector<16xf32>
      %swap3A_406 = vector.shape_cast %broadcast_in_dim3A_40 : vector<16xf32> to vector<1x16xf32>
      tpu.vector_store %arg8[%swap3A_402, %swap3A_403], %swap3A_406 {strides = array<i32>} : memref<80x128xf32, #tpu.memory_space<vmem>>, vector<1x16xf32>,
      %swap3A_407 = arith.index_cast %scan3A_370 : i32 to index
      %swap3A_408 = arith.constant 112 : index
      %swap3A_409 = tpu.vector_load %arg8[%swap3A_407, %swap3A_408] {strides = array<i32>} : memref<80x128xf32, #tpu.memory_space<vmem>>, vector<1x16xf32>,
      %swap3A_410 = vector.shape_cast %swap3A_409 : vector<1x16xf32> to vector<16xf32>
      %swap3A_411 = vector.shape_cast %broadcast_in_dim3A_40 : vector<16xf32> to vector<1x16xf32>
      tpu.vector_store %arg8[%swap3A_407, %swap3A_408], %swap3A_411 {strides = array<i32>} : memref<80x128xf32, #tpu.memory_space<vmem>>, vector<1x16xf32>,
      %scan3A_412 = arith.constant 0 : i32
      scf.yield %scan3A_412 : i32
    }
    %scan3A_48 = arith.constant 80 : i32
    %scan3A_49 = arith.constant 0 : i32
    %scan3A_50 = arith.constant 0 : i32
    %scan3A_51 = arith.constant 5 : i32
    %scan3A_52 = arith.addi %scan3A_50, %scan3A_51 : i32
    %scan3A_53 = arith.constant 1 : i32
    %scan3A_54 = scf.for %scan3A_370 = %scan3A_50 to %scan3A_52 step %scan3A_53 iter_args(%scan3A_371 = %scan3A_49) -> (i32)  : i32 {
      %mul3A_372 = arith.constant 128 : i32
      %mul3A_373 = arith.muli %scan3A_370, %mul3A_372 : i32
      %add3A_374 = arith.constant 0 : i32
      %add3A_375 = arith.addi %mul3A_373, %add3A_374 : i32
      %swap3A_376 = arith.index_cast %add3A_375 : i32 to index
      %swap3A_377 = tpu.vector_load %arg11[%swap3A_376] {strides = array<i32>} : memref<640xf32, #tpu.memory_space<vmem>>, vector<16xf32>,
      %swap3A_378 = vector.shape_cast %swap3A_377 : vector<16xf32> to vector<16xf32>
      %swap3A_379 = vector.shape_cast %broadcast_in_dim3A_40 : vector<16xf32> to vector<16xf32>
      tpu.vector_store %arg11[%swap3A_376], %swap3A_379 {strides = array<i32>} : memref<640xf32, #tpu.memory_space<vmem>>, vector<16xf32>,
      %mul3A_380 = arith.constant 128 : i32
      %mul3A_381 = arith.muli %scan3A_370, %mul3A_380 : i32
      %add3A_382 = arith.constant 16 : i32
      %add3A_383 = arith.addi %mul3A_381, %add3A_382 : i32
      %swap3A_384 = arith.index_cast %add3A_383 : i32 to index
      %swap3A_385 = tpu.vector_load %arg11[%swap3A_384] {strides = array<i32>} : memref<640xf32, #tpu.memory_space<vmem>>, vector<16xf32>,
      %swap3A_386 = vector.shape_cast %swap3A_385 : vector<16xf32> to vector<16xf32>
      %swap3A_387 = vector.shape_cast %broadcast_in_dim3A_40 : vector<16xf32> to vector<16xf32>
      tpu.vector_store %arg11[%swap3A_384], %swap3A_387 {strides = array<i32>} : memref<640xf32, #tpu.memory_space<vmem>>, vector<16xf32>,
      %mul3A_388 = arith.constant 128 : i32
      %mul3A_389 = arith.muli %scan3A_370, %mul3A_388 : i32
      %add3A_390 = arith.constant 32 : i32
      %add3A_391 = arith.addi %mul3A_389, %add3A_390 : i32
      %swap3A_392 = arith.index_cast %add3A_391 : i32 to index
      %swap3A_393 = tpu.vector_load %arg11[%swap3A_392] {strides = array<i32>} : memref<640xf32, #tpu.memory_space<vmem>>, vector<16xf32>,
      %swap3A_394 = vector.shape_cast %swap3A_393 : vector<16xf32> to vector<16xf32>
      %swap3A_395 = vector.shape_cast %broadcast_in_dim3A_40 : vector<16xf32> to vector<16xf32>
      tpu.vector_store %arg11[%swap3A_392], %swap3A_395 {strides = array<i32>} : memref<640xf32, #tpu.memory_space<vmem>>, vector<16xf32>,
      %mul3A_396 = arith.constant 128 : i32
      %mul3A_397 = arith.muli %scan3A_370, %mul3A_396 : i32
      %add3A_398 = arith.constant 48 : i32
      %add3A_399 = arith.addi %mul3A_397, %add3A_398 : i32
      %swap3A_400 = arith.index_cast %add3A_399 : i32 to index
      %swap3A_401 = tpu.vector_load %arg11[%swap3A_400] {strides = array<i32>} : memref<640xf32, #tpu.memory_space<vmem>>, vector<16xf32>,
      %swap3A_402 = vector.shape_cast %swap3A_401 : vector<16xf32> to vector<16xf32>
      %swap3A_403 = vector.shape_cast %broadcast_in_dim3A_40 : vector<16xf32> to vector<16xf32>
      tpu.vector_store %arg11[%swap3A_400], %swap3A_403 {strides = array<i32>} : memref<640xf32, #tpu.memory_space<vmem>>, vector<16xf32>,
      %mul3A_404 = arith.constant 128 : i32
      %mul3A_405 = arith.muli %scan3A_370, %mul3A_404 : i32
      %add3A_406 = arith.constant 64 : i32
      %add3A_407 = arith.addi %mul3A_405, %add3A_406 : i32
      %swap3A_408 = arith.index_cast %add3A_407 : i32 to index
      %swap3A_409 = tpu.vector_load %arg11[%swap3A_408] {strides = array<i32>} : memref<640xf32, #tpu.memory_space<vmem>>, vector<16xf32>,
      %swap3A_410 = vector.shape_cast %swap3A_409 : vector<16xf32> to vector<16xf32>
      %swap3A_411 = vector.shape_cast %broadcast_in_dim3A_40 : vector<16xf32> to vector<16xf32>
      tpu.vector_store %arg11[%swap3A_408], %swap3A_411 {strides = array<i32>} : memref<640xf32, #tpu.memory_space<vmem>>, vector<16xf32>,
      %mul3A_412 = arith.constant 128 : i32
      %mul3A_413 = arith.muli %scan3A_370, %mul3A_412 : i32
      %add3A_414 = arith.constant 80 : i32
      %add3A_415 = arith.addi %mul3A_413, %add3A_414 : i32
      %swap3A_416 = arith.index_cast %add3A_415 : i32 to index
      %swap3A_417 = tpu.vector_load %arg11[%swap3A_416] {strides = array<i32>} : memref<640xf32, #tpu.memory_space<vmem>>, vector<16xf32>,
      %swap3A_418 = vector.shape_cast %swap3A_417 : vector<16xf32> to vector<16xf32>
      %swap3A_419 = vector.shape_cast %broadcast_in_dim3A_40 : vector<16xf32> to vector<16xf32>
      tpu.vector_store %arg11[%swap3A_416], %swap3A_419 {strides = array<i32>} : memref<640xf32, #tpu.memory_space<vmem>>, vector<16xf32>,
      %mul3A_420 = arith.constant 128 : i32
      %mul3A_421 = arith.muli %scan3A_370, %mul3A_420 : i32
      %add3A_422 = arith.constant 96 : i32
      %add3A_423 = arith.addi %mul3A_421, %add3A_422 : i32
      %swap3A_424 = arith.index_cast %add3A_423 : i32 to index
      %swap3A_425 = tpu.vector_load %arg11[%swap3A_424] {strides = array<i32>} : memref<640xf32, #tpu.memory_space<vmem>>, vector<16xf32>,
      %swap3A_426 = vector.shape_cast %swap3A_425 : vector<16xf32> to vector<16xf32>
      %swap3A_427 = vector.shape_cast %broadcast_in_dim3A_40 : vector<16xf32> to vector<16xf32>
      tpu.vector_store %arg11[%swap3A_424], %swap3A_427 {strides = array<i32>} : memref<640xf32, #tpu.memory_space<vmem>>, vector<16xf32>,
      %mul3A_428 = arith.constant 128 : i32
      %mul3A_429 = arith.muli %scan3A_370, %mul3A_428 : i32
      %add3A_430 = arith.constant 112 : i32
      %add3A_431 = arith.addi %mul3A_429, %add3A_430 : i32
      %swap3A_432 = arith.index_cast %add3A_431 : i32 to index
      %swap3A_433 = tpu.vector_load %arg11[%swap3A_432] {strides = array<i32>} : memref<640xf32, #tpu.memory_space<vmem>>, vector<16xf32>,
      %swap3A_434 = vector.shape_cast %swap3A_433 : vector<16xf32> to vector<16xf32>
      %swap3A_435 = vector.shape_cast %broadcast_in_dim3A_40 : vector<16xf32> to vector<16xf32>
      tpu.vector_store %arg11[%swap3A_432], %swap3A_435 {strides = array<i32>} : memref<640xf32, #tpu.memory_space<vmem>>, vector<16xf32>,
      %scan3A_436 = arith.constant 0 : i32
      scf.yield %scan3A_436 : i32
    }
    %scan3A_55 = arith.constant 5 : i32
    %swap3A = arith.constant 0 : index
    %swap3A_56 = tpu.vector_load %arg10[%swap3A] {strides = array<i32>} : memref<80xf32, #tpu.memory_space<vmem>>, vector<16xf32>,
    %swap3A_57 = vector.shape_cast %swap3A_56 : vector<16xf32> to vector<16xf32>
    %swap3A_58 = vector.shape_cast %broadcast_in_dim3A_42 : vector<16xf32> to vector<16xf32>
    tpu.vector_store %arg10[%swap3A], %swap3A_58 {strides = array<i32>} : memref<80xf32, #tpu.memory_space<vmem>>, vector<16xf32>,
    %swap3A_59 = arith.constant 16 : index
    %swap3A_60 = tpu.vector_load %arg10[%swap3A_59] {strides = array<i32>} : memref<80xf32, #tpu.memory_space<vmem>>, vector<16xf32>,
    %swap3A_61 = vector.shape_cast %swap3A_60 : vector<16xf32> to vector<16xf32>
    %swap3A_62 = vector.shape_cast %broadcast_in_dim3A_42 : vector<16xf32> to vector<16xf32>
    tpu.vector_store %arg10[%swap3A_59], %swap3A_62 {strides = array<i32>} : memref<80xf32, #tpu.memory_space<vmem>>, vector<16xf32>,
    %swap3A_63 = arith.constant 32 : index
    %swap3A_64 = tpu.vector_load %arg10[%swap3A_63] {strides = array<i32>} : memref<80xf32, #tpu.memory_space<vmem>>, vector<16xf32>,
    %swap3A_65 = vector.shape_cast %swap3A_64 : vector<16xf32> to vector<16xf32>
    %swap3A_66 = vector.shape_cast %broadcast_in_dim3A_42 : vector<16xf32> to vector<16xf32>
    tpu.vector_store %arg10[%swap3A_63], %swap3A_66 {strides = array<i32>} : memref<80xf32, #tpu.memory_space<vmem>>, vector<16xf32>,
    %swap3A_67 = arith.constant 48 : index
    %swap3A_68 = tpu.vector_load %arg10[%swap3A_67] {strides = array<i32>} : memref<80xf32, #tpu.memory_space<vmem>>, vector<16xf32>,
    %swap3A_69 = vector.shape_cast %swap3A_68 : vector<16xf32> to vector<16xf32>
    %swap3A_70 = vector.shape_cast %broadcast_in_dim3A_42 : vector<16xf32> to vector<16xf32>
    tpu.vector_store %arg10[%swap3A_67], %swap3A_70 {strides = array<i32>} : memref<80xf32, #tpu.memory_space<vmem>>, vector<16xf32>,
    %swap3A_71 = arith.constant 64 : index
    %swap3A_72 = tpu.vector_load %arg10[%swap3A_71] {strides = array<i32>} : memref<80xf32, #tpu.memory_space<vmem>>, vector<16xf32>,
    %swap3A_73 = vector.shape_cast %swap3A_72 : vector<16xf32> to vector<16xf32>
    %swap3A_74 = vector.shape_cast %broadcast_in_dim3A_42 : vector<16xf32> to vector<16xf32>
    tpu.vector_store %arg10[%swap3A_71], %swap3A_74 {strides = array<i32>} : memref<80xf32, #tpu.memory_space<vmem>>, vector<16xf32>,
    %add3A_75 = arith.constant 0 : i32
    %add3A_76 = arith.addi %mul3A_2, %add3A_75 : i32
    %dma_start3A_77 = arith.constant 0 : i32
    %dma_start3A_78 = tpu.memref_slice %arg12[%add3A_76, %dma_start3A_77] : memref<10240x128xf32, #tpu.memory_space<vmem_shared>> -> memref<80x128xf32, #tpu.memory_space<vmem_shared>>
    %dma_start3A_79 = arith.constant 0 : i32
    %dma_start3A_80 = tpu.memref_slice %arg12[%add3A_76, %dma_start3A_79] : memref<10240x128xf32, #tpu.memory_space<vmem_shared>> -> memref<80x128xf32, #tpu.memory_space<vmem_shared>>
    tpu.enqueue_dma source(%arg8 : memref<80x128xf32, #tpu.memory_space<vmem>>) target(%dma_start3A_80 : memref<80x128xf32, #tpu.memory_space<vmem_shared>>) target_semaphore(%arg16 : memref<!tpu.dma_semaphore, #tpu.memory_space<semaphore_mem>>)
    %add3A_81 = arith.constant 80 : i32
    %add3A_82 = arith.addi %mul3A_2, %add3A_81 : i32
    %dma_start3A_83 = arith.constant 0 : i32
    %dma_start3A_84 = tpu.memref_slice %arg12[%add3A_82, %dma_start3A_83] : memref<10240x128xf32, #tpu.memory_space<vmem_shared>> -> memref<80x128xf32, #tpu.memory_space<vmem_shared>>
    %dma_start3A_85 = arith.constant 0 : i32
    %dma_start3A_86 = tpu.memref_slice %arg12[%add3A_82, %dma_start3A_85] : memref<10240x128xf32, #tpu.memory_space<vmem_shared>> -> memref<80x128xf32, #tpu.memory_space<vmem_shared>>
    tpu.enqueue_dma source(%arg8 : memref<80x128xf32, #tpu.memory_space<vmem>>) target(%dma_start3A_86 : memref<80x128xf32, #tpu.memory_space<vmem_shared>>) target_semaphore(%arg16 : memref<!tpu.dma_semaphore, #tpu.memory_space<semaphore_mem>>)
    %add3A_87 = arith.constant 160 : i32
    %add3A_88 = arith.addi %mul3A_2, %add3A_87 : i32
    %dma_start3A_89 = arith.constant 0 : i32
    %dma_start3A_90 = tpu.memref_slice %arg12[%add3A_88, %dma_start3A_89] : memref<10240x128xf32, #tpu.memory_space<vmem_shared>> -> memref<80x128xf32, #tpu.memory_space<vmem_shared>>
    %dma_start3A_91 = arith.constant 0 : i32
    %dma_start3A_92 = tpu.memref_slice %arg12[%add3A_88, %dma_start3A_91] : memref<10240x128xf32, #tpu.memory_space<vmem_shared>> -> memref<80x128xf32, #tpu.memory_space<vmem_shared>>
    tpu.enqueue_dma source(%arg8 : memref<80x128xf32, #tpu.memory_space<vmem>>) target(%dma_start3A_92 : memref<80x128xf32, #tpu.memory_space<vmem_shared>>) target_semaphore(%arg16 : memref<!tpu.dma_semaphore, #tpu.memory_space<semaphore_mem>>)
    %add3A_93 = arith.constant 240 : i32
    %add3A_94 = arith.addi %mul3A_2, %add3A_93 : i32
    %dma_start3A_95 = arith.constant 0 : i32
    %dma_start3A_96 = tpu.memref_slice %arg12[%add3A_94, %dma_start3A_95] : memref<10240x128xf32, #tpu.memory_space<vmem_shared>> -> memref<80x128xf32, #tpu.memory_space<vmem_shared>>
    %dma_start3A_97 = arith.constant 0 : i32
    %dma_start3A_98 = tpu.memref_slice %arg12[%add3A_94, %dma_start3A_97] : memref<10240x128xf32, #tpu.memory_space<vmem_shared>> -> memref<80x128xf32, #tpu.memory_space<vmem_shared>>
    tpu.enqueue_dma source(%arg8 : memref<80x128xf32, #tpu.memory_space<vmem>>) target(%dma_start3A_98 : memref<80x128xf32, #tpu.memory_space<vmem_shared>>) target_semaphore(%arg16 : memref<!tpu.dma_semaphore, #tpu.memory_space<semaphore_mem>>)
    %add3A_99 = arith.constant 320 : i32
    %add3A_100 = arith.addi %mul3A_2, %add3A_99 : i32
    %dma_start3A_101 = arith.constant 0 : i32
    %dma_start3A_102 = tpu.memref_slice %arg12[%add3A_100, %dma_start3A_101] : memref<10240x128xf32, #tpu.memory_space<vmem_shared>> -> memref<80x128xf32, #tpu.memory_space<vmem_shared>>
    %dma_start3A_103 = arith.constant 0 : i32
    %dma_start3A_104 = tpu.memref_slice %arg12[%add3A_100, %dma_start3A_103] : memref<10240x128xf32, #tpu.memory_space<vmem_shared>> -> memref<80x128xf32, #tpu.memory_space<vmem_shared>>
    tpu.enqueue_dma source(%arg8 : memref<80x128xf32, #tpu.memory_space<vmem>>) target(%dma_start3A_104 : memref<80x128xf32, #tpu.memory_space<vmem_shared>>) target_semaphore(%arg16 : memref<!tpu.dma_semaphore, #tpu.memory_space<semaphore_mem>>)
    %add3A_105 = arith.constant 400 : i32
    %add3A_106 = arith.addi %mul3A_2, %add3A_105 : i32
    %dma_start3A_107 = arith.constant 0 : i32
    %dma_start3A_108 = tpu.memref_slice %arg12[%add3A_106, %dma_start3A_107] : memref<10240x128xf32, #tpu.memory_space<vmem_shared>> -> memref<80x128xf32, #tpu.memory_space<vmem_shared>>
    %dma_start3A_109 = arith.constant 0 : i32
    %dma_start3A_110 = tpu.memref_slice %arg12[%add3A_106, %dma_start3A_109] : memref<10240x128xf32, #tpu.memory_space<vmem_shared>> -> memref<80x128xf32, #tpu.memory_space<vmem_shared>>
    tpu.enqueue_dma source(%arg8 : memref<80x128xf32, #tpu.memory_space<vmem>>) target(%dma_start3A_110 : memref<80x128xf32, #tpu.memory_space<vmem_shared>>) target_semaphore(%arg16 : memref<!tpu.dma_semaphore, #tpu.memory_space<semaphore_mem>>)
    %add3A_111 = arith.constant 480 : i32
    %add3A_112 = arith.addi %mul3A_2, %add3A_111 : i32
    %dma_start3A_113 = arith.constant 0 : i32
    %dma_start3A_114 = tpu.memref_slice %arg12[%add3A_112, %dma_start3A_113] : memref<10240x128xf32, #tpu.memory_space<vmem_shared>> -> memref<80x128xf32, #tpu.memory_space<vmem_shared>>
    %dma_start3A_115 = arith.constant 0 : i32
    %dma_start3A_116 = tpu.memref_slice %arg12[%add3A_112, %dma_start3A_115] : memref<10240x128xf32, #tpu.memory_space<vmem_shared>> -> memref<80x128xf32, #tpu.memory_space<vmem_shared>>
    tpu.enqueue_dma source(%arg8 : memref<80x128xf32, #tpu.memory_space<vmem>>) target(%dma_start3A_116 : memref<80x128xf32, #tpu.memory_space<vmem_shared>>) target_semaphore(%arg16 : memref<!tpu.dma_semaphore, #tpu.memory_space<semaphore_mem>>)
    %add3A_117 = arith.constant 560 : i32
    %add3A_118 = arith.addi %mul3A_2, %add3A_117 : i32
    %dma_start3A_119 = arith.constant 0 : i32
    %dma_start3A_120 = tpu.memref_slice %arg12[%add3A_118, %dma_start3A_119] : memref<10240x128xf32, #tpu.memory_space<vmem_shared>> -> memref<80x128xf32, #tpu.memory_space<vmem_shared>>
    %dma_start3A_121 = arith.constant 0 : i32
    %dma_start3A_122 = tpu.memref_slice %arg12[%add3A_118, %dma_start3A_121] : memref<10240x128xf32, #tpu.memory_space<vmem_shared>> -> memref<80x128xf32, #tpu.memory_space<vmem_shared>>
    tpu.enqueue_dma source(%arg8 : memref<80x128xf32, #tpu.memory_space<vmem>>) target(%dma_start3A_122 : memref<80x128xf32, #tpu.memory_space<vmem_shared>>) target_semaphore(%arg16 : memref<!tpu.dma_semaphore, #tpu.memory_space<semaphore_mem>>)
    %dma_start3A_123 = tpu.memref_slice %arg13[%mul3A_2] : memref<10240xf32, #tpu.memory_space<vmem_shared>> -> memref<640xf32, #tpu.memory_space<vmem_shared>>
    %dma_start3A_124 = tpu.memref_slice %arg13[%mul3A_2] : memref<10240xf32, #tpu.memory_space<vmem_shared>> -> memref<640xf32, #tpu.memory_space<vmem_shared>>
    tpu.enqueue_dma source(%arg11 : memref<640xf32, #tpu.memory_space<vmem>>) target(%dma_start3A_124 : memref<640xf32, #tpu.memory_space<vmem_shared>>) target_semaphore(%arg17 : memref<!tpu.dma_semaphore, #tpu.memory_space<semaphore_mem>>)
    %dma_wait3A = arith.constant 0 : i32
    %dma_wait3A_125 = tpu.memref_slice %arg12[%mul3A_2, %dma_wait3A] : memref<10240x128xf32, #tpu.memory_space<vmem_shared>> -> memref<80x128xf32, #tpu.memory_space<vmem_shared>>
    %dma_wait3A_126 = arith.constant 0 : i32
    %dma_wait3A_127 = tpu.memref_slice %arg12[%mul3A_2, %dma_wait3A_126] : memref<10240x128xf32, #tpu.memory_space<vmem_shared>> -> memref<80x128xf32, #tpu.memory_space<vmem_shared>>
    tpu.wait_dma2 semaphore(%arg16 : memref<!tpu.dma_semaphore, #tpu.memory_space<semaphore_mem>>) src(%arg8 : memref<80x128xf32, #tpu.memory_space<vmem>>) dst(%dma_wait3A_127 : memref<80x128xf32, #tpu.memory_space<vmem_shared>>)
    %dma_wait3A_128 = arith.constant 0 : i32
    %dma_wait3A_129 = tpu.memref_slice %arg12[%mul3A_2, %dma_wait3A_128] : memref<10240x128xf32, #tpu.memory_space<vmem_shared>> -> memref<80x128xf32, #tpu.memory_space<vmem_shared>>
    %dma_wait3A_130 = arith.constant 0 : i32
    %dma_wait3A_131 = tpu.memref_slice %arg12[%mul3A_2, %dma_wait3A_130] : memref<10240x128xf32, #tpu.memory_space<vmem_shared>> -> memref<80x128xf32, #tpu.memory_space<vmem_shared>>
    tpu.wait_dma2 semaphore(%arg16 : memref<!tpu.dma_semaphore, #tpu.memory_space<semaphore_mem>>) src(%arg8 : memref<80x128xf32, #tpu.memory_space<vmem>>) dst(%dma_wait3A_131 : memref<80x128xf32, #tpu.memory_space<vmem_shared>>)
    %dma_wait3A_132 = arith.constant 0 : i32
    %dma_wait3A_133 = tpu.memref_slice %arg12[%mul3A_2, %dma_wait3A_132] : memref<10240x128xf32, #tpu.memory_space<vmem_shared>> -> memref<80x128xf32, #tpu.memory_space<vmem_shared>>
    %dma_wait3A_134 = arith.constant 0 : i32
    %dma_wait3A_135 = tpu.memref_slice %arg12[%mul3A_2, %dma_wait3A_134] : memref<10240x128xf32, #tpu.memory_space<vmem_shared>> -> memref<80x128xf32, #tpu.memory_space<vmem_shared>>
    tpu.wait_dma2 semaphore(%arg16 : memref<!tpu.dma_semaphore, #tpu.memory_space<semaphore_mem>>) src(%arg8 : memref<80x128xf32, #tpu.memory_space<vmem>>) dst(%dma_wait3A_135 : memref<80x128xf32, #tpu.memory_space<vmem_shared>>)
    %dma_wait3A_136 = arith.constant 0 : i32
    %dma_wait3A_137 = tpu.memref_slice %arg12[%mul3A_2, %dma_wait3A_136] : memref<10240x128xf32, #tpu.memory_space<vmem_shared>> -> memref<80x128xf32, #tpu.memory_space<vmem_shared>>
    %dma_wait3A_138 = arith.constant 0 : i32
    %dma_wait3A_139 = tpu.memref_slice %arg12[%mul3A_2, %dma_wait3A_138] : memref<10240x128xf32, #tpu.memory_space<vmem_shared>> -> memref<80x128xf32, #tpu.memory_space<vmem_shared>>
    tpu.wait_dma2 semaphore(%arg16 : memref<!tpu.dma_semaphore, #tpu.memory_space<semaphore_mem>>) src(%arg8 : memref<80x128xf32, #tpu.memory_space<vmem>>) dst(%dma_wait3A_139 : memref<80x128xf32, #tpu.memory_space<vmem_shared>>)
    %dma_wait3A_140 = arith.constant 0 : i32
    %dma_wait3A_141 = tpu.memref_slice %arg12[%mul3A_2, %dma_wait3A_140] : memref<10240x128xf32, #tpu.memory_space<vmem_shared>> -> memref<80x128xf32, #tpu.memory_space<vmem_shared>>
    %dma_wait3A_142 = arith.constant 0 : i32
    %dma_wait3A_143 = tpu.memref_slice %arg12[%mul3A_2, %dma_wait3A_142] : memref<10240x128xf32, #tpu.memory_space<vmem_shared>> -> memref<80x128xf32, #tpu.memory_space<vmem_shared>>
    tpu.wait_dma2 semaphore(%arg16 : memref<!tpu.dma_semaphore, #tpu.memory_space<semaphore_mem>>) src(%arg8 : memref<80x128xf32, #tpu.memory_space<vmem>>) dst(%dma_wait3A_143 : memref<80x128xf32, #tpu.memory_space<vmem_shared>>)
    %dma_wait3A_144 = arith.constant 0 : i32
    %dma_wait3A_145 = tpu.memref_slice %arg12[%mul3A_2, %dma_wait3A_144] : memref<10240x128xf32, #tpu.memory_space<vmem_shared>> -> memref<80x128xf32, #tpu.memory_space<vmem_shared>>
    %dma_wait3A_146 = arith.constant 0 : i32
    %dma_wait3A_147 = tpu.memref_slice %arg12[%mul3A_2, %dma_wait3A_146] : memref<10240x128xf32, #tpu.memory_space<vmem_shared>> -> memref<80x128xf32, #tpu.memory_space<vmem_shared>>
    tpu.wait_dma2 semaphore(%arg16 : memref<!tpu.dma_semaphore, #tpu.memory_space<semaphore_mem>>) src(%arg8 : memref<80x128xf32, #tpu.memory_space<vmem>>) dst(%dma_wait3A_147 : memref<80x128xf32, #tpu.memory_space<vmem_shared>>)
    %dma_wait3A_148 = arith.constant 0 : i32
    %dma_wait3A_149 = tpu.memref_slice %arg12[%mul3A_2, %dma_wait3A_148] : memref<10240x128xf32, #tpu.memory_space<vmem_shared>> -> memref<80x128xf32, #tpu.memory_space<vmem_shared>>
    %dma_wait3A_150 = arith.constant 0 : i32
    %dma_wait3A_151 = tpu.memref_slice %arg12[%mul3A_2, %dma_wait3A_150] : memref<10240x128xf32, #tpu.memory_space<vmem_shared>> -> memref<80x128xf32, #tpu.memory_space<vmem_shared>>
    tpu.wait_dma2 semaphore(%arg16 : memref<!tpu.dma_semaphore, #tpu.memory_space<semaphore_mem>>) src(%arg8 : memref<80x128xf32, #tpu.memory_space<vmem>>) dst(%dma_wait3A_151 : memref<80x128xf32, #tpu.memory_space<vmem_shared>>)
    %dma_wait3A_152 = arith.constant 0 : i32
    %dma_wait3A_153 = tpu.memref_slice %arg12[%mul3A_2, %dma_wait3A_152] : memref<10240x128xf32, #tpu.memory_space<vmem_shared>> -> memref<80x128xf32, #tpu.memory_space<vmem_shared>>
    %dma_wait3A_154 = arith.constant 0 : i32
    %dma_wait3A_155 = tpu.memref_slice %arg12[%mul3A_2, %dma_wait3A_154] : memref<10240x128xf32, #tpu.memory_space<vmem_shared>> -> memref<80x128xf32, #tpu.memory_space<vmem_shared>>
    tpu.wait_dma2 semaphore(%arg16 : memref<!tpu.dma_semaphore, #tpu.memory_space<semaphore_mem>>) src(%arg8 : memref<80x128xf32, #tpu.memory_space<vmem>>) dst(%dma_wait3A_155 : memref<80x128xf32, #tpu.memory_space<vmem_shared>>)
    %dma_wait3A_156 = tpu.memref_slice %arg13[%mul3A_2] : memref<10240xf32, #tpu.memory_space<vmem_shared>> -> memref<640xf32, #tpu.memory_space<vmem_shared>>
    %dma_wait3A_157 = tpu.memref_slice %arg13[%mul3A_2] : memref<10240xf32, #tpu.memory_space<vmem_shared>> -> memref<640xf32, #tpu.memory_space<vmem_shared>>
    tpu.wait_dma2 semaphore(%arg17 : memref<!tpu.dma_semaphore, #tpu.memory_space<semaphore_mem>>) src(%arg11 : memref<640xf32, #tpu.memory_space<vmem>>) dst(%dma_wait3A_157 : memref<640xf32, #tpu.memory_space<vmem_shared>>)
    %barrier3A = arith.constant 0 : index
    tpu.barrier barrier_id(%barrier3A)
    %scan3A_158 = arith.constant 0 : i32
    %scan3A_159 = arith.constant 0 : i32
    %scan3A_160 = arith.constant 5 : i32
    %scan3A_161 = arith.addi %scan3A_159, %scan3A_160 : i32
    %scan3A_162 = arith.constant 1 : i32
    %scan3A_163 = scf.for %scan3A_370 = %scan3A_159 to %scan3A_161 step %scan3A_162 iter_args(%scan3A_371 = %scan3A_158) -> (i32)  : i32 {
      %jit3A = arith.constant 2 : i32
      %eq3A = arith.constant 0 : i32
      %eq3A_372 = arith.cmpi eq, %jit3A, %eq3A : i32
      %jit3A_373 = arith.constant 1 : i32
      %select_n3A = arith.select %eq3A_372, %jit3A_373, %jit3A : i32
      %rem3A = arith.remsi %scan3A_370, %select_n3A : i32
      %ne3A = arith.constant 0 : i32
      %ne3A_374 = arith.cmpi ne, %rem3A, %ne3A : i32
      %lt3A = arith.constant 0 : i32
      %lt3A_375 = arith.cmpi slt, %rem3A, %lt3A : i32
      %lt3A_376 = arith.constant 0 : i32
      %lt3A_377 = arith.cmpi slt, %select_n3A, %lt3A_376 : i32
      %ne3A_378 = arith.xori %lt3A_375, %lt3A_377 : i1
      %and3A = arith.andi %ne3A_378, %ne3A_374 : i1
      %add3A_379 = arith.addi %rem3A, %select_n3A : i32
      %select_n3A_380 = arith.select %and3A, %add3A_379, %rem3A : i32
      %jit3A_381 = arith.constant 2 : i32
      %eq3A_382 = arith.constant 0 : i32
      %eq3A_383 = arith.cmpi eq, %jit3A_381, %eq3A_382 : i32
      %jit3A_384 = arith.constant 1 : i32
      %select_n3A_385 = arith.select %eq3A_383, %jit3A_384, %jit3A_381 : i32
      %rem3A_386 = arith.remsi %scan3A_370, %select_n3A_385 : i32
      %ne3A_387 = arith.constant 0 : i32
      %ne3A_388 = arith.cmpi ne, %rem3A_386, %ne3A_387 : i32
      %lt3A_389 = arith.constant 0 : i32
      %lt3A_390 = arith.cmpi slt, %rem3A_386, %lt3A_389 : i32
      %lt3A_391 = arith.constant 0 : i32
      %lt3A_392 = arith.cmpi slt, %select_n3A_385, %lt3A_391 : i32
      %ne3A_393 = arith.xori %lt3A_390, %lt3A_392 : i1
      %and3A_394 = arith.andi %ne3A_393, %ne3A_388 : i1
      %add3A_395 = arith.addi %rem3A_386, %select_n3A_385 : i32
      %select_n3A_396 = arith.select %and3A_394, %add3A_395, %rem3A_386 : i32
      %dma_wait3A_397 = arith.constant 0 : i32
      %dma_wait3A_398 = arith.constant 0 : i32
      %dma_wait3A_399 = arith.constant 0 : i32
      %dma_wait3A_400 = arith.constant 0 : i32
      %dma_wait3A_401 = tpu.memref_slice %arg6[%select_n3A_396, %dma_wait3A_399, %dma_wait3A_400] : memref<2x25x80xi32, #tpu.memory_space<vmem>> -> memref<1x25x80xi32, #tpu.memory_space<vmem>>
      %dma_wait3A_402 = tpu.memref_squeeze %dma_wait3A_401 : memref<1x25x80xi32, #tpu.memory_space<vmem>> -> memref<25x80xi32, #tpu.memory_space<vmem>>
      %dma_wait3A_403 = arith.constant 0 : i32
      %dma_wait3A_404 = arith.constant 0 : i32
      %dma_wait3A_405 = tpu.memref_slice %arg3[%dma_wait3A_397, %add3A, %dma_wait3A_398, %dma_wait3A_403, %dma_wait3A_404] : memref<2x32x5x25x80xi32, #tpu.memory_space<hbm>> -> memref<1x1x1x25x80xi32, #tpu.memory_space<hbm>>
      %dma_wait3A_406 = tpu.memref_squeeze %dma_wait3A_405 : memref<1x1x1x25x80xi32, #tpu.memory_space<hbm>> -> memref<25x80xi32, #tpu.memory_space<hbm>>
      %dma_wait3A_407 = arith.constant 0 : i32
      %dma_wait3A_408 = arith.constant 0 : i32
      %dma_wait3A_409 = tpu.memref_slice %arg6[%select_n3A_396, %dma_wait3A_407, %dma_wait3A_408] : memref<2x25x80xi32, #tpu.memory_space<vmem>> -> memref<1x25x80xi32, #tpu.memory_space<vmem>>
      %dma_wait3A_410 = tpu.memref_squeeze %dma_wait3A_409 : memref<1x25x80xi32, #tpu.memory_space<vmem>> -> memref<25x80xi32, #tpu.memory_space<vmem>>
      %dma_wait3A_411 = arith.constant 0 : i32
      %dma_wait3A_412 = arith.constant 0 : i32
      %dma_wait3A_413 = tpu.memref_slice %arg3[%dma_wait3A_397, %add3A, %dma_wait3A_398, %dma_wait3A_411, %dma_wait3A_412] : memref<2x32x5x25x80xi32, #tpu.memory_space<hbm>> -> memref<1x1x1x25x80xi32, #tpu.memory_space<hbm>>
      %dma_wait3A_414 = tpu.memref_squeeze %dma_wait3A_413 : memref<1x1x1x25x80xi32, #tpu.memory_space<hbm>> -> memref<25x80xi32, #tpu.memory_space<hbm>>
      tpu.wait_dma2 semaphore(%arg19 : memref<!tpu.dma_semaphore, #tpu.memory_space<semaphore_mem>>) src(%dma_wait3A_414 : memref<25x80xi32, #tpu.memory_space<hbm>>) dst(%dma_wait3A_410 : memref<25x80xi32, #tpu.memory_space<vmem>>)
      %dma_wait3A_415 = arith.constant 1 : i32
      %dma_wait3A_416 = arith.constant 0 : i32
      %dma_wait3A_417 = arith.constant 0 : i32
      %dma_wait3A_418 = arith.constant 0 : i32
      %dma_wait3A_419 = tpu.memref_slice %arg7[%select_n3A_396, %dma_wait3A_417, %dma_wait3A_418] : memref<2x25x80xi32, #tpu.memory_space<vmem>> -> memref<1x25x80xi32, #tpu.memory_space<vmem>>
      %dma_wait3A_420 = tpu.memref_squeeze %dma_wait3A_419 : memref<1x25x80xi32, #tpu.memory_space<vmem>> -> memref<25x80xi32, #tpu.memory_space<vmem>>
      %dma_wait3A_421 = arith.constant 0 : i32
      %dma_wait3A_422 = arith.constant 0 : i32
      %dma_wait3A_423 = tpu.memref_slice %arg3[%dma_wait3A_415, %add3A, %dma_wait3A_416, %dma_wait3A_421, %dma_wait3A_422] : memref<2x32x5x25x80xi32, #tpu.memory_space<hbm>> -> memref<1x1x1x25x80xi32, #tpu.memory_space<hbm>>
      %dma_wait3A_424 = tpu.memref_squeeze %dma_wait3A_423 : memref<1x1x1x25x80xi32, #tpu.memory_space<hbm>> -> memref<25x80xi32, #tpu.memory_space<hbm>>
      %dma_wait3A_425 = arith.constant 0 : i32
      %dma_wait3A_426 = arith.constant 0 : i32
      %dma_wait3A_427 = tpu.memref_slice %arg7[%select_n3A_396, %dma_wait3A_425, %dma_wait3A_426] : memref<2x25x80xi32, #tpu.memory_space<vmem>> -> memref<1x25x80xi32, #tpu.memory_space<vmem>>
      %dma_wait3A_428 = tpu.memref_squeeze %dma_wait3A_427 : memref<1x25x80xi32, #tpu.memory_space<vmem>> -> memref<25x80xi32, #tpu.memory_space<vmem>>
      %dma_wait3A_429 = arith.constant 0 : i32
      %dma_wait3A_430 = arith.constant 0 : i32
      %dma_wait3A_431 = tpu.memref_slice %arg3[%dma_wait3A_415, %add3A, %dma_wait3A_416, %dma_wait3A_429, %dma_wait3A_430] : memref<2x32x5x25x80xi32, #tpu.memory_space<hbm>> -> memref<1x1x1x25x80xi32, #tpu.memory_space<hbm>>
      %dma_wait3A_432 = tpu.memref_squeeze %dma_wait3A_431 : memref<1x1x1x25x80xi32, #tpu.memory_space<hbm>> -> memref<25x80xi32, #tpu.memory_space<hbm>>
      tpu.wait_dma2 semaphore(%arg19 : memref<!tpu.dma_semaphore, #tpu.memory_space<semaphore_mem>>) src(%dma_wait3A_432 : memref<25x80xi32, #tpu.memory_space<hbm>>) dst(%dma_wait3A_428 : memref<25x80xi32, #tpu.memory_space<vmem>>)
      %add3A_433 = arith.constant 1 : i32
      %add3A_434 = arith.addi %scan3A_370, %add3A_433 : i32
      %lt3A_435 = arith.constant 5 : i32
      %lt3A_436 = arith.cmpi slt, %add3A_434, %lt3A_435 : i32
      %convert_element_type3A = arith.extui %lt3A_436 : i1 to i32
      %cond3A = arith.constant 0 : i32
      %cond3A_437 = arith.cmpi ne, %convert_element_type3A, %cond3A : i32
      scf.if %cond3A_437 {
        %add3A_489 = arith.constant 1 : i32
        %add3A_490 = arith.addi %scan3A_370, %add3A_489 : i32
        %jit3A_491 = arith.constant 2 : i32
        %eq3A_492 = arith.constant 0 : i32
        %eq3A_493 = arith.cmpi eq, %jit3A_491, %eq3A_492 : i32
        %jit3A_494 = arith.constant 1 : i32
        %select_n3A_495 = arith.select %eq3A_493, %jit3A_494, %jit3A_491 : i32
        %rem3A_496 = arith.remsi %add3A_490, %select_n3A_495 : i32
        %ne3A_497 = arith.constant 0 : i32
        %ne3A_498 = arith.cmpi ne, %rem3A_496, %ne3A_497 : i32
        %lt3A_499 = arith.constant 0 : i32
        %lt3A_500 = arith.cmpi slt, %rem3A_496, %lt3A_499 : i32
        %lt3A_501 = arith.constant 0 : i32
        %lt3A_502 = arith.cmpi slt, %select_n3A_495, %lt3A_501 : i32
        %ne3A_503 = arith.xori %lt3A_500, %lt3A_502 : i1
        %and3A_504 = arith.andi %ne3A_503, %ne3A_498 : i1
        %add3A_505 = arith.addi %rem3A_496, %select_n3A_495 : i32
        %select_n3A_506 = arith.select %and3A_504, %add3A_505, %rem3A_496 : i32
        %dma_start3A_507 = arith.constant 0 : i32
        %dma_start3A_508 = arith.constant 0 : i32
        %dma_start3A_509 = arith.constant 0 : i32
        %dma_start3A_510 = tpu.memref_slice %arg6[%select_n3A_506, %dma_start3A_508, %dma_start3A_509] : memref<2x25x80xi32, #tpu.memory_space<vmem>> -> memref<1x25x80xi32, #tpu.memory_space<vmem>>
        %dma_start3A_511 = tpu.memref_squeeze %dma_start3A_510 : memref<1x25x80xi32, #tpu.memory_space<vmem>> -> memref<25x80xi32, #tpu.memory_space<vmem>>
        %dma_start3A_512 = arith.constant 0 : i32
        %dma_start3A_513 = arith.constant 0 : i32
        %dma_start3A_514 = tpu.memref_slice %arg3[%dma_start3A_507, %add3A, %add3A_490, %dma_start3A_512, %dma_start3A_513] : memref<2x32x5x25x80xi32, #tpu.memory_space<hbm>> -> memref<1x1x1x25x80xi32, #tpu.memory_space<hbm>>
        %dma_start3A_515 = tpu.memref_squeeze %dma_start3A_514 : memref<1x1x1x25x80xi32, #tpu.memory_space<hbm>> -> memref<25x80xi32, #tpu.memory_space<hbm>>
        %dma_start3A_516 = arith.constant 0 : i32
        %dma_start3A_517 = arith.constant 0 : i32
        %dma_start3A_518 = tpu.memref_slice %arg6[%select_n3A_506, %dma_start3A_516, %dma_start3A_517] : memref<2x25x80xi32, #tpu.memory_space<vmem>> -> memref<1x25x80xi32, #tpu.memory_space<vmem>>
        %dma_start3A_519 = tpu.memref_squeeze %dma_start3A_518 : memref<1x25x80xi32, #tpu.memory_space<vmem>> -> memref<25x80xi32, #tpu.memory_space<vmem>>
        %dma_start3A_520 = arith.constant 0 : i32
        %dma_start3A_521 = arith.constant 0 : i32
        %dma_start3A_522 = tpu.memref_slice %arg3[%dma_start3A_507, %add3A, %add3A_490, %dma_start3A_520, %dma_start3A_521] : memref<2x32x5x25x80xi32, #tpu.memory_space<hbm>> -> memref<1x1x1x25x80xi32, #tpu.memory_space<hbm>>
        %dma_start3A_523 = tpu.memref_squeeze %dma_start3A_522 : memref<1x1x1x25x80xi32, #tpu.memory_space<hbm>> -> memref<25x80xi32, #tpu.memory_space<hbm>>
        tpu.enqueue_dma source(%dma_start3A_523 : memref<25x80xi32, #tpu.memory_space<hbm>>) target(%dma_start3A_519 : memref<25x80xi32, #tpu.memory_space<vmem>>) target_semaphore(%arg19 : memref<!tpu.dma_semaphore, #tpu.memory_space<semaphore_mem>>)
        %dma_start3A_524 = arith.constant 1 : i32
        %dma_start3A_525 = arith.constant 0 : i32
        %dma_start3A_526 = arith.constant 0 : i32
        %dma_start3A_527 = tpu.memref_slice %arg7[%select_n3A_506, %dma_start3A_525, %dma_start3A_526] : memref<2x25x80xi32, #tpu.memory_space<vmem>> -> memref<1x25x80xi32, #tpu.memory_space<vmem>>
        %dma_start3A_528 = tpu.memref_squeeze %dma_start3A_527 : memref<1x25x80xi32, #tpu.memory_space<vmem>> -> memref<25x80xi32, #tpu.memory_space<vmem>>
        %dma_start3A_529 = arith.constant 0 : i32
        %dma_start3A_530 = arith.constant 0 : i32
        %dma_start3A_531 = tpu.memref_slice %arg3[%dma_start3A_524, %add3A, %add3A_490, %dma_start3A_529, %dma_start3A_530] : memref<2x32x5x25x80xi32, #tpu.memory_space<hbm>> -> memref<1x1x1x25x80xi32, #tpu.memory_space<hbm>>
        %dma_start3A_532 = tpu.memref_squeeze %dma_start3A_531 : memref<1x1x1x25x80xi32, #tpu.memory_space<hbm>> -> memref<25x80xi32, #tpu.memory_space<hbm>>
        %dma_start3A_533 = arith.constant 0 : i32
        %dma_start3A_534 = arith.constant 0 : i32
        %dma_start3A_535 = tpu.memref_slice %arg7[%select_n3A_506, %dma_start3A_533, %dma_start3A_534] : memref<2x25x80xi32, #tpu.memory_space<vmem>> -> memref<1x25x80xi32, #tpu.memory_space<vmem>>
        %dma_start3A_536 = tpu.memref_squeeze %dma_start3A_535 : memref<1x25x80xi32, #tpu.memory_space<vmem>> -> memref<25x80xi32, #tpu.memory_space<vmem>>
        %dma_start3A_537 = arith.constant 0 : i32
        %dma_start3A_538 = arith.constant 0 : i32
        %dma_start3A_539 = tpu.memref_slice %arg3[%dma_start3A_524, %add3A, %add3A_490, %dma_start3A_537, %dma_start3A_538] : memref<2x32x5x25x80xi32, #tpu.memory_space<hbm>> -> memref<1x1x1x25x80xi32, #tpu.memory_space<hbm>>
        %dma_start3A_540 = tpu.memref_squeeze %dma_start3A_539 : memref<1x1x1x25x80xi32, #tpu.memory_space<hbm>> -> memref<25x80xi32, #tpu.memory_space<hbm>>
        tpu.enqueue_dma source(%dma_start3A_540 : memref<25x80xi32, #tpu.memory_space<hbm>>) target(%dma_start3A_536 : memref<25x80xi32, #tpu.memory_space<vmem>>) target_semaphore(%arg19 : memref<!tpu.dma_semaphore, #tpu.memory_space<semaphore_mem>>)
      } else {
      }
      %dma_start3A_438 = arith.constant 0 : i32
      %dma_start3A_439 = arith.constant 0 : i32
      %dma_start3A_440 = tpu.memref_slice %arg6[%select_n3A_380, %dma_start3A_438, %dma_start3A_439] : memref<2x25x80xi32, #tpu.memory_space<vmem>> -> memref<1x1x80xi32, #tpu.memory_space<vmem>>
      %dma_start3A_441 = tpu.memref_squeeze %dma_start3A_440 : memref<1x1x80xi32, #tpu.memory_space<vmem>> -> memref<80xi32, #tpu.memory_space<vmem>>
      %dma_start3A_442 = arith.constant 0 : i32
      %dma_start3A_443 = arith.constant 0 : i32
      %dma_start3A_444 = tpu.memref_slice %arg2[%dma_start3A_442, %dma_start3A_443] : memref<10000x128xf32, #tpu.memory_space<hbm>> -> memref<10000x128xf32, #tpu.memory_space<hbm>>
      tpu.enqueue_indirect_dma source(%dma_start3A_444 : memref<10000x128xf32, #tpu.memory_space<hbm>>) target(%arg8 : memref<80x128xf32, #tpu.memory_space<vmem>>) offsets(%dma_start3A_441 : memref<80xi32, #tpu.memory_space<vmem>>) semaphore(%arg14 : memref<!tpu.dma_semaphore, #tpu.memory_space<semaphore_mem>>)
      %dma_start3A_445 = arith.constant 1 : i32
      %dma_start3A_446 = arith.constant 0 : i32
      %dma_start3A_447 = tpu.memref_slice %arg6[%select_n3A_380, %dma_start3A_445, %dma_start3A_446] : memref<2x25x80xi32, #tpu.memory_space<vmem>> -> memref<1x1x80xi32, #tpu.memory_space<vmem>>
      %dma_start3A_448 = tpu.memref_squeeze %dma_start3A_447 : memref<1x1x80xi32, #tpu.memory_space<vmem>> -> memref<80xi32, #tpu.memory_space<vmem>>
      %dma_start3A_449 = arith.constant 0 : i32
      %dma_start3A_450 = arith.constant 0 : i32
      %dma_start3A_451 = tpu.memref_slice %arg2[%dma_start3A_449, %dma_start3A_450] : memref<10000x128xf32, #tpu.memory_space<hbm>> -> memref<10000x128xf32, #tpu.memory_space<hbm>>
      tpu.enqueue_indirect_dma source(%dma_start3A_451 : memref<10000x128xf32, #tpu.memory_space<hbm>>) target(%arg9 : memref<80x128xf32, #tpu.memory_space<vmem>>) offsets(%dma_start3A_448 : memref<80xi32, #tpu.memory_space<vmem>>) semaphore(%arg15 : memref<!tpu.dma_semaphore, #tpu.memory_space<semaphore_mem>>)
      %dma_start3A_452 = arith.constant 0 : i32
      %dma_start3A_453 = arith.constant 0 : i32
      %dma_start3A_454 = tpu.memref_slice %arg7[%select_n3A_380, %dma_start3A_452, %dma_start3A_453] : memref<2x25x80xi32, #tpu.memory_space<vmem>> -> memref<1x1x80xi32, #tpu.memory_space<vmem>>
      %dma_start3A_455 = tpu.memref_squeeze %dma_start3A_454 : memref<1x1x80xi32, #tpu.memory_space<vmem>> -> memref<80xi32, #tpu.memory_space<vmem>>
      %dma_start3A_456 = arith.constant 0 : i32
      %dma_start3A_457 = tpu.memref_slice %arg13[%dma_start3A_456] : memref<10240xf32, #tpu.memory_space<vmem_shared>> -> memref<10240xf32, #tpu.memory_space<vmem_shared>>
      tpu.enqueue_indirect_dma source(%arg10 : memref<80xf32, #tpu.memory_space<vmem>>) target(%dma_start3A_457 : memref<10240xf32, #tpu.memory_space<vmem_shared>>) offsets(%dma_start3A_455 : memref<80xi32, #tpu.memory_space<vmem>>) semaphore(%arg18 : memref<!tpu.dma_semaphore, #tpu.memory_space<semaphore_mem>>) {add = true}
      %scan3A_458 = arith.constant 0 : i32
      %scan3A_459 = arith.constant 0 : i32
      %scan3A_460 = arith.constant 12 : i32
      %scan3A_461 = arith.addi %scan3A_459, %scan3A_460 : i32
      %scan3A_462 = arith.constant 1 : i32
      %scan3A_463 = scf.for %scan3A_489 = %scan3A_459 to %scan3A_461 step %scan3A_462 iter_args(%scan3A_490 = %scan3A_458) -> (i32)  : i32 {
        %mul3A_491 = arith.constant 2 : i32
        %mul3A_492 = arith.muli %mul3A_491, %scan3A_489 : i32
        %add3A_493 = arith.constant 0 : i32
        %add3A_494 = arith.addi %mul3A_492, %add3A_493 : i32
        %dma_wait3A_495 = arith.constant 0 : i32
        %dma_wait3A_496 = arith.constant 0 : i32
        %dma_wait3A_497 = arith.constant 0 : i32
        %dma_wait3A_498 = tpu.memref_slice %arg6[%dma_wait3A_495, %dma_wait3A_496, %dma_wait3A_497] : memref<2x25x80xi32, #tpu.memory_space<vmem>> -> memref<1x1x80xi32, #tpu.memory_space<vmem>>
        %dma_wait3A_499 = tpu.memref_squeeze %dma_wait3A_498 : memref<1x1x80xi32, #tpu.memory_space<vmem>> -> memref<80xi32, #tpu.memory_space<vmem>>
        %dma_wait3A_500 = arith.constant 0 : i32
        %dma_wait3A_501 = arith.constant 0 : i32
        %dma_wait3A_502 = tpu.memref_slice %arg2[%dma_wait3A_500, %dma_wait3A_501] : memref<10000x128xf32, #tpu.memory_space<hbm>> -> memref<10000x128xf32, #tpu.memory_space<hbm>>
        tpu.wait_indirect_dma semaphore(%arg14 : memref<!tpu.dma_semaphore, #tpu.memory_space<semaphore_mem>>) src(%dma_wait3A_502 : memref<10000x128xf32, #tpu.memory_space<hbm>>) dst(%arg8 : memref<80x128xf32, #tpu.memory_space<vmem>>)
        "tpu.region"() ({
          %run_scoped3A_567 = tpu.sem_alloc : memref<!tpu.dma_semaphore, #tpu.memory_space<semaphore_mem>>
          %dma_start3A_568 = arith.constant 0 : i32
          %dma_start3A_569 = tpu.memref_slice %arg7[%select_n3A_380, %add3A_494, %dma_start3A_568] : memref<2x25x80xi32, #tpu.memory_space<vmem>> -> memref<1x1x80xi32, #tpu.memory_space<vmem>>
          %dma_start3A_570 = tpu.memref_squeeze %dma_start3A_569 : memref<1x1x80xi32, #tpu.memory_space<vmem>> -> memref<80xi32, #tpu.memory_space<vmem>>
          %dma_start3A_571 = arith.constant 0 : i32
          %dma_start3A_572 = arith.constant 0 : i32
          %dma_start3A_573 = tpu.memref_slice %arg12[%dma_start3A_571, %dma_start3A_572] : memref<10240x128xf32, #tpu.memory_space<vmem_shared>> -> memref<10240x128xf32, #tpu.memory_space<vmem_shared>>
          tpu.enqueue_indirect_dma source(%arg8 : memref<80x128xf32, #tpu.memory_space<vmem>>) target(%dma_start3A_573 : memref<10240x128xf32, #tpu.memory_space<vmem_shared>>) offsets(%dma_start3A_570 : memref<80xi32, #tpu.memory_space<vmem>>) semaphore(%run_scoped3A_567 : memref<!tpu.dma_semaphore, #tpu.memory_space<semaphore_mem>>) {add = true}
          %dma_wait3A_574 = arith.constant 0 : i32
          %dma_wait3A_575 = tpu.memref_slice %arg7[%select_n3A_380, %add3A_494, %dma_wait3A_574] : memref<2x25x80xi32, #tpu.memory_space<vmem>> -> memref<1x1x80xi32, #tpu.memory_space<vmem>>
          %dma_wait3A_576 = tpu.memref_squeeze %dma_wait3A_575 : memref<1x1x80xi32, #tpu.memory_space<vmem>> -> memref<80xi32, #tpu.memory_space<vmem>>
          %dma_wait3A_577 = arith.constant 0 : i32
          %dma_wait3A_578 = arith.constant 0 : i32
          %dma_wait3A_579 = tpu.memref_slice %arg12[%dma_wait3A_577, %dma_wait3A_578] : memref<10240x128xf32, #tpu.memory_space<vmem_shared>> -> memref<10240x128xf32, #tpu.memory_space<vmem_shared>>
          tpu.wait_indirect_dma semaphore(%run_scoped3A_567 : memref<!tpu.dma_semaphore, #tpu.memory_space<semaphore_mem>>) src(%arg8 : memref<80x128xf32, #tpu.memory_space<vmem>>) dst(%dma_wait3A_579 : memref<10240x128xf32, #tpu.memory_space<vmem_shared>>)
          tpu.yield
        }) : () -> ()
        %dma_wait3A_503 = arith.constant 0 : i32
        %dma_wait3A_504 = arith.constant 0 : i32
        %dma_wait3A_505 = arith.constant 0 : i32
        %dma_wait3A_506 = tpu.memref_slice %arg7[%dma_wait3A_503, %dma_wait3A_504, %dma_wait3A_505] : memref<2x25x80xi32, #tpu.memory_space<vmem>> -> memref<1x1x80xi32, #tpu.memory_space<vmem>>
        %dma_wait3A_507 = tpu.memref_squeeze %dma_wait3A_506 : memref<1x1x80xi32, #tpu.memory_space<vmem>> -> memref<80xi32, #tpu.memory_space<vmem>>
        %dma_wait3A_508 = arith.constant 0 : i32
        %dma_wait3A_509 = tpu.memref_slice %arg13[%dma_wait3A_508] : memref<10240xf32, #tpu.memory_space<vmem_shared>> -> memref<10240xf32, #tpu.memory_space<vmem_shared>>
        tpu.wait_indirect_dma semaphore(%arg18 : memref<!tpu.dma_semaphore, #tpu.memory_space<semaphore_mem>>) src(%arg10 : memref<80xf32, #tpu.memory_space<vmem>>) dst(%dma_wait3A_509 : memref<10240xf32, #tpu.memory_space<vmem_shared>>)
        %add3A_510 = arith.constant 1 : i32
        %add3A_511 = arith.addi %add3A_494, %add3A_510 : i32
        %min3A = arith.constant 24 : i32
        %min3A_512 = arith.minsi %add3A_511, %min3A : i32
        %dma_start3A_513 = arith.constant 0 : i32
        %dma_start3A_514 = tpu.memref_slice %arg7[%select_n3A_380, %min3A_512, %dma_start3A_513] : memref<2x25x80xi32, #tpu.memory_space<vmem>> -> memref<1x1x80xi32, #tpu.memory_space<vmem>>
        %dma_start3A_515 = tpu.memref_squeeze %dma_start3A_514 : memref<1x1x80xi32, #tpu.memory_space<vmem>> -> memref<80xi32, #tpu.memory_space<vmem>>
        %dma_start3A_516 = arith.constant 0 : i32
        %dma_start3A_517 = tpu.memref_slice %arg13[%dma_start3A_516] : memref<10240xf32, #tpu.memory_space<vmem_shared>> -> memref<10240xf32, #tpu.memory_space<vmem_shared>>
        tpu.enqueue_indirect_dma source(%arg10 : memref<80xf32, #tpu.memory_space<vmem>>) target(%dma_start3A_517 : memref<10240xf32, #tpu.memory_space<vmem_shared>>) offsets(%dma_start3A_515 : memref<80xi32, #tpu.memory_space<vmem>>) semaphore(%arg18 : memref<!tpu.dma_semaphore, #tpu.memory_space<semaphore_mem>>) {add = true}
        %add3A_518 = arith.constant 2 : i32
        %add3A_519 = arith.addi %add3A_494, %add3A_518 : i32
        %min3A_520 = arith.constant 24 : i32
        %min3A_521 = arith.minsi %add3A_519, %min3A_520 : i32
        %dma_start3A_522 = arith.constant 0 : i32
        %dma_start3A_523 = tpu.memref_slice %arg6[%select_n3A_380, %min3A_521, %dma_start3A_522] : memref<2x25x80xi32, #tpu.memory_space<vmem>> -> memref<1x1x80xi32, #tpu.memory_space<vmem>>
        %dma_start3A_524 = tpu.memref_squeeze %dma_start3A_523 : memref<1x1x80xi32, #tpu.memory_space<vmem>> -> memref<80xi32, #tpu.memory_space<vmem>>
        %dma_start3A_525 = arith.constant 0 : i32
        %dma_start3A_526 = arith.constant 0 : i32
        %dma_start3A_527 = tpu.memref_slice %arg2[%dma_start3A_525, %dma_start3A_526] : memref<10000x128xf32, #tpu.memory_space<hbm>> -> memref<10000x128xf32, #tpu.memory_space<hbm>>
        tpu.enqueue_indirect_dma source(%dma_start3A_527 : memref<10000x128xf32, #tpu.memory_space<hbm>>) target(%arg8 : memref<80x128xf32, #tpu.memory_space<vmem>>) offsets(%dma_start3A_524 : memref<80xi32, #tpu.memory_space<vmem>>) semaphore(%arg14 : memref<!tpu.dma_semaphore, #tpu.memory_space<semaphore_mem>>)
        %mul3A_528 = arith.constant 2 : i32
        %mul3A_529 = arith.muli %mul3A_528, %scan3A_489 : i32
        %add3A_530 = arith.constant 1 : i32
        %add3A_531 = arith.addi %mul3A_529, %add3A_530 : i32
        %dma_wait3A_532 = arith.constant 0 : i32
        %dma_wait3A_533 = arith.constant 0 : i32
        %dma_wait3A_534 = arith.constant 0 : i32
        %dma_wait3A_535 = tpu.memref_slice %arg6[%dma_wait3A_532, %dma_wait3A_533, %dma_wait3A_534] : memref<2x25x80xi32, #tpu.memory_space<vmem>> -> memref<1x1x80xi32, #tpu.memory_space<vmem>>
        %dma_wait3A_536 = tpu.memref_squeeze %dma_wait3A_535 : memref<1x1x80xi32, #tpu.memory_space<vmem>> -> memref<80xi32, #tpu.memory_space<vmem>>
        %dma_wait3A_537 = arith.constant 0 : i32
        %dma_wait3A_538 = arith.constant 0 : i32
        %dma_wait3A_539 = tpu.memref_slice %arg2[%dma_wait3A_537, %dma_wait3A_538] : memref<10000x128xf32, #tpu.memory_space<hbm>> -> memref<10000x128xf32, #tpu.memory_space<hbm>>
        tpu.wait_indirect_dma semaphore(%arg15 : memref<!tpu.dma_semaphore, #tpu.memory_space<semaphore_mem>>) src(%dma_wait3A_539 : memref<10000x128xf32, #tpu.memory_space<hbm>>) dst(%arg9 : memref<80x128xf32, #tpu.memory_space<vmem>>)
        "tpu.region"() ({
          %run_scoped3A_567 = tpu.sem_alloc : memref<!tpu.dma_semaphore, #tpu.memory_space<semaphore_mem>>
          %dma_start3A_568 = arith.constant 0 : i32
          %dma_start3A_569 = tpu.memref_slice %arg7[%select_n3A_380, %add3A_531, %dma_start3A_568] : memref<2x25x80xi32, #tpu.memory_space<vmem>> -> memref<1x1x80xi32, #tpu.memory_space<vmem>>
          %dma_start3A_570 = tpu.memref_squeeze %dma_start3A_569 : memref<1x1x80xi32, #tpu.memory_space<vmem>> -> memref<80xi32, #tpu.memory_space<vmem>>
          %dma_start3A_571 = arith.constant 0 : i32
          %dma_start3A_572 = arith.constant 0 : i32
          %dma_start3A_573 = tpu.memref_slice %arg12[%dma_start3A_571, %dma_start3A_572] : memref<10240x128xf32, #tpu.memory_space<vmem_shared>> -> memref<10240x128xf32, #tpu.memory_space<vmem_shared>>
          tpu.enqueue_indirect_dma source(%arg9 : memref<80x128xf32, #tpu.memory_space<vmem>>) target(%dma_start3A_573 : memref<10240x128xf32, #tpu.memory_space<vmem_shared>>) offsets(%dma_start3A_570 : memref<80xi32, #tpu.memory_space<vmem>>) semaphore(%run_scoped3A_567 : memref<!tpu.dma_semaphore, #tpu.memory_space<semaphore_mem>>) {add = true}
          %dma_wait3A_574 = arith.constant 0 : i32
          %dma_wait3A_575 = tpu.memref_slice %arg7[%select_n3A_380, %add3A_531, %dma_wait3A_574] : memref<2x25x80xi32, #tpu.memory_space<vmem>> -> memref<1x1x80xi32, #tpu.memory_space<vmem>>
          %dma_wait3A_576 = tpu.memref_squeeze %dma_wait3A_575 : memref<1x1x80xi32, #tpu.memory_space<vmem>> -> memref<80xi32, #tpu.memory_space<vmem>>
          %dma_wait3A_577 = arith.constant 0 : i32
          %dma_wait3A_578 = arith.constant 0 : i32
          %dma_wait3A_579 = tpu.memref_slice %arg12[%dma_wait3A_577, %dma_wait3A_578] : memref<10240x128xf32, #tpu.memory_space<vmem_shared>> -> memref<10240x128xf32, #tpu.memory_space<vmem_shared>>
          tpu.wait_indirect_dma semaphore(%run_scoped3A_567 : memref<!tpu.dma_semaphore, #tpu.memory_space<semaphore_mem>>) src(%arg9 : memref<80x128xf32, #tpu.memory_space<vmem>>) dst(%dma_wait3A_579 : memref<10240x128xf32, #tpu.memory_space<vmem_shared>>)
          tpu.yield
        }) : () -> ()
        %dma_wait3A_540 = arith.constant 0 : i32
        %dma_wait3A_541 = arith.constant 0 : i32
        %dma_wait3A_542 = arith.constant 0 : i32
        %dma_wait3A_543 = tpu.memref_slice %arg7[%dma_wait3A_540, %dma_wait3A_541, %dma_wait3A_542] : memref<2x25x80xi32, #tpu.memory_space<vmem>> -> memref<1x1x80xi32, #tpu.memory_space<vmem>>
        %dma_wait3A_544 = tpu.memref_squeeze %dma_wait3A_543 : memref<1x1x80xi32, #tpu.memory_space<vmem>> -> memref<80xi32, #tpu.memory_space<vmem>>
        %dma_wait3A_545 = arith.constant 0 : i32
        %dma_wait3A_546 = tpu.memref_slice %arg13[%dma_wait3A_545] : memref<10240xf32, #tpu.memory_space<vmem_shared>> -> memref<10240xf32, #tpu.memory_space<vmem_shared>>
        tpu.wait_indirect_dma semaphore(%arg18 : memref<!tpu.dma_semaphore, #tpu.memory_space<semaphore_mem>>) src(%arg10 : memref<80xf32, #tpu.memory_space<vmem>>) dst(%dma_wait3A_546 : memref<10240xf32, #tpu.memory_space<vmem_shared>>)
        %add3A_547 = arith.constant 1 : i32
        %add3A_548 = arith.addi %add3A_531, %add3A_547 : i32
        %min3A_549 = arith.constant 24 : i32
        %min3A_550 = arith.minsi %add3A_548, %min3A_549 : i32
        %dma_start3A_551 = arith.constant 0 : i32
        %dma_start3A_552 = tpu.memref_slice %arg7[%select_n3A_380, %min3A_550, %dma_start3A_551] : memref<2x25x80xi32, #tpu.memory_space<vmem>> -> memref<1x1x80xi32, #tpu.memory_space<vmem>>
        %dma_start3A_553 = tpu.memref_squeeze %dma_start3A_552 : memref<1x1x80xi32, #tpu.memory_space<vmem>> -> memref<80xi32, #tpu.memory_space<vmem>>
        %dma_start3A_554 = arith.constant 0 : i32
        %dma_start3A_555 = tpu.memref_slice %arg13[%dma_start3A_554] : memref<10240xf32, #tpu.memory_space<vmem_shared>> -> memref<10240xf32, #tpu.memory_space<vmem_shared>>
        tpu.enqueue_indirect_dma source(%arg10 : memref<80xf32, #tpu.memory_space<vmem>>) target(%dma_start3A_555 : memref<10240xf32, #tpu.memory_space<vmem_shared>>) offsets(%dma_start3A_553 : memref<80xi32, #tpu.memory_space<vmem>>) semaphore(%arg18 : memref<!tpu.dma_semaphore, #tpu.memory_space<semaphore_mem>>) {add = true}
        %add3A_556 = arith.constant 2 : i32
        %add3A_557 = arith.addi %add3A_531, %add3A_556 : i32
        %min3A_558 = arith.constant 24 : i32
        %min3A_559 = arith.minsi %add3A_557, %min3A_558 : i32
        %dma_start3A_560 = arith.constant 0 : i32
        %dma_start3A_561 = tpu.memref_slice %arg6[%select_n3A_380, %min3A_559, %dma_start3A_560] : memref<2x25x80xi32, #tpu.memory_space<vmem>> -> memref<1x1x80xi32, #tpu.memory_space<vmem>>
        %dma_start3A_562 = tpu.memref_squeeze %dma_start3A_561 : memref<1x1x80xi32, #tpu.memory_space<vmem>> -> memref<80xi32, #tpu.memory_space<vmem>>
        %dma_start3A_563 = arith.constant 0 : i32
        %dma_start3A_564 = arith.constant 0 : i32
        %dma_start3A_565 = tpu.memref_slice %arg2[%dma_start3A_563, %dma_start3A_564] : memref<10000x128xf32, #tpu.memory_space<hbm>> -> memref<10000x128xf32, #tpu.memory_space<hbm>>
        tpu.enqueue_indirect_dma source(%dma_start3A_565 : memref<10000x128xf32, #tpu.memory_space<hbm>>) target(%arg9 : memref<80x128xf32, #tpu.memory_space<vmem>>) offsets(%dma_start3A_562 : memref<80xi32, #tpu.memory_space<vmem>>) semaphore(%arg15 : memref<!tpu.dma_semaphore, #tpu.memory_space<semaphore_mem>>)
        %scan3A_566 = arith.constant 0 : i32
        scf.yield %scan3A_566 : i32
      }
      %scan3A_464 = arith.constant 12 : i32
      %dma_wait3A_465 = arith.constant 0 : i32
      %dma_wait3A_466 = arith.constant 0 : i32
      %dma_wait3A_467 = arith.constant 0 : i32
      %dma_wait3A_468 = tpu.memref_slice %arg6[%dma_wait3A_465, %dma_wait3A_466, %dma_wait3A_467] : memref<2x25x80xi32, #tpu.memory_space<vmem>> -> memref<1x1x80xi32, #tpu.memory_space<vmem>>
      %dma_wait3A_469 = tpu.memref_squeeze %dma_wait3A_468 : memref<1x1x80xi32, #tpu.memory_space<vmem>> -> memref<80xi32, #tpu.memory_space<vmem>>
      %dma_wait3A_470 = arith.constant 0 : i32
      %dma_wait3A_471 = arith.constant 0 : i32
      %dma_wait3A_472 = tpu.memref_slice %arg2[%dma_wait3A_470, %dma_wait3A_471] : memref<10000x128xf32, #tpu.memory_space<hbm>> -> memref<10000x128xf32, #tpu.memory_space<hbm>>
      tpu.wait_indirect_dma semaphore(%arg14 : memref<!tpu.dma_semaphore, #tpu.memory_space<semaphore_mem>>) src(%dma_wait3A_472 : memref<10000x128xf32, #tpu.memory_space<hbm>>) dst(%arg8 : memref<80x128xf32, #tpu.memory_space<vmem>>)
      %run_scoped3A = arith.constant 24 : i32
      "tpu.region"() ({
        %run_scoped3A_489 = tpu.sem_alloc : memref<!tpu.dma_semaphore, #tpu.memory_space<semaphore_mem>>
        %dma_start3A_490 = arith.constant 0 : i32
        %dma_start3A_491 = tpu.memref_slice %arg7[%select_n3A_380, %run_scoped3A, %dma_start3A_490] : memref<2x25x80xi32, #tpu.memory_space<vmem>> -> memref<1x1x80xi32, #tpu.memory_space<vmem>>
        %dma_start3A_492 = tpu.memref_squeeze %dma_start3A_491 : memref<1x1x80xi32, #tpu.memory_space<vmem>> -> memref<80xi32, #tpu.memory_space<vmem>>
        %dma_start3A_493 = arith.constant 0 : i32
        %dma_start3A_494 = arith.constant 0 : i32
        %dma_start3A_495 = tpu.memref_slice %arg12[%dma_start3A_493, %dma_start3A_494] : memref<10240x128xf32, #tpu.memory_space<vmem_shared>> -> memref<10240x128xf32, #tpu.memory_space<vmem_shared>>
        tpu.enqueue_indirect_dma source(%arg8 : memref<80x128xf32, #tpu.memory_space<vmem>>) target(%dma_start3A_495 : memref<10240x128xf32, #tpu.memory_space<vmem_shared>>) offsets(%dma_start3A_492 : memref<80xi32, #tpu.memory_space<vmem>>) semaphore(%run_scoped3A_489 : memref<!tpu.dma_semaphore, #tpu.memory_space<semaphore_mem>>) {add = true}
        %dma_wait3A_496 = arith.constant 0 : i32
        %dma_wait3A_497 = tpu.memref_slice %arg7[%select_n3A_380, %run_scoped3A, %dma_wait3A_496] : memref<2x25x80xi32, #tpu.memory_space<vmem>> -> memref<1x1x80xi32, #tpu.memory_space<vmem>>
        %dma_wait3A_498 = tpu.memref_squeeze %dma_wait3A_497 : memref<1x1x80xi32, #tpu.memory_space<vmem>> -> memref<80xi32, #tpu.memory_space<vmem>>
        %dma_wait3A_499 = arith.constant 0 : i32
        %dma_wait3A_500 = arith.constant 0 : i32
        %dma_wait3A_501 = tpu.memref_slice %arg12[%dma_wait3A_499, %dma_wait3A_500] : memref<10240x128xf32, #tpu.memory_space<vmem_shared>> -> memref<10240x128xf32, #tpu.memory_space<vmem_shared>>
        tpu.wait_indirect_dma semaphore(%run_scoped3A_489 : memref<!tpu.dma_semaphore, #tpu.memory_space<semaphore_mem>>) src(%arg8 : memref<80x128xf32, #tpu.memory_space<vmem>>) dst(%dma_wait3A_501 : memref<10240x128xf32, #tpu.memory_space<vmem_shared>>)
        tpu.yield
      }) : () -> ()
      %dma_wait3A_473 = arith.constant 0 : i32
      %dma_wait3A_474 = arith.constant 0 : i32
      %dma_wait3A_475 = arith.constant 0 : i32
      %dma_wait3A_476 = tpu.memref_slice %arg7[%dma_wait3A_473, %dma_wait3A_474, %dma_wait3A_475] : memref<2x25x80xi32, #tpu.memory_space<vmem>> -> memref<1x1x80xi32, #tpu.memory_space<vmem>>
      %dma_wait3A_477 = tpu.memref_squeeze %dma_wait3A_476 : memref<1x1x80xi32, #tpu.memory_space<vmem>> -> memref<80xi32, #tpu.memory_space<vmem>>
      %dma_wait3A_478 = arith.constant 0 : i32
      %dma_wait3A_479 = tpu.memref_slice %arg13[%dma_wait3A_478] : memref<10240xf32, #tpu.memory_space<vmem_shared>> -> memref<10240xf32, #tpu.memory_space<vmem_shared>>
      tpu.wait_indirect_dma semaphore(%arg18 : memref<!tpu.dma_semaphore, #tpu.memory_space<semaphore_mem>>) src(%arg10 : memref<80xf32, #tpu.memory_space<vmem>>) dst(%dma_wait3A_479 : memref<10240xf32, #tpu.memory_space<vmem_shared>>)
      %dma_wait3A_480 = arith.constant 0 : i32
      %dma_wait3A_481 = arith.constant 0 : i32
      %dma_wait3A_482 = arith.constant 0 : i32
      %dma_wait3A_483 = tpu.memref_slice %arg6[%dma_wait3A_480, %dma_wait3A_481, %dma_wait3A_482] : memref<2x25x80xi32, #tpu.memory_space<vmem>> -> memref<1x1x80xi32, #tpu.memory_space<vmem>>
      %dma_wait3A_484 = tpu.memref_squeeze %dma_wait3A_483 : memref<1x1x80xi32, #tpu.memory_space<vmem>> -> memref<80xi32, #tpu.memory_space<vmem>>
      %dma_wait3A_485 = arith.constant 0 : i32
      %dma_wait3A_486 = arith.constant 0 : i32
      %dma_wait3A_487 = tpu.memref_slice %arg2[%dma_wait3A_485, %dma_wait3A_486] : memref<10000x128xf32, #tpu.memory_space<hbm>> -> memref<10000x128xf32, #tpu.memory_space<hbm>>
      tpu.wait_indirect_dma semaphore(%arg15 : memref<!tpu.dma_semaphore, #tpu.memory_space<semaphore_mem>>) src(%dma_wait3A_487 : memref<10000x128xf32, #tpu.memory_space<hbm>>) dst(%arg9 : memref<80x128xf32, #tpu.memory_space<vmem>>)
      %scan3A_488 = arith.constant 0 : i32
      scf.yield %scan3A_488 : i32
    }
    %scan3A_164 = arith.constant 5 : i32
    %barrier3A_165 = arith.constant 0 : index
    tpu.barrier barrier_id(%barrier3A_165)
    %dma_start3A_166 = tpu.memref_slice %arg13[%mul3A_2] : memref<10240xf32, #tpu.memory_space<vmem_shared>> -> memref<640xf32, #tpu.memory_space<vmem_shared>>
    %dma_start3A_167 = tpu.memref_slice %arg13[%mul3A_2] : memref<10240xf32, #tpu.memory_space<vmem_shared>> -> memref<640xf32, #tpu.memory_space<vmem_shared>>
    tpu.enqueue_dma source(%dma_start3A_167 : memref<640xf32, #tpu.memory_space<vmem_shared>>) target(%arg11 : memref<640xf32, #tpu.memory_space<vmem>>) target_semaphore(%arg18 : memref<!tpu.dma_semaphore, #tpu.memory_space<semaphore_mem>>)
    %add3A_168 = arith.constant 0 : i32
    %add3A_169 = arith.addi %mul3A_2, %add3A_168 : i32
    %dma_start3A_170 = arith.constant 0 : i32
    %dma_start3A_171 = tpu.memref_slice %arg12[%add3A_169, %dma_start3A_170] : memref<10240x128xf32, #tpu.memory_space<vmem_shared>> -> memref<80x128xf32, #tpu.memory_space<vmem_shared>>
    %dma_start3A_172 = arith.constant 0 : i32
    %dma_start3A_173 = tpu.memref_slice %arg12[%add3A_169, %dma_start3A_172] : memref<10240x128xf32, #tpu.memory_space<vmem_shared>> -> memref<80x128xf32, #tpu.memory_space<vmem_shared>>
    tpu.enqueue_dma source(%dma_start3A_173 : memref<80x128xf32, #tpu.memory_space<vmem_shared>>) target(%arg8 : memref<80x128xf32, #tpu.memory_space<vmem>>) target_semaphore(%arg14 : memref<!tpu.dma_semaphore, #tpu.memory_space<semaphore_mem>>)
    %add3A_174 = arith.constant 80 : i32
    %add3A_175 = arith.addi %mul3A_2, %add3A_174 : i32
    %dma_start3A_176 = arith.constant 0 : i32
    %dma_start3A_177 = tpu.memref_slice %arg12[%add3A_175, %dma_start3A_176] : memref<10240x128xf32, #tpu.memory_space<vmem_shared>> -> memref<80x128xf32, #tpu.memory_space<vmem_shared>>
    %dma_start3A_178 = arith.constant 0 : i32
    %dma_start3A_179 = tpu.memref_slice %arg12[%add3A_175, %dma_start3A_178] : memref<10240x128xf32, #tpu.memory_space<vmem_shared>> -> memref<80x128xf32, #tpu.memory_space<vmem_shared>>
    tpu.enqueue_dma source(%dma_start3A_179 : memref<80x128xf32, #tpu.memory_space<vmem_shared>>) target(%arg9 : memref<80x128xf32, #tpu.memory_space<vmem>>) target_semaphore(%arg15 : memref<!tpu.dma_semaphore, #tpu.memory_space<semaphore_mem>>)
    %dma_wait3A_180 = arith.constant 0 : i32
    %dma_wait3A_181 = tpu.memref_slice %arg12[%mul3A_2, %dma_wait3A_180] : memref<10240x128xf32, #tpu.memory_space<vmem_shared>> -> memref<80x128xf32, #tpu.memory_space<vmem_shared>>
    %dma_wait3A_182 = arith.constant 0 : i32
    %dma_wait3A_183 = tpu.memref_slice %arg12[%mul3A_2, %dma_wait3A_182] : memref<10240x128xf32, #tpu.memory_space<vmem_shared>> -> memref<80x128xf32, #tpu.memory_space<vmem_shared>>
    tpu.wait_dma2 semaphore(%arg14 : memref<!tpu.dma_semaphore, #tpu.memory_space<semaphore_mem>>) src(%dma_wait3A_183 : memref<80x128xf32, #tpu.memory_space<vmem_shared>>) dst(%arg8 : memref<80x128xf32, #tpu.memory_space<vmem>>)
    %add3A_184 = arith.constant 0 : i32
    %add3A_185 = arith.addi %mul3A_2, %add3A_184 : i32
    %dma_start3A_186 = arith.constant 0 : i32
    %dma_start3A_187 = tpu.memref_slice %arg4[%arg0, %add3A_185, %dma_start3A_186] : memref<2x10240x128xf32, #tpu.memory_space<hbm>> -> memref<1x80x128xf32, #tpu.memory_space<hbm>>
    %dma_start3A_188 = tpu.memref_squeeze %dma_start3A_187 : memref<1x80x128xf32, #tpu.memory_space<hbm>> -> memref<80x128xf32, #tpu.memory_space<hbm>>
    %dma_start3A_189 = arith.constant 0 : i32
    %dma_start3A_190 = tpu.memref_slice %arg4[%arg0, %add3A_185, %dma_start3A_189] : memref<2x10240x128xf32, #tpu.memory_space<hbm>> -> memref<1x80x128xf32, #tpu.memory_space<hbm>>
    %dma_start3A_191 = tpu.memref_squeeze %dma_start3A_190 : memref<1x80x128xf32, #tpu.memory_space<hbm>> -> memref<80x128xf32, #tpu.memory_space<hbm>>
    tpu.enqueue_dma source(%arg8 : memref<80x128xf32, #tpu.memory_space<vmem>>) target(%dma_start3A_191 : memref<80x128xf32, #tpu.memory_space<hbm>>) target_semaphore(%arg16 : memref<!tpu.dma_semaphore, #tpu.memory_space<semaphore_mem>>)
    %dma_wait3A_192 = arith.constant 0 : i32
    %dma_wait3A_193 = tpu.memref_slice %arg4[%arg0, %mul3A_2, %dma_wait3A_192] : memref<2x10240x128xf32, #tpu.memory_space<hbm>> -> memref<1x80x128xf32, #tpu.memory_space<hbm>>
    %dma_wait3A_194 = tpu.memref_squeeze %dma_wait3A_193 : memref<1x80x128xf32, #tpu.memory_space<hbm>> -> memref<80x128xf32, #tpu.memory_space<hbm>>
    %dma_wait3A_195 = arith.constant 0 : i32
    %dma_wait3A_196 = tpu.memref_slice %arg4[%arg0, %mul3A_2, %dma_wait3A_195] : memref<2x10240x128xf32, #tpu.memory_space<hbm>> -> memref<1x80x128xf32, #tpu.memory_space<hbm>>
    %dma_wait3A_197 = tpu.memref_squeeze %dma_wait3A_196 : memref<1x80x128xf32, #tpu.memory_space<hbm>> -> memref<80x128xf32, #tpu.memory_space<hbm>>
    tpu.wait_dma2 semaphore(%arg16 : memref<!tpu.dma_semaphore, #tpu.memory_space<semaphore_mem>>) src(%arg8 : memref<80x128xf32, #tpu.memory_space<vmem>>) dst(%dma_wait3A_197 : memref<80x128xf32, #tpu.memory_space<hbm>>)
    %add3A_198 = arith.constant 160 : i32
    %add3A_199 = arith.addi %mul3A_2, %add3A_198 : i32
    %dma_start3A_200 = arith.constant 0 : i32
    %dma_start3A_201 = tpu.memref_slice %arg12[%add3A_199, %dma_start3A_200] : memref<10240x128xf32, #tpu.memory_space<vmem_shared>> -> memref<80x128xf32, #tpu.memory_space<vmem_shared>>
    %dma_start3A_202 = arith.constant 0 : i32
    %dma_start3A_203 = tpu.memref_slice %arg12[%add3A_199, %dma_start3A_202] : memref<10240x128xf32, #tpu.memory_space<vmem_shared>> -> memref<80x128xf32, #tpu.memory_space<vmem_shared>>
    tpu.enqueue_dma source(%dma_start3A_203 : memref<80x128xf32, #tpu.memory_space<vmem_shared>>) target(%arg8 : memref<80x128xf32, #tpu.memory_space<vmem>>) target_semaphore(%arg14 : memref<!tpu.dma_semaphore, #tpu.memory_space<semaphore_mem>>)
    %dma_wait3A_204 = arith.constant 0 : i32
    %dma_wait3A_205 = tpu.memref_slice %arg12[%mul3A_2, %dma_wait3A_204] : memref<10240x128xf32, #tpu.memory_space<vmem_shared>> -> memref<80x128xf32, #tpu.memory_space<vmem_shared>>
    %dma_wait3A_206 = arith.constant 0 : i32
    %dma_wait3A_207 = tpu.memref_slice %arg12[%mul3A_2, %dma_wait3A_206] : memref<10240x128xf32, #tpu.memory_space<vmem_shared>> -> memref<80x128xf32, #tpu.memory_space<vmem_shared>>
    tpu.wait_dma2 semaphore(%arg15 : memref<!tpu.dma_semaphore, #tpu.memory_space<semaphore_mem>>) src(%dma_wait3A_207 : memref<80x128xf32, #tpu.memory_space<vmem_shared>>) dst(%arg9 : memref<80x128xf32, #tpu.memory_space<vmem>>)
    %add3A_208 = arith.constant 80 : i32
    %add3A_209 = arith.addi %mul3A_2, %add3A_208 : i32
    %dma_start3A_210 = arith.constant 0 : i32
    %dma_start3A_211 = tpu.memref_slice %arg4[%arg0, %add3A_209, %dma_start3A_210] : memref<2x10240x128xf32, #tpu.memory_space<hbm>> -> memref<1x80x128xf32, #tpu.memory_space<hbm>>
    %dma_start3A_212 = tpu.memref_squeeze %dma_start3A_211 : memref<1x80x128xf32, #tpu.memory_space<hbm>> -> memref<80x128xf32, #tpu.memory_space<hbm>>
    %dma_start3A_213 = arith.constant 0 : i32
    %dma_start3A_214 = tpu.memref_slice %arg4[%arg0, %add3A_209, %dma_start3A_213] : memref<2x10240x128xf32, #tpu.memory_space<hbm>> -> memref<1x80x128xf32, #tpu.memory_space<hbm>>
    %dma_start3A_215 = tpu.memref_squeeze %dma_start3A_214 : memref<1x80x128xf32, #tpu.memory_space<hbm>> -> memref<80x128xf32, #tpu.memory_space<hbm>>
    tpu.enqueue_dma source(%arg9 : memref<80x128xf32, #tpu.memory_space<vmem>>) target(%dma_start3A_215 : memref<80x128xf32, #tpu.memory_space<hbm>>) target_semaphore(%arg17 : memref<!tpu.dma_semaphore, #tpu.memory_space<semaphore_mem>>)
    %dma_wait3A_216 = arith.constant 0 : i32
    %dma_wait3A_217 = tpu.memref_slice %arg4[%arg0, %mul3A_2, %dma_wait3A_216] : memref<2x10240x128xf32, #tpu.memory_space<hbm>> -> memref<1x80x128xf32, #tpu.memory_space<hbm>>
    %dma_wait3A_218 = tpu.memref_squeeze %dma_wait3A_217 : memref<1x80x128xf32, #tpu.memory_space<hbm>> -> memref<80x128xf32, #tpu.memory_space<hbm>>
    %dma_wait3A_219 = arith.constant 0 : i32
    %dma_wait3A_220 = tpu.memref_slice %arg4[%arg0, %mul3A_2, %dma_wait3A_219] : memref<2x10240x128xf32, #tpu.memory_space<hbm>> -> memref<1x80x128xf32, #tpu.memory_space<hbm>>
    %dma_wait3A_221 = tpu.memref_squeeze %dma_wait3A_220 : memref<1x80x128xf32, #tpu.memory_space<hbm>> -> memref<80x128xf32, #tpu.memory_space<hbm>>
    tpu.wait_dma2 semaphore(%arg17 : memref<!tpu.dma_semaphore, #tpu.memory_space<semaphore_mem>>) src(%arg9 : memref<80x128xf32, #tpu.memory_space<vmem>>) dst(%dma_wait3A_221 : memref<80x128xf32, #tpu.memory_space<hbm>>)
    %add3A_222 = arith.constant 240 : i32
    %add3A_223 = arith.addi %mul3A_2, %add3A_222 : i32
    %dma_start3A_224 = arith.constant 0 : i32
    %dma_start3A_225 = tpu.memref_slice %arg12[%add3A_223, %dma_start3A_224] : memref<10240x128xf32, #tpu.memory_space<vmem_shared>> -> memref<80x128xf32, #tpu.memory_space<vmem_shared>>
    %dma_start3A_226 = arith.constant 0 : i32
    %dma_start3A_227 = tpu.memref_slice %arg12[%add3A_223, %dma_start3A_226] : memref<10240x128xf32, #tpu.memory_space<vmem_shared>> -> memref<80x128xf32, #tpu.memory_space<vmem_shared>>
    tpu.enqueue_dma source(%dma_start3A_227 : memref<80x128xf32, #tpu.memory_space<vmem_shared>>) target(%arg9 : memref<80x128xf32, #tpu.memory_space<vmem>>) target_semaphore(%arg15 : memref<!tpu.dma_semaphore, #tpu.memory_space<semaphore_mem>>)
    %dma_wait3A_228 = arith.constant 0 : i32
    %dma_wait3A_229 = tpu.memref_slice %arg12[%mul3A_2, %dma_wait3A_228] : memref<10240x128xf32, #tpu.memory_space<vmem_shared>> -> memref<80x128xf32, #tpu.memory_space<vmem_shared>>
    %dma_wait3A_230 = arith.constant 0 : i32
    %dma_wait3A_231 = tpu.memref_slice %arg12[%mul3A_2, %dma_wait3A_230] : memref<10240x128xf32, #tpu.memory_space<vmem_shared>> -> memref<80x128xf32, #tpu.memory_space<vmem_shared>>
    tpu.wait_dma2 semaphore(%arg14 : memref<!tpu.dma_semaphore, #tpu.memory_space<semaphore_mem>>) src(%dma_wait3A_231 : memref<80x128xf32, #tpu.memory_space<vmem_shared>>) dst(%arg8 : memref<80x128xf32, #tpu.memory_space<vmem>>)
    %add3A_232 = arith.constant 160 : i32
    %add3A_233 = arith.addi %mul3A_2, %add3A_232 : i32
    %dma_start3A_234 = arith.constant 0 : i32
    %dma_start3A_235 = tpu.memref_slice %arg4[%arg0, %add3A_233, %dma_start3A_234] : memref<2x10240x128xf32, #tpu.memory_space<hbm>> -> memref<1x80x128xf32, #tpu.memory_space<hbm>>
    %dma_start3A_236 = tpu.memref_squeeze %dma_start3A_235 : memref<1x80x128xf32, #tpu.memory_space<hbm>> -> memref<80x128xf32, #tpu.memory_space<hbm>>
    %dma_start3A_237 = arith.constant 0 : i32
    %dma_start3A_238 = tpu.memref_slice %arg4[%arg0, %add3A_233, %dma_start3A_237] : memref<2x10240x128xf32, #tpu.memory_space<hbm>> -> memref<1x80x128xf32, #tpu.memory_space<hbm>>
    %dma_start3A_239 = tpu.memref_squeeze %dma_start3A_238 : memref<1x80x128xf32, #tpu.memory_space<hbm>> -> memref<80x128xf32, #tpu.memory_space<hbm>>
    tpu.enqueue_dma source(%arg8 : memref<80x128xf32, #tpu.memory_space<vmem>>) target(%dma_start3A_239 : memref<80x128xf32, #tpu.memory_space<hbm>>) target_semaphore(%arg16 : memref<!tpu.dma_semaphore, #tpu.memory_space<semaphore_mem>>)
    %dma_wait3A_240 = arith.constant 0 : i32
    %dma_wait3A_241 = tpu.memref_slice %arg4[%arg0, %mul3A_2, %dma_wait3A_240] : memref<2x10240x128xf32, #tpu.memory_space<hbm>> -> memref<1x80x128xf32, #tpu.memory_space<hbm>>
    %dma_wait3A_242 = tpu.memref_squeeze %dma_wait3A_241 : memref<1x80x128xf32, #tpu.memory_space<hbm>> -> memref<80x128xf32, #tpu.memory_space<hbm>>
    %dma_wait3A_243 = arith.constant 0 : i32
    %dma_wait3A_244 = tpu.memref_slice %arg4[%arg0, %mul3A_2, %dma_wait3A_243] : memref<2x10240x128xf32, #tpu.memory_space<hbm>> -> memref<1x80x128xf32, #tpu.memory_space<hbm>>
    %dma_wait3A_245 = tpu.memref_squeeze %dma_wait3A_244 : memref<1x80x128xf32, #tpu.memory_space<hbm>> -> memref<80x128xf32, #tpu.memory_space<hbm>>
    tpu.wait_dma2 semaphore(%arg16 : memref<!tpu.dma_semaphore, #tpu.memory_space<semaphore_mem>>) src(%arg8 : memref<80x128xf32, #tpu.memory_space<vmem>>) dst(%dma_wait3A_245 : memref<80x128xf32, #tpu.memory_space<hbm>>)
    %add3A_246 = arith.constant 320 : i32
    %add3A_247 = arith.addi %mul3A_2, %add3A_246 : i32
    %dma_start3A_248 = arith.constant 0 : i32
    %dma_start3A_249 = tpu.memref_slice %arg12[%add3A_247, %dma_start3A_248] : memref<10240x128xf32, #tpu.memory_space<vmem_shared>> -> memref<80x128xf32, #tpu.memory_space<vmem_shared>>
    %dma_start3A_250 = arith.constant 0 : i32
    %dma_start3A_251 = tpu.memref_slice %arg12[%add3A_247, %dma_start3A_250] : memref<10240x128xf32, #tpu.memory_space<vmem_shared>> -> memref<80x128xf32, #tpu.memory_space<vmem_shared>>
    tpu.enqueue_dma source(%dma_start3A_251 : memref<80x128xf32, #tpu.memory_space<vmem_shared>>) target(%arg8 : memref<80x128xf32, #tpu.memory_space<vmem>>) target_semaphore(%arg14 : memref<!tpu.dma_semaphore, #tpu.memory_space<semaphore_mem>>)
    %dma_wait3A_252 = arith.constant 0 : i32
    %dma_wait3A_253 = tpu.memref_slice %arg12[%mul3A_2, %dma_wait3A_252] : memref<10240x128xf32, #tpu.memory_space<vmem_shared>> -> memref<80x128xf32, #tpu.memory_space<vmem_shared>>
    %dma_wait3A_254 = arith.constant 0 : i32
    %dma_wait3A_255 = tpu.memref_slice %arg12[%mul3A_2, %dma_wait3A_254] : memref<10240x128xf32, #tpu.memory_space<vmem_shared>> -> memref<80x128xf32, #tpu.memory_space<vmem_shared>>
    tpu.wait_dma2 semaphore(%arg15 : memref<!tpu.dma_semaphore, #tpu.memory_space<semaphore_mem>>) src(%dma_wait3A_255 : memref<80x128xf32, #tpu.memory_space<vmem_shared>>) dst(%arg9 : memref<80x128xf32, #tpu.memory_space<vmem>>)
    %add3A_256 = arith.constant 240 : i32
    %add3A_257 = arith.addi %mul3A_2, %add3A_256 : i32
    %dma_start3A_258 = arith.constant 0 : i32
    %dma_start3A_259 = tpu.memref_slice %arg4[%arg0, %add3A_257, %dma_start3A_258] : memref<2x10240x128xf32, #tpu.memory_space<hbm>> -> memref<1x80x128xf32, #tpu.memory_space<hbm>>
    %dma_start3A_260 = tpu.memref_squeeze %dma_start3A_259 : memref<1x80x128xf32, #tpu.memory_space<hbm>> -> memref<80x128xf32, #tpu.memory_space<hbm>>
    %dma_start3A_261 = arith.constant 0 : i32
    %dma_start3A_262 = tpu.memref_slice %arg4[%arg0, %add3A_257, %dma_start3A_261] : memref<2x10240x128xf32, #tpu.memory_space<hbm>> -> memref<1x80x128xf32, #tpu.memory_space<hbm>>
    %dma_start3A_263 = tpu.memref_squeeze %dma_start3A_262 : memref<1x80x128xf32, #tpu.memory_space<hbm>> -> memref<80x128xf32, #tpu.memory_space<hbm>>
    tpu.enqueue_dma source(%arg9 : memref<80x128xf32, #tpu.memory_space<vmem>>) target(%dma_start3A_263 : memref<80x128xf32, #tpu.memory_space<hbm>>) target_semaphore(%arg17 : memref<!tpu.dma_semaphore, #tpu.memory_space<semaphore_mem>>)
    %dma_wait3A_264 = arith.constant 0 : i32
    %dma_wait3A_265 = tpu.memref_slice %arg4[%arg0, %mul3A_2, %dma_wait3A_264] : memref<2x10240x128xf32, #tpu.memory_space<hbm>> -> memref<1x80x128xf32, #tpu.memory_space<hbm>>
    %dma_wait3A_266 = tpu.memref_squeeze %dma_wait3A_265 : memref<1x80x128xf32, #tpu.memory_space<hbm>> -> memref<80x128xf32, #tpu.memory_space<hbm>>
    %dma_wait3A_267 = arith.constant 0 : i32
    %dma_wait3A_268 = tpu.memref_slice %arg4[%arg0, %mul3A_2, %dma_wait3A_267] : memref<2x10240x128xf32, #tpu.memory_space<hbm>> -> memref<1x80x128xf32, #tpu.memory_space<hbm>>
    %dma_wait3A_269 = tpu.memref_squeeze %dma_wait3A_268 : memref<1x80x128xf32, #tpu.memory_space<hbm>> -> memref<80x128xf32, #tpu.memory_space<hbm>>
    tpu.wait_dma2 semaphore(%arg17 : memref<!tpu.dma_semaphore, #tpu.memory_space<semaphore_mem>>) src(%arg9 : memref<80x128xf32, #tpu.memory_space<vmem>>) dst(%dma_wait3A_269 : memref<80x128xf32, #tpu.memory_space<hbm>>)
    %add3A_270 = arith.constant 400 : i32
    %add3A_271 = arith.addi %mul3A_2, %add3A_270 : i32
    %dma_start3A_272 = arith.constant 0 : i32
    %dma_start3A_273 = tpu.memref_slice %arg12[%add3A_271, %dma_start3A_272] : memref<10240x128xf32, #tpu.memory_space<vmem_shared>> -> memref<80x128xf32, #tpu.memory_space<vmem_shared>>
    %dma_start3A_274 = arith.constant 0 : i32
    %dma_start3A_275 = tpu.memref_slice %arg12[%add3A_271, %dma_start3A_274] : memref<10240x128xf32, #tpu.memory_space<vmem_shared>> -> memref<80x128xf32, #tpu.memory_space<vmem_shared>>
    tpu.enqueue_dma source(%dma_start3A_275 : memref<80x128xf32, #tpu.memory_space<vmem_shared>>) target(%arg9 : memref<80x128xf32, #tpu.memory_space<vmem>>) target_semaphore(%arg15 : memref<!tpu.dma_semaphore, #tpu.memory_space<semaphore_mem>>)
    %dma_wait3A_276 = arith.constant 0 : i32
    %dma_wait3A_277 = tpu.memref_slice %arg12[%mul3A_2, %dma_wait3A_276] : memref<10240x128xf32, #tpu.memory_space<vmem_shared>> -> memref<80x128xf32, #tpu.memory_space<vmem_shared>>
    %dma_wait3A_278 = arith.constant 0 : i32
    %dma_wait3A_279 = tpu.memref_slice %arg12[%mul3A_2, %dma_wait3A_278] : memref<10240x128xf32, #tpu.memory_space<vmem_shared>> -> memref<80x128xf32, #tpu.memory_space<vmem_shared>>
    tpu.wait_dma2 semaphore(%arg14 : memref<!tpu.dma_semaphore, #tpu.memory_space<semaphore_mem>>) src(%dma_wait3A_279 : memref<80x128xf32, #tpu.memory_space<vmem_shared>>) dst(%arg8 : memref<80x128xf32, #tpu.memory_space<vmem>>)
    %add3A_280 = arith.constant 320 : i32
    %add3A_281 = arith.addi %mul3A_2, %add3A_280 : i32
    %dma_start3A_282 = arith.constant 0 : i32
    %dma_start3A_283 = tpu.memref_slice %arg4[%arg0, %add3A_281, %dma_start3A_282] : memref<2x10240x128xf32, #tpu.memory_space<hbm>> -> memref<1x80x128xf32, #tpu.memory_space<hbm>>
    %dma_start3A_284 = tpu.memref_squeeze %dma_start3A_283 : memref<1x80x128xf32, #tpu.memory_space<hbm>> -> memref<80x128xf32, #tpu.memory_space<hbm>>
    %dma_start3A_285 = arith.constant 0 : i32
    %dma_start3A_286 = tpu.memref_slice %arg4[%arg0, %add3A_281, %dma_start3A_285] : memref<2x10240x128xf32, #tpu.memory_space<hbm>> -> memref<1x80x128xf32, #tpu.memory_space<hbm>>
    %dma_start3A_287 = tpu.memref_squeeze %dma_start3A_286 : memref<1x80x128xf32, #tpu.memory_space<hbm>> -> memref<80x128xf32, #tpu.memory_space<hbm>>
    tpu.enqueue_dma source(%arg8 : memref<80x128xf32, #tpu.memory_space<vmem>>) target(%dma_start3A_287 : memref<80x128xf32, #tpu.memory_space<hbm>>) target_semaphore(%arg16 : memref<!tpu.dma_semaphore, #tpu.memory_space<semaphore_mem>>)
    %dma_wait3A_288 = arith.constant 0 : i32
    %dma_wait3A_289 = tpu.memref_slice %arg4[%arg0, %mul3A_2, %dma_wait3A_288] : memref<2x10240x128xf32, #tpu.memory_space<hbm>> -> memref<1x80x128xf32, #tpu.memory_space<hbm>>
    %dma_wait3A_290 = tpu.memref_squeeze %dma_wait3A_289 : memref<1x80x128xf32, #tpu.memory_space<hbm>> -> memref<80x128xf32, #tpu.memory_space<hbm>>
    %dma_wait3A_291 = arith.constant 0 : i32
    %dma_wait3A_292 = tpu.memref_slice %arg4[%arg0, %mul3A_2, %dma_wait3A_291] : memref<2x10240x128xf32, #tpu.memory_space<hbm>> -> memref<1x80x128xf32, #tpu.memory_space<hbm>>
    %dma_wait3A_293 = tpu.memref_squeeze %dma_wait3A_292 : memref<1x80x128xf32, #tpu.memory_space<hbm>> -> memref<80x128xf32, #tpu.memory_space<hbm>>
    tpu.wait_dma2 semaphore(%arg16 : memref<!tpu.dma_semaphore, #tpu.memory_space<semaphore_mem>>) src(%arg8 : memref<80x128xf32, #tpu.memory_space<vmem>>) dst(%dma_wait3A_293 : memref<80x128xf32, #tpu.memory_space<hbm>>)
    %add3A_294 = arith.constant 480 : i32
    %add3A_295 = arith.addi %mul3A_2, %add3A_294 : i32
    %dma_start3A_296 = arith.constant 0 : i32
    %dma_start3A_297 = tpu.memref_slice %arg12[%add3A_295, %dma_start3A_296] : memref<10240x128xf32, #tpu.memory_space<vmem_shared>> -> memref<80x128xf32, #tpu.memory_space<vmem_shared>>
    %dma_start3A_298 = arith.constant 0 : i32
    %dma_start3A_299 = tpu.memref_slice %arg12[%add3A_295, %dma_start3A_298] : memref<10240x128xf32, #tpu.memory_space<vmem_shared>> -> memref<80x128xf32, #tpu.memory_space<vmem_shared>>
    tpu.enqueue_dma source(%dma_start3A_299 : memref<80x128xf32, #tpu.memory_space<vmem_shared>>) target(%arg8 : memref<80x128xf32, #tpu.memory_space<vmem>>) target_semaphore(%arg14 : memref<!tpu.dma_semaphore, #tpu.memory_space<semaphore_mem>>)
    %dma_wait3A_300 = arith.constant 0 : i32
    %dma_wait3A_301 = tpu.memref_slice %arg12[%mul3A_2, %dma_wait3A_300] : memref<10240x128xf32, #tpu.memory_space<vmem_shared>> -> memref<80x128xf32, #tpu.memory_space<vmem_shared>>
    %dma_wait3A_302 = arith.constant 0 : i32
    %dma_wait3A_303 = tpu.memref_slice %arg12[%mul3A_2, %dma_wait3A_302] : memref<10240x128xf32, #tpu.memory_space<vmem_shared>> -> memref<80x128xf32, #tpu.memory_space<vmem_shared>>
    tpu.wait_dma2 semaphore(%arg15 : memref<!tpu.dma_semaphore, #tpu.memory_space<semaphore_mem>>) src(%dma_wait3A_303 : memref<80x128xf32, #tpu.memory_space<vmem_shared>>) dst(%arg9 : memref<80x128xf32, #tpu.memory_space<vmem>>)
    %add3A_304 = arith.constant 400 : i32
    %add3A_305 = arith.addi %mul3A_2, %add3A_304 : i32
    %dma_start3A_306 = arith.constant 0 : i32
    %dma_start3A_307 = tpu.memref_slice %arg4[%arg0, %add3A_305, %dma_start3A_306] : memref<2x10240x128xf32, #tpu.memory_space<hbm>> -> memref<1x80x128xf32, #tpu.memory_space<hbm>>
    %dma_start3A_308 = tpu.memref_squeeze %dma_start3A_307 : memref<1x80x128xf32, #tpu.memory_space<hbm>> -> memref<80x128xf32, #tpu.memory_space<hbm>>
    %dma_start3A_309 = arith.constant 0 : i32
    %dma_start3A_310 = tpu.memref_slice %arg4[%arg0, %add3A_305, %dma_start3A_309] : memref<2x10240x128xf32, #tpu.memory_space<hbm>> -> memref<1x80x128xf32, #tpu.memory_space<hbm>>
    %dma_start3A_311 = tpu.memref_squeeze %dma_start3A_310 : memref<1x80x128xf32, #tpu.memory_space<hbm>> -> memref<80x128xf32, #tpu.memory_space<hbm>>
    tpu.enqueue_dma source(%arg9 : memref<80x128xf32, #tpu.memory_space<vmem>>) target(%dma_start3A_311 : memref<80x128xf32, #tpu.memory_space<hbm>>) target_semaphore(%arg17 : memref<!tpu.dma_semaphore, #tpu.memory_space<semaphore_mem>>)
    %dma_wait3A_312 = arith.constant 0 : i32
    %dma_wait3A_313 = tpu.memref_slice %arg4[%arg0, %mul3A_2, %dma_wait3A_312] : memref<2x10240x128xf32, #tpu.memory_space<hbm>> -> memref<1x80x128xf32, #tpu.memory_space<hbm>>
    %dma_wait3A_314 = tpu.memref_squeeze %dma_wait3A_313 : memref<1x80x128xf32, #tpu.memory_space<hbm>> -> memref<80x128xf32, #tpu.memory_space<hbm>>
    %dma_wait3A_315 = arith.constant 0 : i32
    %dma_wait3A_316 = tpu.memref_slice %arg4[%arg0, %mul3A_2, %dma_wait3A_315] : memref<2x10240x128xf32, #tpu.memory_space<hbm>> -> memref<1x80x128xf32, #tpu.memory_space<hbm>>
    %dma_wait3A_317 = tpu.memref_squeeze %dma_wait3A_316 : memref<1x80x128xf32, #tpu.memory_space<hbm>> -> memref<80x128xf32, #tpu.memory_space<hbm>>
    tpu.wait_dma2 semaphore(%arg17 : memref<!tpu.dma_semaphore, #tpu.memory_space<semaphore_mem>>) src(%arg9 : memref<80x128xf32, #tpu.memory_space<vmem>>) dst(%dma_wait3A_317 : memref<80x128xf32, #tpu.memory_space<hbm>>)
    %add3A_318 = arith.constant 560 : i32
    %add3A_319 = arith.addi %mul3A_2, %add3A_318 : i32
    %dma_start3A_320 = arith.constant 0 : i32
    %dma_start3A_321 = tpu.memref_slice %arg12[%add3A_319, %dma_start3A_320] : memref<10240x128xf32, #tpu.memory_space<vmem_shared>> -> memref<80x128xf32, #tpu.memory_space<vmem_shared>>
    %dma_start3A_322 = arith.constant 0 : i32
    %dma_start3A_323 = tpu.memref_slice %arg12[%add3A_319, %dma_start3A_322] : memref<10240x128xf32, #tpu.memory_space<vmem_shared>> -> memref<80x128xf32, #tpu.memory_space<vmem_shared>>
    tpu.enqueue_dma source(%dma_start3A_323 : memref<80x128xf32, #tpu.memory_space<vmem_shared>>) target(%arg9 : memref<80x128xf32, #tpu.memory_space<vmem>>) target_semaphore(%arg15 : memref<!tpu.dma_semaphore, #tpu.memory_space<semaphore_mem>>)
    %dma_wait3A_324 = arith.constant 0 : i32
    %dma_wait3A_325 = tpu.memref_slice %arg12[%mul3A_2, %dma_wait3A_324] : memref<10240x128xf32, #tpu.memory_space<vmem_shared>> -> memref<80x128xf32, #tpu.memory_space<vmem_shared>>
    %dma_wait3A_326 = arith.constant 0 : i32
    %dma_wait3A_327 = tpu.memref_slice %arg12[%mul3A_2, %dma_wait3A_326] : memref<10240x128xf32, #tpu.memory_space<vmem_shared>> -> memref<80x128xf32, #tpu.memory_space<vmem_shared>>
    tpu.wait_dma2 semaphore(%arg14 : memref<!tpu.dma_semaphore, #tpu.memory_space<semaphore_mem>>) src(%dma_wait3A_327 : memref<80x128xf32, #tpu.memory_space<vmem_shared>>) dst(%arg8 : memref<80x128xf32, #tpu.memory_space<vmem>>)
    %add3A_328 = arith.constant 480 : i32
    %add3A_329 = arith.addi %mul3A_2, %add3A_328 : i32
    %dma_start3A_330 = arith.constant 0 : i32
    %dma_start3A_331 = tpu.memref_slice %arg4[%arg0, %add3A_329, %dma_start3A_330] : memref<2x10240x128xf32, #tpu.memory_space<hbm>> -> memref<1x80x128xf32, #tpu.memory_space<hbm>>
    %dma_start3A_332 = tpu.memref_squeeze %dma_start3A_331 : memref<1x80x128xf32, #tpu.memory_space<hbm>> -> memref<80x128xf32, #tpu.memory_space<hbm>>
    %dma_start3A_333 = arith.constant 0 : i32
    %dma_start3A_334 = tpu.memref_slice %arg4[%arg0, %add3A_329, %dma_start3A_333] : memref<2x10240x128xf32, #tpu.memory_space<hbm>> -> memref<1x80x128xf32, #tpu.memory_space<hbm>>
    %dma_start3A_335 = tpu.memref_squeeze %dma_start3A_334 : memref<1x80x128xf32, #tpu.memory_space<hbm>> -> memref<80x128xf32, #tpu.memory_space<hbm>>
    tpu.enqueue_dma source(%arg8 : memref<80x128xf32, #tpu.memory_space<vmem>>) target(%dma_start3A_335 : memref<80x128xf32, #tpu.memory_space<hbm>>) target_semaphore(%arg16 : memref<!tpu.dma_semaphore, #tpu.memory_space<semaphore_mem>>)
    %dma_wait3A_336 = arith.constant 0 : i32
    %dma_wait3A_337 = tpu.memref_slice %arg12[%mul3A_2, %dma_wait3A_336] : memref<10240x128xf32, #tpu.memory_space<vmem_shared>> -> memref<80x128xf32, #tpu.memory_space<vmem_shared>>
    %dma_wait3A_338 = arith.constant 0 : i32
    %dma_wait3A_339 = tpu.memref_slice %arg12[%mul3A_2, %dma_wait3A_338] : memref<10240x128xf32, #tpu.memory_space<vmem_shared>> -> memref<80x128xf32, #tpu.memory_space<vmem_shared>>
    tpu.wait_dma2 semaphore(%arg15 : memref<!tpu.dma_semaphore, #tpu.memory_space<semaphore_mem>>) src(%dma_wait3A_339 : memref<80x128xf32, #tpu.memory_space<vmem_shared>>) dst(%arg9 : memref<80x128xf32, #tpu.memory_space<vmem>>)
    %add3A_340 = arith.constant 560 : i32
    %add3A_341 = arith.addi %mul3A_2, %add3A_340 : i32
    %dma_start3A_342 = arith.constant 0 : i32
    %dma_start3A_343 = tpu.memref_slice %arg4[%arg0, %add3A_341, %dma_start3A_342] : memref<2x10240x128xf32, #tpu.memory_space<hbm>> -> memref<1x80x128xf32, #tpu.memory_space<hbm>>
    %dma_start3A_344 = tpu.memref_squeeze %dma_start3A_343 : memref<1x80x128xf32, #tpu.memory_space<hbm>> -> memref<80x128xf32, #tpu.memory_space<hbm>>
    %dma_start3A_345 = arith.constant 0 : i32
    %dma_start3A_346 = tpu.memref_slice %arg4[%arg0, %add3A_341, %dma_start3A_345] : memref<2x10240x128xf32, #tpu.memory_space<hbm>> -> memref<1x80x128xf32, #tpu.memory_space<hbm>>
    %dma_start3A_347 = tpu.memref_squeeze %dma_start3A_346 : memref<1x80x128xf32, #tpu.memory_space<hbm>> -> memref<80x128xf32, #tpu.memory_space<hbm>>
    tpu.enqueue_dma source(%arg9 : memref<80x128xf32, #tpu.memory_space<vmem>>) target(%dma_start3A_347 : memref<80x128xf32, #tpu.memory_space<hbm>>) target_semaphore(%arg17 : memref<!tpu.dma_semaphore, #tpu.memory_space<semaphore_mem>>)
    %dma_wait3A_348 = tpu.memref_slice %arg13[%mul3A_2] : memref<10240xf32, #tpu.memory_space<vmem_shared>> -> memref<640xf32, #tpu.memory_space<vmem_shared>>
    %dma_wait3A_349 = tpu.memref_slice %arg13[%mul3A_2] : memref<10240xf32, #tpu.memory_space<vmem_shared>> -> memref<640xf32, #tpu.memory_space<vmem_shared>>
    tpu.wait_dma2 semaphore(%arg18 : memref<!tpu.dma_semaphore, #tpu.memory_space<semaphore_mem>>) src(%dma_wait3A_349 : memref<640xf32, #tpu.memory_space<vmem_shared>>) dst(%arg11 : memref<640xf32, #tpu.memory_space<vmem>>)
    %dma_start3A_350 = tpu.memref_slice %arg5[%arg0, %mul3A_2] : memref<2x10240xf32, #tpu.memory_space<hbm>> -> memref<1x640xf32, #tpu.memory_space<hbm>>
    %dma_start3A_351 = tpu.memref_squeeze %dma_start3A_350 : memref<1x640xf32, #tpu.memory_space<hbm>> -> memref<640xf32, #tpu.memory_space<hbm>>
    %dma_start3A_352 = tpu.memref_slice %arg5[%arg0, %mul3A_2] : memref<2x10240xf32, #tpu.memory_space<hbm>> -> memref<1x640xf32, #tpu.memory_space<hbm>>
    %dma_start3A_353 = tpu.memref_squeeze %dma_start3A_352 : memref<1x640xf32, #tpu.memory_space<hbm>> -> memref<640xf32, #tpu.memory_space<hbm>>
    tpu.enqueue_dma source(%arg11 : memref<640xf32, #tpu.memory_space<vmem>>) target(%dma_start3A_353 : memref<640xf32, #tpu.memory_space<hbm>>) target_semaphore(%arg18 : memref<!tpu.dma_semaphore, #tpu.memory_space<semaphore_mem>>)
    %dma_wait3A_354 = arith.constant 0 : i32
    %dma_wait3A_355 = tpu.memref_slice %arg4[%arg0, %mul3A_2, %dma_wait3A_354] : memref<2x10240x128xf32, #tpu.memory_space<hbm>> -> memref<1x80x128xf32, #tpu.memory_space<hbm>>
    %dma_wait3A_356 = tpu.memref_squeeze %dma_wait3A_355 : memref<1x80x128xf32, #tpu.memory_space<hbm>> -> memref<80x128xf32, #tpu.memory_space<hbm>>
    %dma_wait3A_357 = arith.constant 0 : i32
    %dma_wait3A_358 = tpu.memref_slice %arg4[%arg0, %mul3A_2, %dma_wait3A_357] : memref<2x10240x128xf32, #tpu.memory_space<hbm>> -> memref<1x80x128xf32, #tpu.memory_space<hbm>>
    %dma_wait3A_359 = tpu.memref_squeeze %dma_wait3A_358 : memref<1x80x128xf32, #tpu.memory_space<hbm>> -> memref<80x128xf32, #tpu.memory_space<hbm>>
    tpu.wait_dma2 semaphore(%arg16 : memref<!tpu.dma_semaphore, #tpu.memory_space<semaphore_mem>>) src(%arg8 : memref<80x128xf32, #tpu.memory_space<vmem>>) dst(%dma_wait3A_359 : memref<80x128xf32, #tpu.memory_space<hbm>>)
    %dma_wait3A_360 = arith.constant 0 : i32
    %dma_wait3A_361 = tpu.memref_slice %arg4[%arg0, %mul3A_2, %dma_wait3A_360] : memref<2x10240x128xf32, #tpu.memory_space<hbm>> -> memref<1x80x128xf32, #tpu.memory_space<hbm>>
    %dma_wait3A_362 = tpu.memref_squeeze %dma_wait3A_361 : memref<1x80x128xf32, #tpu.memory_space<hbm>> -> memref<80x128xf32, #tpu.memory_space<hbm>>
    %dma_wait3A_363 = arith.constant 0 : i32
    %dma_wait3A_364 = tpu.memref_slice %arg4[%arg0, %mul3A_2, %dma_wait3A_363] : memref<2x10240x128xf32, #tpu.memory_space<hbm>> -> memref<1x80x128xf32, #tpu.memory_space<hbm>>
    %dma_wait3A_365 = tpu.memref_squeeze %dma_wait3A_364 : memref<1x80x128xf32, #tpu.memory_space<hbm>> -> memref<80x128xf32, #tpu.memory_space<hbm>>
    tpu.wait_dma2 semaphore(%arg17 : memref<!tpu.dma_semaphore, #tpu.memory_space<semaphore_mem>>) src(%arg9 : memref<80x128xf32, #tpu.memory_space<vmem>>) dst(%dma_wait3A_365 : memref<80x128xf32, #tpu.memory_space<hbm>>)
    %dma_wait3A_366 = tpu.memref_slice %arg5[%arg0, %mul3A_2] : memref<2x10240xf32, #tpu.memory_space<hbm>> -> memref<1x640xf32, #tpu.memory_space<hbm>>
    %dma_wait3A_367 = tpu.memref_squeeze %dma_wait3A_366 : memref<1x640xf32, #tpu.memory_space<hbm>> -> memref<640xf32, #tpu.memory_space<hbm>>
    %dma_wait3A_368 = tpu.memref_slice %arg5[%arg0, %mul3A_2] : memref<2x10240xf32, #tpu.memory_space<hbm>> -> memref<1x640xf32, #tpu.memory_space<hbm>>
    %dma_wait3A_369 = tpu.memref_squeeze %dma_wait3A_368 : memref<1x640xf32, #tpu.memory_space<hbm>> -> memref<640xf32, #tpu.memory_space<hbm>>
    tpu.wait_dma2 semaphore(%arg18 : memref<!tpu.dma_semaphore, #tpu.memory_space<semaphore_mem>>) src(%arg11 : memref<640xf32, #tpu.memory_space<vmem>>) dst(%dma_wait3A_369 : memref<640xf32, #tpu.memory_space<hbm>>)
    return
  }
}

module attributes {stable_mosaic.version = 14 : i64} {
  func.func @_dense_body(%arg0: memref<10000x128xf32, #tpu.memory_space<vmem>>, %arg1: memref<2x10240x128xf32, #tpu.memory_space<vmem>>, %arg2: memref<2x10240xf32, #tpu.memory_space<vmem>>, %arg3: memref<128x128xf32, #tpu.memory_space<vmem>>, %arg4: memref<128x128xf32, #tpu.memory_space<vmem>>, %arg5: memref<1x128xf32, #tpu.memory_space<vmem>>, %arg6: memref<10000x128xf32, #tpu.memory_space<vmem>>) attributes {dimension_semantics = [], scalar_prefetch = 0 : i64, scratch_operands = 0 : i64, tpu.core_type = #tpu.core_type<tc>} {
    %get3A = arith.constant 0 : index
    %get3A_0 = arith.constant 0 : index
    %get3A_1 = vector.load %arg0[%get3A, %get3A_0] : memref<10000x128xf32, #tpu.memory_space<vmem>>, vector<10000x128xf32>
    %get3A_2 = arith.constant 0 : index
    %get3A_3 = arith.constant 0 : index
    %get3A_4 = arith.constant 0 : index
    %get3A_5 = vector.load %arg1[%get3A_2, %get3A_3, %get3A_4] : memref<2x10240x128xf32, #tpu.memory_space<vmem>>, vector<1x10000x128xf32>
    %get3A_6 = vector.shape_cast %get3A_5 : vector<1x10000x128xf32> to vector<10000x128xf32>
    %get3A_7 = arith.constant 1 : index
    %get3A_8 = arith.constant 0 : index
    %get3A_9 = arith.constant 0 : index
    %get3A_10 = vector.load %arg1[%get3A_7, %get3A_8, %get3A_9] : memref<2x10240x128xf32, #tpu.memory_space<vmem>>, vector<1x10000x128xf32>
    %get3A_11 = vector.shape_cast %get3A_10 : vector<1x10000x128xf32> to vector<10000x128xf32>
    %add3A = arith.addf %get3A_6, %get3A_11 : vector<10000x128xf32>
    %get3A_12 = arith.constant 0 : index
    %get3A_13 = arith.constant 0 : index
    %get3A_14 = vector.load %arg2[%get3A_12, %get3A_13] : memref<2x10240xf32, #tpu.memory_space<vmem>>, vector<1x10000xf32>
    %get3A_15 = vector.shape_cast %get3A_14 : vector<1x10000xf32> to vector<10000xf32>
    %get3A_16 = arith.constant 1 : index
    %get3A_17 = arith.constant 0 : index
    %get3A_18 = vector.load %arg2[%get3A_16, %get3A_17] : memref<2x10240xf32, #tpu.memory_space<vmem>>, vector<1x10000xf32>
    %get3A_19 = vector.shape_cast %get3A_18 : vector<1x10000xf32> to vector<10000xf32>
    %add3A_20 = arith.addf %get3A_15, %get3A_19 : vector<10000xf32>
    %max3A = arith.constant 1.000000e+00 : f32
    %max3A_21 = vector.broadcast %max3A : f32 to vector<10000xf32>
    %max3A_22 = arith.maximumf %add3A_20, %max3A_21 : vector<10000xf32>
    %div3A = arith.constant 1.000000e+00 : f32
    %div3A_23 = vector.broadcast %div3A : f32 to vector<10000xf32>
    %div3A_24 = arith.divf %div3A_23, %max3A_22 : vector<10000xf32>
    %broadcast_in_dim3A = vector.shape_cast %div3A_24 : vector<10000xf32> to vector<10000x1xf32>
    %mul3A = vector.broadcast %broadcast_in_dim3A : vector<10000x1xf32> to vector<10000x128xf32>
    %mul3A_25 = arith.mulf %add3A, %mul3A : vector<10000x128xf32>
    %get3A_26 = arith.constant 0 : index
    %get3A_27 = arith.constant 0 : index
    %get3A_28 = vector.load %arg3[%get3A_26, %get3A_27] : memref<128x128xf32, #tpu.memory_space<vmem>>, vector<128x128xf32>
    %dot_general3A = arith.constant dense<0.000000e+00> : vector<10000x128xf32>
    %dot_general3A_29 = tpu.matmul %get3A_1, %get3A_28, %dot_general3A {dimension_numbers = #tpu.dot_dimension_numbers<[1], [0], [0], [1], [0, 0, 1, 1], [], []>, transpose_lhs_hint = false} : vector<10000x128xf32>, vector<128x128xf32>, vector<10000x128xf32> -> vector<10000x128xf32>
    %get3A_30 = arith.constant 0 : index
    %get3A_31 = arith.constant 0 : index
    %get3A_32 = vector.load %arg4[%get3A_30, %get3A_31] : memref<128x128xf32, #tpu.memory_space<vmem>>, vector<128x128xf32>
    %dot_general3A_33 = arith.constant dense<0.000000e+00> : vector<10000x128xf32>
    %dot_general3A_34 = tpu.matmul %mul3A_25, %get3A_32, %dot_general3A_33 {dimension_numbers = #tpu.dot_dimension_numbers<[1], [0], [0], [1], [0, 0, 1, 1], [], []>, transpose_lhs_hint = false} : vector<10000x128xf32>, vector<128x128xf32>, vector<10000x128xf32> -> vector<10000x128xf32>
    %add3A_35 = arith.addf %dot_general3A_29, %dot_general3A_34 : vector<10000x128xf32>
    %get3A_36 = arith.constant 0 : index
    %get3A_37 = arith.constant 0 : index
    %get3A_38 = vector.load %arg5[%get3A_36, %get3A_37] : memref<1x128xf32, #tpu.memory_space<vmem>>, vector<1x128xf32>
    %add3A_39 = vector.broadcast %get3A_38 : vector<1x128xf32> to vector<10000x128xf32>
    %add3A_40 = arith.addf %add3A_35, %add3A_39 : vector<10000x128xf32>
    %swap3A = arith.constant 0 : index
    %swap3A_41 = arith.constant 0 : index
    %swap3A_42 = vector.load %arg6[%swap3A, %swap3A_41] : memref<10000x128xf32, #tpu.memory_space<vmem>>, vector<10000x128xf32>
    tpu.vector_store %arg6[%swap3A, %swap3A_41], %add3A_40 {strides = array<i32>} : memref<10000x128xf32, #tpu.memory_space<vmem>>, vector<10000x128xf32>,
    return
  }
}

module attributes {stable_mosaic.version = 14 : i64} {
  func.func @_dense_body(%arg0: memref<10000x128xf32, #tpu.memory_space<vmem>>, %arg1: memref<2x10240x128xf32, #tpu.memory_space<vmem>>, %arg2: memref<2x10240xf32, #tpu.memory_space<vmem>>, %arg3: memref<128x128xf32, #tpu.memory_space<vmem>>, %arg4: memref<128x128xf32, #tpu.memory_space<vmem>>, %arg5: memref<1x128xf32, #tpu.memory_space<vmem>>, %arg6: memref<10000x128xf32, #tpu.memory_space<vmem>>) attributes {dimension_semantics = [], scalar_prefetch = 0 : i64, scratch_operands = 0 : i64, tpu.core_type = #tpu.core_type<tc>} {
    %get3A = arith.constant 0 : index
    %get3A_0 = arith.constant 0 : index
    %get3A_1 = vector.load %arg0[%get3A, %get3A_0] : memref<10000x128xf32, #tpu.memory_space<vmem>>, vector<10000x128xf32>
    %get3A_2 = arith.constant 0 : index
    %get3A_3 = arith.constant 0 : index
    %get3A_4 = arith.constant 0 : index
    %get3A_5 = vector.load %arg1[%get3A_2, %get3A_3, %get3A_4] : memref<2x10240x128xf32, #tpu.memory_space<vmem>>, vector<1x10000x128xf32>
    %get3A_6 = vector.shape_cast %get3A_5 : vector<1x10000x128xf32> to vector<10000x128xf32>
    %get3A_7 = arith.constant 1 : index
    %get3A_8 = arith.constant 0 : index
    %get3A_9 = arith.constant 0 : index
    %get3A_10 = vector.load %arg1[%get3A_7, %get3A_8, %get3A_9] : memref<2x10240x128xf32, #tpu.memory_space<vmem>>, vector<1x10000x128xf32>
    %get3A_11 = vector.shape_cast %get3A_10 : vector<1x10000x128xf32> to vector<10000x128xf32>
    %add3A = arith.addf %get3A_6, %get3A_11 : vector<10000x128xf32>
    %get3A_12 = arith.constant 0 : index
    %get3A_13 = arith.constant 0 : index
    %get3A_14 = vector.load %arg2[%get3A_12, %get3A_13] : memref<2x10240xf32, #tpu.memory_space<vmem>>, vector<1x10000xf32>
    %get3A_15 = vector.shape_cast %get3A_14 : vector<1x10000xf32> to vector<10000xf32>
    %get3A_16 = arith.constant 1 : index
    %get3A_17 = arith.constant 0 : index
    %get3A_18 = vector.load %arg2[%get3A_16, %get3A_17] : memref<2x10240xf32, #tpu.memory_space<vmem>>, vector<1x10000xf32>
    %get3A_19 = vector.shape_cast %get3A_18 : vector<1x10000xf32> to vector<10000xf32>
    %add3A_20 = arith.addf %get3A_15, %get3A_19 : vector<10000xf32>
    %max3A = arith.constant 1.000000e+00 : f32
    %max3A_21 = vector.broadcast %max3A : f32 to vector<10000xf32>
    %max3A_22 = arith.maximumf %add3A_20, %max3A_21 : vector<10000xf32>
    %div3A = arith.constant 1.000000e+00 : f32
    %div3A_23 = vector.broadcast %div3A : f32 to vector<10000xf32>
    %div3A_24 = arith.divf %div3A_23, %max3A_22 : vector<10000xf32>
    %broadcast_in_dim3A = vector.shape_cast %div3A_24 : vector<10000xf32> to vector<10000x1xf32>
    %mul3A = vector.broadcast %broadcast_in_dim3A : vector<10000x1xf32> to vector<10000x128xf32>
    %mul3A_25 = arith.mulf %add3A, %mul3A : vector<10000x128xf32>
    %get3A_26 = arith.constant 0 : index
    %get3A_27 = arith.constant 0 : index
    %get3A_28 = vector.load %arg3[%get3A_26, %get3A_27] : memref<128x128xf32, #tpu.memory_space<vmem>>, vector<128x128xf32>
    %dot_general3A = arith.constant dense<0.000000e+00> : vector<10000x128xf32>
    %dot_general3A_29 = tpu.matmul %get3A_1, %get3A_28, %dot_general3A {dimension_numbers = #tpu.dot_dimension_numbers<[1], [0], [0], [1], [0, 0, 1, 1], [], []>, transpose_lhs_hint = false} : vector<10000x128xf32>, vector<128x128xf32>, vector<10000x128xf32> -> vector<10000x128xf32>
    %get3A_30 = arith.constant 0 : index
    %get3A_31 = arith.constant 0 : index
    %get3A_32 = vector.load %arg4[%get3A_30, %get3A_31] : memref<128x128xf32, #tpu.memory_space<vmem>>, vector<128x128xf32>
    %dot_general3A_33 = arith.constant dense<0.000000e+00> : vector<10000x128xf32>
    %dot_general3A_34 = tpu.matmul %mul3A_25, %get3A_32, %dot_general3A_33 {dimension_numbers = #tpu.dot_dimension_numbers<[1], [0], [0], [1], [0, 0, 1, 1], [], []>, transpose_lhs_hint = false} : vector<10000x128xf32>, vector<128x128xf32>, vector<10000x128xf32> -> vector<10000x128xf32>
    %add3A_35 = arith.addf %dot_general3A_29, %dot_general3A_34 : vector<10000x128xf32>
    %get3A_36 = arith.constant 0 : index
    %get3A_37 = arith.constant 0 : index
    %get3A_38 = vector.load %arg5[%get3A_36, %get3A_37] : memref<1x128xf32, #tpu.memory_space<vmem>>, vector<1x128xf32>
    %add3A_39 = vector.broadcast %get3A_38 : vector<1x128xf32> to vector<10000x128xf32>
    %add3A_40 = arith.addf %add3A_35, %add3A_39 : vector<10000x128xf32>
    %max3A_41 = arith.constant 0.000000e+00 : f32
    %max3A_42 = vector.broadcast %max3A_41 : f32 to vector<10000x128xf32>
    %max3A_43 = arith.maximumf %add3A_40, %max3A_42 : vector<10000x128xf32>
    %swap3A = arith.constant 0 : index
    %swap3A_44 = arith.constant 0 : index
    %swap3A_45 = vector.load %arg6[%swap3A, %swap3A_44] : memref<10000x128xf32, #tpu.memory_space<vmem>>, vector<10000x128xf32>
    tpu.vector_store %arg6[%swap3A, %swap3A_44], %max3A_43 {strides = array<i32>} : memref<10000x128xf32, #tpu.memory_space<vmem>>, vector<10000x128xf32>,
    return
  }
}

</mosaic_0001>

<sc_bundles>
// kernel: kernel.6.cloned.1.call-start
scs
__scs_entry_jumppad:
0x0: {  	(pc) =	sbr.rel $0x88, $3  }
0x1: {  	(tag) =	ssettag $0x0;
	lr =	simm.s32 $0x1  }
0x2: {  	[smem:$0x3F98] =	sst lr;
	_ =	strace $0xD0000000  }
0x3: {  	_ = 	snop  }
0x4: {  	_ = 	snop  }
0x5: {  	_ = 	snop  }
0x6: {  	_ = 	snop  }
0x7: {  	_ = 	snop  }
__scs_overlays_trampoline_lowered:
0x8: {  	[smem:$0x3FA7] =	sst s0  }
0x9: {  	[smem:$0x3FA8] =	sst s1  }
0xa: {  	[smem:$0x3FA9] =	sst s2  }
0xb: {  	[smem:$0x3FAA] =	sst s3  }
0xc: {  	[smem:$0x3FAB] =	sst s4  }
0xd: {  	[smem:$0x3FAC] =	sst s5  }
0xe: {  	[smem:$0x3FAD] =	sst s6  }
0xf: {  	[smem:$0x3FAE] =	sst s7  }
0x10: {  	[smem:$0x3FAF] =	sst s8  }
0x11: {  	[smem:$0x3FB0] =	sst s9;
	s0 =	simm.s32 @!p0 $0x0  }
0x12: {  	s1 =	sld [smem:$0x3F96];
	s0 =	simm.s32 @p0 $0x1  }
0x13: {  	[smem:$0x3FB1] =	sst s0;
	s0 =	simm.s32 @!p1 $0x0  }
0x14: {  	s2 =	sld [smem:$0x3F95];
	s0 =	simm.s32 @p1 $0x1  }
0x15: {  	[smem:$0x3FB2] =	sst s0;
	s0 =	simm.s32 @!p2 $0x0  }
0x16: {  	s3 =	sld [smem:$0x3FDB];
	s0 =	simm.s32 @p2 $0x1  }
0x17: {  	s4 =	simm.s32 $0x1BF5;
	[smem:$0x3FB4] =	sst s0  }
0x18: {  	s0 =	sld [smem:$0x3F97];
	_ =	swait.ge [sflag:s4], $0x0  }
0x19: {  	s7 =	sld [smem:$0x3F98]  }
0x1a: {  	s8 =	sadd.s32 $0xFFFFE003, lr  }
0x1b: {  	s9 =	sadd.s32 $0xFFFFFEF7, lr;
	s5 =	simm.s32 $0xFFFFFFFF;
	p2 =	slt.u32 s8, $0xFFFFF086  }
0x1c: {  	p1 =	slt.u32 s9, $0xF7A;
	s5 =	simm.s32 @!p2 $0x0  }
0x1d: {  	s5 =	simm.s32 @p1 $0x1;
	p0 =	seq.s32 s7, s2  }
0x1e: {  	s7 =	smul.u32 @!p0 $0xF7A, s2;
	p2 =	seq.s32 @!p0 s5, $0x0  }
0x1f: {  	s9 =	smul.u32 $0xF7A, s1;
	s8 =	simm.s32 @!p0 $0x1BF5;
	p2 =	por !p2, p0  }
0x20: {  	[sflag:s8] =	ssyncset.s32 @!p0 $0xFFFFF086;
	s6 =	sadd.s32 @!p0 s3, s7;
	s7 =	simm.s32 @!p0 $0x108  }
0x21: {  	s3 =	sadd.s32 s3, s9;
	s6 =	sadd.s32 @!p0 $0x88, s6;
	s7 =	simm.s32 @p2 $0x1082  }
0x22: {  	[simem:s7], [sflag:s8] =	dma.local @!p0 [hbm:s6], $0xF7A  }
0x23: {  	s9 =	sor.u32 $0xD0000000, s2;
	s6 =	simm.s32 $0x108;
	_ =	swait.ge @!p0 [sflag:s8], $0x0  }
0x24: {  	s3 =	sadd.s32 $0x88, s3;
	s6 =	simm.s32 @!p1 $0x1082;
	[sflag:s4] =	ssyncset.s32 $0xFFFFF086  }
0x25: {  	[simem:s6], [sflag:s4] =	dma.local [hbm:s3], $0xF7A  }
0x26: {  	[smem:$0x3F98] =	sst s1;
	(tag) =	ssettag s2;
	_ =	strace s9  }
0x27: {  	s1 =	sld [smem:$0x3FA8]  }
0x28: {  	s2 =	sld [smem:$0x3FA9]  }
0x29: {  	s4 =	sld [smem:$0x3FAB]  }
0x2a: {  	p0 =	seq.s32 s5, $0x0;
	s5 =	sld [smem:$0x3FAC]  }
0x2b: {  	s6 =	sld [smem:$0x3FAD]  }
0x2c: {  	s7 =	sld [smem:$0x3FAE]  }
0x2d: {  	s3 =	simm.s32 $0x108;
	s8 =	sld [smem:$0x3FAF]  }
0x2e: {  	s3 =	simm.s32 @!p0 $0x1082;
	s9 =	sld [smem:$0x3FB0]  }
0x2f: {  	lr =	sadd.s32 s0, s3;
	s0 =	sld [smem:$0x3FA7]  }
0x30: {  	s3 =	sld [smem:$0x3FAA]  }
0x31: {  	[smem:$0x3FB3] =	sst s10  }
0x32: {  	s10 =	sld [smem:$0x3FB1];
	_ =	sdelay $0x3  }
0x33: {  	p0 =	seq.s32 s10, $0x1;
	s10 =	sld [smem:$0x3FB3];
	_ =	sdelay $0x3  }
0x34: {  	[smem:$0x3FB3] =	sst s10  }
0x35: {  	s10 =	sld [smem:$0x3FB2];
	_ =	sdelay $0x3  }
0x36: {  	p1 =	seq.s32 s10, $0x1;
	s10 =	sld [smem:$0x3FB3];
	_ =	sdelay $0x3  }
0x37: {  	[smem:$0x3FB3] =	sst s10  }
0x38: {  	s10 =	sld [smem:$0x3FB4]  }
0x39: {  	_ = 	snop;
	(pc) =	sbr.ind lr, $3  }
0x3a: {  	_ = 	snop  }
0x3b: {  	_ = 	snop  }
0x3c: {  	p2 =	seq.s32 s10, $0x1;
	s10 =	sld [smem:$0x3FB3]  }
0x3d: {  	_ =	shalt  }
0x3e: {  	_ =	shalt  }
0x3f: {  	_ =	shalt  }
0x40: {  	_ =	shalt  }
0x41: {  	_ =	shalt  }
0x42: {  	_ =	shalt  }
0x43: {  	_ =	shalt  }
0x44: {  	_ =	shalt  }
0x45: {  	_ =	shalt  }
0x46: {  	_ =	shalt  }
0x47: {  	_ =	shalt  }
0x48: {  	_ =	shalt  }
0x49: {  	_ =	shalt  }
0x4a: {  	_ =	shalt  }
0x4b: {  	_ =	shalt  }
0x4c: {  	_ =	shalt  }
0x4d: {  	_ =	shalt  }
0x4e: {  	_ =	shalt  }
0x4f: {  	_ =	shalt  }
0x50: {  	_ =	shalt  }
0x51: {  	_ =	shalt  }
0x52: {  	_ =	shalt  }
0x53: {  	_ =	shalt  }
0x54: {  	_ =	shalt  }
0x55: {  	_ =	shalt  }
0x56: {  	_ =	shalt  }
0x57: {  	_ =	shalt  }
0x58: {  	_ =	shalt  }
0x59: {  	_ =	shalt  }
0x5a: {  	_ =	shalt  }
0x5b: {  	_ =	shalt  }
0x5c: {  	_ =	shalt  }
0x5d: {  	_ =	shalt  }
0x5e: {  	_ =	shalt  }
0x5f: {  	_ =	shalt  }
0x60: {  	_ =	shalt  }
0x61: {  	_ =	shalt  }
0x62: {  	_ =	shalt  }
0x63: {  	_ =	shalt  }
0x64: {  	_ =	shalt  }
0x65: {  	_ =	shalt  }
0x66: {  	_ =	shalt  }
0x67: {  	_ =	shalt  }
0x68: {  	_ =	shalt  }
0x69: {  	_ =	shalt  }
0x6a: {  	_ =	shalt  }
0x6b: {  	_ =	shalt  }
0x6c: {  	_ =	shalt  }
0x6d: {  	_ =	shalt  }
0x6e: {  	_ =	shalt  }
0x6f: {  	_ =	shalt  }
0x70: {  	_ =	shalt  }
0x71: {  	_ =	shalt  }
0x72: {  	_ =	shalt  }
0x73: {  	_ =	shalt  }
0x74: {  	_ =	shalt  }
0x75: {  	_ =	shalt  }
0x76: {  	_ =	shalt  }
0x77: {  	_ =	shalt  }
0x78: {  	_ =	shalt  }
0x79: {  	_ =	shalt  }
0x7a: {  	_ =	shalt  }
0x7b: {  	_ =	shalt  }
0x7c: {  	_ =	shalt  }
0x7d: {  	_ =	shalt  }
0x7e: {  	_ =	shalt  }
0x7f: {  	_ =	shalt  }
0x80: {  	_ =	shalt  }
0x81: {  	_ =	shalt  }
0x82: {  	_ =	shalt  }
0x83: {  	_ =	shalt  }
0x84: {  	_ =	shalt  }
0x85: {  	_ =	shalt  }
0x86: {  	_ =	shalt  }
0x87: {  	_ =	shalt  }
.Lfunc_end0:
.L_simem_size_0:
called_computation_lowered:
.L_overlay_start_0:
0x88: {  	s2 =	sld [smem:$0x3FD9]  }
0x89: {  	s3 =	sld [smem:$0x3FFE];
	_ =	sdelay $0x1  }
0x8a: {  	s1 =	srdreg.scid  }
0x8b: {  	s0 =	sand.u32 $0x1, s1  }
0x8c: {  	s17 =	sshll.u32 s0, $0xA;
	s2 =	sadd.s32 s3, s2  }
0x8d: {  	s2 =	sadd.s32 s2, s17  }
0x8e: {  	[smem:$0x3FBF] =	sst s2  }
0x8f: {  	_ = 	snop  }
0x90: {  	s2 =	sld [smem:$0x3FC9]  }
0x91: {  	s18 =	sld [smem:$0x3FD0];
	(tm) =	ssettm $0x1  }
0x92: {  	s4 =	sld [smem:$0x3FFB];
	_ =	sdelay $0x3  }
0x93: {  	_ =	strace s4  }
0x94: {  	s4 =	sld [smem:$0x3FFC];
	_ =	sdelay $0x3  }
0x95: {  	_ =	strace s4  }
0x96: {  	s4 =	sld [smem:$0x3FFD];
	_ =	sdelay $0x3  }
0x97: {  	_ =	strace s4  }
0x98: {  	_ =	strace $0x8FFFFFFF  }
0x99: {  	s19 =	sld [smem:$0x3FDB];
	_ =	sdelay $0x1  }
0x9a: {  	s5 =	simm.s32 $_scs_section_size  }
0x9b: {  	s6 =	simm.s32 $_size__tile_overlayer_lowered;
	s7 =	simm.s32 $_tile_overlayer_lowered  }
0x9c: {  	s22 =	simm.s32 $0x1BFF;
	s21 =	sshll.u32 s7, $0x1;
	s4 =	sadd.s32 s5, s19  }
0x9d: {  	s8 =	simm.s32 $0x0;
	s20 =	sshll.u32 s6, $0x1;
	s6 =	sadd.s32 s21, s4  }
0x9e: {  	[timem:s8], [sflag:s22] =	dma.local [hbm:s6], s20  }
0x9f: {  	_ =	swait.ge [sflag:s22], s20  }
0xa0: {  	s5 =	ssub.s32 $0x0, s20;
	[sflag:s22] =	ssyncset.done $0x0  }
0xa1: {  	[sflag:s22] =	ssyncadd.s32 s5;
	_ =	sdelay $0x1  }
0xa2: {  	s23 =	simm.s32 $0x1B8B  }
0xa3: {  	_ =	swait.ge [sflag:s23], $0x1  }
0xa4: {  	[sflag:s23] =	ssyncset.done $0x0  }
0xa5: {  	s25 =	simm.s32 $0x1B8E;
	s24 =	sld [smem:$0x3FFE];
	[sflag:s23] =	ssyncadd.s32 $0xFFFFFFFF  }
0xa6: {  	s26 =	simm.s32 $execute0_lowered;
	[smem:$0x3FD2] =	sst s25  }
0xa7: {  	s6 =	sshll.u32 s26, $0x1;
	_ =	strace $0x80000046;
	[dreg:$0x1] =	wrdreg $0xFFFFFFFF  }
0xa8: {  	s28 =	simm.s32 $_size_execute0_lowered;
	s4 =	sadd.s32 s4, s6;
	[dreg:$0x0] =	wrdreg $0x0  }
0xa9: {  	s6 =	sshll.u32 s28, $0x1;
	[dreg:$0x2] =	wrdreg s4  }
0xaa: {  	[dreg:$0x3] =	wrdreg s6  }
0xab: {  	[dreg:$0x4] =	wrdreg $0xC0  }
0xac: {  	_ =	task [dreg:s8], $0x5FFFF  }
0xad: {  	[dreg:$0x1] =	wrdreg $0xFFFFFFFF  }
0xae: {  	[dreg:$0x0] =	wrdreg $0x60  }
0xaf: {  	[dreg:$0x2] =	wrdreg s2  }
0xb0: {  	[dreg:$0x3] =	wrdreg s24  }
0xb1: {  	[dreg:$0x4] =	wrdreg s18  }
0xb2: {  	[dreg:$0x5] =	wrdreg $0x93000  }
0xb3: {  	[dreg:$0x6] =	wrdreg $0x1D3000  }
0xb4: {  	[dreg:$0x7] =	wrdreg $0x9  }
0xb5: {  	_ =	task.clear_ibuf [dreg:s8], $0x8FFFF;
	_ =	strace $0x90000046  }
0xb6: {  	s29 =	simm.s32 $0x9;
	_ =	strace $0x80000048  }
0xb7: {  	_ =	swait.ge [sflag:s29], $0x1  }
0xb8: {  	[sflag:s29] =	ssyncadd.s32 $0xFFFFFFFF  }
0xb9: {  	_ =	strace $0x90000048  }
0xba: {  	_ =	sfence  }
0xbb: {  	s30 =	sld [smem:$0x0];
	_ =	sdelay $0x2  }
0xbc: {  	s31 =	sshll.u32 s1, $0xD;
	s1 =	sshrl.u32 s1, $0x2  }
0xbd: {  	s3 =	sand.u32 $0x4000, s31;
	s1 =	sadd.s32 s1, s30  }
0xbe: {  	s0 =	sor.u32 s3, s0;
	s1 =	sshll.u32 s1, $0x11  }
0xbf: {  	s0 =	sor.u32 s1, s0  }
0xc0: {  	s0 =	sadd.s32 $0x8F2B, s0  }
0xc1: {  	[sflag:s0] =	ssyncadd.remote.s32 $0x1  }
0xc2: {  	_ =	sfence.sel $0xFFFF  }
0xc3: {  	[dreg:$0x0] =	wrdreg $0xFFFFFFFF;
	(pc) =	sbr.abs _section_cstart, $3  }
0xc4: {  	[dreg:$0x1] =	wrdreg $0xFFFFFFFF  }
0xc5: {  	_ =	task.clear_ibuf [dreg:s8], $0x2FFFF;
	_ =	strace $0x9FFFFFFF  }
0xc6: {  	(tm) =	ssettm $0x7FFFFFFF  }
0xc7: {  	_ =	shalt  }
tec
execute0_lowered:
.L_overlay_start_1:
0x0: {  	(tag) =	ssettag $0x1  }
0x1: {  	s0 =	rddreg [dreg:$0x0]  }
0x2: {  	s3 =	rddreg [dreg:$0x1]  }
0x3: {  	s1 =	srdreg.scid;
	s5 =	rddreg [dreg:$0x2]  }
0x4: {  	s16 =	stileid.u32;
	s2 =	rddreg [dreg:$0x3]  }
0x5: {  	s31 =	simm.s32 $0x4000;
	s30 =	simm.s32 $0x4;
	s4 =	sand.u32 $0x1, s1  }
0x6: {  	s1 =	smul.u32 $0x280, s16;
	s8 =	sadd.s32 $0x2B200, s3;
	s6 =	ssub.s32 $0x2, s4  }
0x7: {  	s22 =	sshll.u32 s16, $0x1;
	s11 =	smul.u32 $0x14000, s16;
	s7 =	sshrl.u32 s6, $0x1  }
0x8: {  	s10 =	smul.u32 $0x140000, s4;
	s9 =	sshll.u32 s1, $0x7;
	s6 =	ssub.s32 s6, s7  }
0x9: {  	s7 =	sor.u32 s4, s22;
	s13 =	sor.u32 $0x2800, s9;
	s15 =	sadd.s32 $0x5000, s9  }
0xa: {  	s17 =	sadd.s32 $0x7800, s9;
	s18 =	sadd.s32 $0xA000, s9;
	s19 =	sadd.s32 $0xC800, s9  }
0xb: {  	s24 =	sadd.s32 $0xF000, s9;
	s9 =	sadd.s32 $0x11800, s9;
	s11 =	sadd.s32 s11, s10  }
0xc: {  	s4 =	sshll.u32 s4, $0x7;
	s11 =	sshrl.u32 s11, $0x3;
	s12 =	sadd.s32 s10, s13  }
0xd: {  	s14 =	sadd.s32 s10, s15;
	s20 =	sadd.s32 s10, s19;
	s28 =	sadd.s32 s17, s2  }
0xe: {  	s19 =	sadd.s32 s19, s2;
	s29 =	sadd.s32 s24, s2;
	s11 =	sadd.s32 s8, s11  }
0xf: {  	s23 =	sshrl.u32 s12, $0x3;
	s25 =	sshrl.u32 s14, $0x3;
	s12 =	sadd.s32 s10, s17  }
0x10: {  	s14 =	sadd.s32 s10, s18;
	s22 =	sshrl.u32 s20, $0x3;
	s18 =	sadd.s32 s18, s2  }
0x11: {  	[dreg:$0x6] =	wrdreg s11;
	s11 =	sadd.s32 s8, s23;
	s26 =	sadd.s32 s8, s25  }
0x12: {  	s21 =	sshrl.u32 s14, $0x3;
	s23 =	sadd.s32 s8, s22;
	s25 =	sadd.s32 s10, s24  }
0x13: {  	s10 =	sadd.s32 s10, s9;
	s14 =	smul.u32 $0x5000, s7;
	[dreg:$0x7] =	wrdreg s11  }
0x14: {  	s7 =	smul.u32 $0x50000, s16;
	[dreg:$0x8] =	wrdreg s26;
	s11 =	sshrl.u32 s12, $0x3  }
0x15: {  	s22 =	sadd.s32 s15, s2;
	[dreg:$0xb] =	wrdreg s23;
	s11 =	sadd.s32 s8, s11  }
0x16: {  	s26 =	smul.u32 $0x500, s16;
	[dreg:$0x9] =	wrdreg s11;
	s11 =	sadd.s32 s8, s21  }
0x17: {  	s12 =	simm.s32 $0x0;
	[dreg:$0xa] =	wrdreg s11;
	s11 =	sshrl.u32 s25, $0x3  }
0x18: {  	s10 =	sshrl.u32 s10, $0x3;
	[smem:$0x7FF] =	sst s12;
	s11 =	sadd.s32 s8, s11  }
0x19: {  	s4 =	sor.u32 s4, s26;
	s8 =	sadd.s32 s8, s10;
	[dreg:$0xc] =	wrdreg s11  }
0x1a: {  	s24 =	sadd.s32 s9, s2;
	s4 =	sshrl.u32 s4, $0x3;
	[dreg:$0xd] =	wrdreg s8  }
0x1b: {  	s9 =	simm.s32 $0x5;
	s4 =	sadd.s32 s5, s4;
	s11 =	rddreg [dreg:$0x4]  }
0x1c: {  	s15 =	simm.s32 $0x0;
	s16 =	sadd.s32 $0x3200, s3;
	[dreg:$0xe] =	wrdreg s4  }
0x1d: {  	s25 =	smax.u32 s6, $0x1;
	_ =	strace $0x80000047;
	[dreg:$0x13] =	wrdreg s24  }
0x1e: {  	s3 =	simm.s32 $0x1;
	s23 =	sshrl.u32 s7, $0x2;
	[dreg:$0x15] =	wrdreg s25  }
0x1f: {  	s7 =	simm.s32 $0x9000;
	s20 =	sadd.s32 s23, s2;
	[dreg:$0x10] =	wrdreg s18  }
0x20: {  	s21 =	sadd.s32 s13, s2;
	s6 =	simm.s32 $0x6800;
	[dreg:$0x11] =	wrdreg s19  }
0x21: {  	s5 =	simm.s32 $0x50;
	s8 =	sshrl.u32 s14, $0x3;
	[dreg:$0x12] =	wrdreg s29  }
0x22: {  	s4 =	simm.s32 $0x6;
	s1 =	sadd.s32 s1, s11;
	[dreg:$0x17] =	wrdreg s28  }
0x23: {  	s10 =	sadd.s32 s16, s8;
	s8 =	simm.s32 $0x7;
	[dreg:$0x14] =	wrdreg s1  }
0x24: {  	[dreg:$0xf] =	wrdreg s10;
	s26 =	sadd.s32 $0x14000, s10;
	s1 =	simm.s32 $0x3  }
0x25: {  	v0 =	vimm.f32 $0.0e+00;
	v1 =	vimm.f32 $1.000000000e+00;
	s10 =	simm.s32 $0x2;
	[dreg:$0x16] =	wrdreg s26;
	s26 =	simm.s32 $0x9080  }
.LBB2_1:
0x26: {  	s13 =	rddreg [dreg:$0xf]  }
0x27: {  	[tilespmem:s12], [sflag:$0x6] =	stream.linear.gather [hbm4b:s13+s12], $0xC80, $0x38;
	[tilespmem:$0x1D580] =	vst v63  }
0x28: {  	s25 =	rddreg [dreg:$0x16];
	s17 =	simm.s32 $0x2000  }
0x29: {  	[tilespmem:s17], [sflag:$0x6] =	stream.linear.gather [hbm4b:s25+s12], $0xC80, $0x38;
	[tilespmem:$0x1D580] =	vst v63  }
0x2a: {  	s13 =	simm.s32 $0x0;
	s17 =	simm.s32 $0x200  }
.LBB2_2:
0x2b: {  	p0 =	sne.s32 s17, $0x9E00;
	[tilespmem:s13+$0x4070] =	vst v0  }
0x2c: {  	[tilespmem:s13+$0x4000] =	vst v0  }
0x2d: {  	[tilespmem:s13+$0x4010] =	vst v0  }
.Ltmp0:
0x2e: {  	[tilespmem:s13+$0x4020] =	vst v0;
	(pc) =	sbr.rel @p0 .LBB2_2-.Ltmp0, $4  }
0x2f: {  	[tilespmem:s13+$0x4030] =	vst v0  }
0x30: {  	[tilespmem:s13+$0x4040] =	vst v0  }
0x31: {  	[tilespmem:s13+$0x4050] =	vst v0  }
0x32: {  	[tilespmem:s13+$0x4060] =	vst v0;
	s13 =	sshra.s32 s17, $0x2;
	s17 =	sadd.s32 $0x200, s17  }
0x33: {  	[tilespmem:s13+$0x4070] =	vst v0  }
0x34: {  	[tilespmem:s13+$0x4000] =	vst v0  }
0x35: {  	[tilespmem:s13+$0x4010] =	vst v0  }
0x36: {  	[tilespmem:s13+$0x4020] =	vst v0  }
0x37: {  	[tilespmem:s13+$0x4030] =	vst v0  }
0x38: {  	[tilespmem:s13+$0x4040] =	vst v0  }
0x39: {  	[tilespmem:s13+$0x4050] =	vst v0  }
0x3a: {  	[tilespmem:s13+$0x4060] =	vst v0  }
0x3b: {  	[tilespmem:$0x9080] =	vst v0  }
0x3c: {  	[tilespmem:$0x9090] =	vst v0  }
0x3d: {  	[tilespmem:$0x90A0] =	vst v0  }
0x3e: {  	[tilespmem:$0x90B0] =	vst v0  }
0x3f: {  	[tilespmem:$0x90C0] =	vst v0  }
0x40: {  	[tilespmem:$0x90D0] =	vst v0  }
0x41: {  	[tilespmem:$0x90E0] =	vst v0  }
0x42: {  	[tilespmem:$0x90F0] =	vst v0  }
0x43: {  	[tilespmem:$0x9100] =	vst v0  }
0x44: {  	[tilespmem:$0x9110] =	vst v0  }
0x45: {  	[tilespmem:$0x9120] =	vst v0  }
0x46: {  	[tilespmem:$0x9130] =	vst v0  }
0x47: {  	[tilespmem:$0x9140] =	vst v0  }
0x48: {  	[tilespmem:$0x9150] =	vst v0  }
0x49: {  	[tilespmem:$0x9160] =	vst v0  }
0x4a: {  	[tilespmem:$0x9170] =	vst v0  }
0x4b: {  	[tilespmem:$0x9180] =	vst v0  }
0x4c: {  	[tilespmem:$0x9190] =	vst v0  }
0x4d: {  	[tilespmem:$0x91A0] =	vst v0  }
0x4e: {  	[tilespmem:$0x91B0] =	vst v0  }
0x4f: {  	[tilespmem:$0x91C0] =	vst v0  }
0x50: {  	[tilespmem:$0x91D0] =	vst v0  }
0x51: {  	[tilespmem:$0x91E0] =	vst v0  }
0x52: {  	[tilespmem:$0x91F0] =	vst v0  }
0x53: {  	[tilespmem:$0x9200] =	vst v0  }
0x54: {  	[tilespmem:$0x9210] =	vst v0  }
0x55: {  	[tilespmem:$0x9220] =	vst v0  }
0x56: {  	[tilespmem:$0x9230] =	vst v0  }
0x57: {  	[tilespmem:$0x9240] =	vst v0  }
0x58: {  	[tilespmem:$0x9250] =	vst v0  }
0x59: {  	[tilespmem:$0x9260] =	vst v0  }
0x5a: {  	[tilespmem:$0x9270] =	vst v0  }
0x5b: {  	[tilespmem:$0x9280] =	vst v0  }
0x5c: {  	[tilespmem:$0x9290] =	vst v0  }
0x5d: {  	[tilespmem:$0x92A0] =	vst v0  }
0x5e: {  	[tilespmem:$0x92B0] =	vst v0  }
0x5f: {  	[tilespmem:$0x92C0] =	vst v0  }
0x60: {  	[tilespmem:$0x92D0] =	vst v0  }
0x61: {  	[tilespmem:$0x92E0] =	vst v0  }
0x62: {  	[tilespmem:$0x92F0] =	vst v0  }
0x63: {  	[tilespmem:$0x9000] =	vst v1  }
0x64: {  	[tilespmem:$0x9010] =	vst v1  }
0x65: {  	[tilespmem:$0x9020] =	vst v1  }
0x66: {  	[tilespmem:$0x9030] =	vst v1  }
0x67: {  	[tilespmem:$0x9040] =	vst v1  }
0x68: {  	[spmem:s20] =	stream.linear.scatter [tilespmem:s31], [sflag:$0x3], $0x2800, $0x38;
	[tilespmem:$0x1D580] =	vst v63  }
0x69: {  	_ = 	snop  }
0x6a: {  	[spmem:s21] =	stream.linear.scatter [tilespmem:s31], [sflag:$0x3], $0x2800, $0x38;
	[tilespmem:$0x1D580] =	vst v63  }
0x6b: {  	_ = 	snop  }
0x6c: {  	[spmem:s22] =	stream.linear.scatter [tilespmem:s31], [sflag:$0x3], $0x2800, $0x38;
	[tilespmem:$0x1D580] =	vst v63  }
0x6d: {  	_ = 	snop  }
0x6e: {  	[spmem:s28] =	stream.linear.scatter [tilespmem:s31], [sflag:$0x3], $0x2800, $0x38;
	[tilespmem:$0x1D580] =	vst v63  }
0x6f: {  	_ = 	snop  }
0x70: {  	[spmem:s18] =	stream.linear.scatter [tilespmem:s31], [sflag:$0x3], $0x2800, $0x38;
	[tilespmem:$0x1D580] =	vst v63  }
0x71: {  	_ = 	snop  }
0x72: {  	[spmem:s19] =	stream.linear.scatter [tilespmem:s31], [sflag:$0x3], $0x2800, $0x38;
	[tilespmem:$0x1D580] =	vst v63  }
0x73: {  	_ = 	snop  }
0x74: {  	[spmem:s29] =	stream.linear.scatter [tilespmem:s31], [sflag:$0x3], $0x2800, $0x38;
	[tilespmem:$0x1D580] =	vst v63  }
0x75: {  	s25 =	smov.u32 s22;
	s22 =	rddreg [dreg:$0x13]  }
0x76: {  	[spmem:s22] =	stream.linear.scatter [tilespmem:s31], [sflag:$0x3], $0x2800, $0x38;
	[tilespmem:$0x1D580] =	vst v63  }
0x77: {  	s29 =	rddreg [dreg:$0x14]  }
0x78: {  	[spmem:s29] =	stream.linear.scatter [tilespmem:s26], [sflag:$0x4], $0x280, $0x38;
	[tilespmem:$0x1D580] =	vst v63  }
0x79: {  	_ =	swait.ge [sflag:s1], $0x2800  }
0x7a: {  	[sflag:s1] =	ssyncset.done $0x0  }
0x7b: {  	[sflag:s1] =	ssyncadd.s32 $0xFFFFD800  }
0x7c: {  	_ =	swait.ge [sflag:s1], $0x2800  }
0x7d: {  	[sflag:s1] =	ssyncset.done $0x0  }
0x7e: {  	[sflag:s1] =	ssyncadd.s32 $0xFFFFD800  }
0x7f: {  	_ =	swait.ge [sflag:s1], $0x2800  }
0x80: {  	[sflag:s1] =	ssyncset.done $0x0  }
0x81: {  	[sflag:s1] =	ssyncadd.s32 $0xFFFFD800  }
0x82: {  	_ =	swait.ge [sflag:s1], $0x2800  }
0x83: {  	[sflag:s1] =	ssyncset.done $0x0  }
0x84: {  	[sflag:s1] =	ssyncadd.s32 $0xFFFFD800  }
0x85: {  	_ =	swait.ge [sflag:s1], $0x2800  }
0x86: {  	[sflag:s1] =	ssyncset.done $0x0  }
0x87: {  	[sflag:s1] =	ssyncadd.s32 $0xFFFFD800  }
0x88: {  	_ =	swait.ge [sflag:s1], $0x2800  }
0x89: {  	[sflag:s1] =	ssyncset.done $0x0  }
0x8a: {  	[sflag:s1] =	ssyncadd.s32 $0xFFFFD800  }
0x8b: {  	_ =	swait.ge [sflag:s1], $0x2800  }
0x8c: {  	[sflag:s1] =	ssyncset.done $0x0  }
0x8d: {  	[sflag:s1] =	ssyncadd.s32 $0xFFFFD800  }
0x8e: {  	_ =	swait.ge [sflag:s1], $0x2800  }
0x8f: {  	[sflag:s1] =	ssyncset.done $0x0  }
0x90: {  	[sflag:s1] =	ssyncadd.s32 $0xFFFFD800  }
0x91: {  	_ =	swait.ge [sflag:s30], $0x280  }
0x92: {  	[sflag:s30] =	ssyncset.done $0x0  }
0x93: {  	s23 =	smov.u32 s20;
	s24 =	smov.u32 s21;
	[sflag:s30] =	ssyncadd.s32 $0xFFFFFD80  }
0x94: {  	p0 =	por $0x0, $0x0;
	s28 =	simm.s32 $0x0;
	[bflag:$0x0] =	sbarrier.arrive $0xFFFF  }
.LBB2_4:
0x95: {  	_ =	swait.ge [sflag:s4], $0xC80;
	s13 =	smov.u32 s28  }
0x96: {  	s28 =	sadd.s32 $0x1, s28;
	[sflag:s4] =	ssyncset.done $0x0;
	p1 =	seq.s32 s13, $0x4  }
0x97: {  	[sflag:s4] =	ssyncadd.s32 $0xFFFFF380;
	s17 =	sshll.u32 @!p1 s28, $0xC  }
0x98: {  	_ =	swait.ge [sflag:s4], $0xC80;
	s18 =	sadd.s32 @!p1 s14, s17  }
0x99: {  	s19 =	simm.s32 @!p1 $0x0;
	[sflag:s4] =	ssyncset.done $0x0;
	s18 =	sshrl.u32 @!p1 s18, $0x3  }
0x9a: {  	s17 =	sand.u32 @!p1 $0x1000, s17;
	[sflag:s4] =	ssyncadd.s32 $0xFFFFF380;
	s18 =	sadd.s32 @!p1 s16, s18  }
0x9b: {  	[tilespmem:s17], [sflag:$0x6] =	stream.linear.gather @!p1 [hbm4b:s18+s19], $0xC80, $0x38;
	[tilespmem:$0x1D580] =	vst v63  }
0x9c: {  	s13 =	sshll.u32 s13, $0xC;
	s17 =	sor.u32 @!p1 $0x2000, s17;
	s18 =	sadd.s32 @!p1 $0x14000, s18  }
0x9d: {  	[tilespmem:s17], [sflag:$0x6] =	stream.linear.gather @!p1 [hbm4b:s18+s19], $0xC80, $0x38;
	[tilespmem:$0x1D580] =	vst v63  }
0x9e: {  	s29 =	sand.u32 $0x1000, s13  }
0x9f: {  	[tilespmem:s31], [sflag:$0x1] =	stream.indirect.gather [hbm4b:s0+s5], $0x80, s29, s5, $0xb8;
	[tilespmem:$0x1D580] =	vst v63  }
0xa0: {  	s13 =	simm.s32 $0x1;
	s20 =	sor.u32 $0x80, s29  }
0xa1: {  	[tilespmem:s6], [sflag:$0x2] =	stream.indirect.gather [hbm4b:s0+s5], $0x80, s20, s5, $0xb8;
	[tilespmem:$0x1D580] =	vst v63  }
0xa2: {  	s13 =	simm.s32 @!p0 $0x0;
	s21 =	sor.u32 $0x2000, s29  }
0xa3: {  	[spmem:s11] =	stream.indirect.scatter.add.f32 [tilespmem:s7], [sflag:$0x5], $0x1, s21, s5, $0xb8;
	[tilespmem:$0x1D580] =	vst v63  }
0xa4: {  	s17 =	sshll.u32 s13, $0xC;
	_ =	swait.ge [sflag:s3], $0x2800  }
0xa5: {  	s13 =	sor.u32 $0x2000, s17;
	[sflag:s3] =	ssyncset.done $0x0  }
0xa6: {  	s22 =	sadd.s32 $0x0, s13;
	[sflag:s3] =	ssyncadd.s32 $0xFFFFD800  }
0xa7: {  	[spmem:s2] =	stream.indirect.scatter.add.f32 [tilespmem:s31], [sflag:$0x7], $0x80, s22, s5, $0xb8;
	[tilespmem:$0x1D580] =	vst v63  }
0xa8: {  	_ =	swait.ge [sflag:s8], $0x2800  }
0xa9: {  	[sflag:s8] =	ssyncset.done $0x0  }
0xaa: {  	[sflag:s8] =	ssyncadd.s32 $0xFFFFD800  }
0xab: {  	_ =	swait.ge [sflag:s9], $0x50  }
0xac: {  	[sflag:s9] =	ssyncset.done $0x0  }
0xad: {  	s26 =	sadd.s32 $0x0, s17;
	s20 =	sadd.s32 $0x80, s22;
	[sflag:s9] =	ssyncadd.s32 $0xFFFFFFB0  }
0xae: {  	[spmem:s11] =	stream.indirect.scatter.add.f32 [tilespmem:s7], [sflag:$0x5], $0x1, s20, s5, $0xb8;
	[tilespmem:$0x1D580] =	vst v63  }
0xaf: {  	s21 =	sadd.s32 $0x100, s26  }
0xb0: {  	[tilespmem:s31], [sflag:$0x1] =	stream.indirect.gather [hbm4b:s0+s5], $0x80, s21, s5, $0xb8;
	[tilespmem:$0x1D580] =	vst v63  }
0xb1: {  	_ =	swait.ge [sflag:s10], $0x2800  }
0xb2: {  	[sflag:s10] =	ssyncset.done $0x0  }
0xb3: {  	[sflag:s10] =	ssyncadd.s32 $0xFFFFD800  }
0xb4: {  	[spmem:s2] =	stream.indirect.scatter.add.f32 [tilespmem:s6], [sflag:$0x7], $0x80, s20, s5, $0xb8;
	[tilespmem:$0x1D580] =	vst v63  }
0xb5: {  	_ =	swait.ge [sflag:s8], $0x2800  }
0xb6: {  	[sflag:s8] =	ssyncset.done $0x0  }
0xb7: {  	[sflag:s8] =	ssyncadd.s32 $0xFFFFD800  }
0xb8: {  	_ =	swait.ge [sflag:s9], $0x50  }
0xb9: {  	[sflag:s9] =	ssyncset.done $0x0  }
0xba: {  	s18 =	sadd.s32 $0x100, s22;
	[sflag:s9] =	ssyncadd.s32 $0xFFFFFFB0  }
0xbb: {  	[spmem:s11] =	stream.indirect.scatter.add.f32 [tilespmem:s7], [sflag:$0x5], $0x1, s18, s5, $0xb8;
	[tilespmem:$0x1D580] =	vst v63  }
0xbc: {  	s19 =	sadd.s32 $0x180, s26;
	s18 =	simm.s32 $0x400  }
.LBB2_5:
0xbd: {  	[tilespmem:s6], [sflag:$0x2] =	stream.indirect.gather [hbm4b:s0+s5], $0x80, s19, s5, $0xb8;
	[tilespmem:$0x1D580] =	vst v63  }
0xbe: {  	s19 =	smov.u32 s18  }
0xbf: {  	p1 =	sne.s32 s18, $0x2800;
	s18 =	sadd.s32 $0x400, s18;
	_ =	swait.ge [sflag:s3], $0x2800  }
0xc0: {  	s19 =	sshra.s32 s19, $0x2;
	[sflag:s3] =	ssyncset.done $0x0  }
0xc1: {  	s20 =	sadd.s32 s19, s13;
	s19 =	sadd.s32 s19, s17;
	[sflag:s3] =	ssyncadd.s32 $0xFFFFD800  }
0xc2: {  	[spmem:s2] =	stream.indirect.scatter.add.f32 [tilespmem:s31], [sflag:$0x7], $0x80, s20, s5, $0xb8;
	[tilespmem:$0x1D580] =	vst v63  }
0xc3: {  	_ =	swait.ge [sflag:s8], $0x2800  }
0xc4: {  	[sflag:s8] =	ssyncset.done $0x0  }
0xc5: {  	[sflag:s8] =	ssyncadd.s32 $0xFFFFD800  }
0xc6: {  	_ =	swait.ge [sflag:s9], $0x50  }
0xc7: {  	[sflag:s9] =	ssyncset.done $0x0  }
0xc8: {  	s21 =	sadd.s32 $0x80, s20;
	[sflag:s9] =	ssyncadd.s32 $0xFFFFFFB0  }
0xc9: {  	[spmem:s11] =	stream.indirect.scatter.add.f32 [tilespmem:s7], [sflag:$0x5], $0x1, s21, s5, $0xb8;
	[tilespmem:$0x1D580] =	vst v63  }
0xca: {  	s22 =	sadd.s32 $0x100, s19  }
0xcb: {  	[tilespmem:s31], [sflag:$0x1] =	stream.indirect.gather [hbm4b:s0+s5], $0x80, s22, s5, $0xb8;
	[tilespmem:$0x1D580] =	vst v63  }
0xcc: {  	_ =	swait.ge [sflag:s10], $0x2800  }
0xcd: {  	[sflag:s10] =	ssyncset.done $0x0  }
0xce: {  	[sflag:s10] =	ssyncadd.s32 $0xFFFFD800  }
0xcf: {  	[spmem:s2] =	stream.indirect.scatter.add.f32 [tilespmem:s6], [sflag:$0x7], $0x80, s21, s5, $0xb8;
	[tilespmem:$0x1D580] =	vst v63  }
0xd0: {  	_ =	swait.ge [sflag:s8], $0x2800  }
0xd1: {  	[sflag:s8] =	ssyncset.done $0x0  }
0xd2: {  	[sflag:s8] =	ssyncadd.s32 $0xFFFFD800  }
.Ltmp1:
0xd3: {  	_ =	swait.ge [sflag:s9], $0x50;
	(pc) =	sbr.rel @p1 .LBB2_5-.Ltmp1, $4  }
0xd4: {  	[sflag:s9] =	ssyncset.done $0x0  }
0xd5: {  	s20 =	sadd.s32 $0x100, s20;
	[sflag:s9] =	ssyncadd.s32 $0xFFFFFFB0  }
0xd6: {  	[spmem:s11] =	stream.indirect.scatter.add.f32 [tilespmem:s7], [sflag:$0x5], $0x1, s20, s5, $0xb8;
	[tilespmem:$0x1D580] =	vst v63  }
0xd7: {  	s19 =	sadd.s32 $0x180, s19  }
0xd8: {  	[tilespmem:s6], [sflag:$0x2] =	stream.indirect.gather [hbm4b:s0+s5], $0x80, s19, s5, $0xb8;
	[tilespmem:$0x1D580] =	vst v63  }
0xd9: {  	_ =	swait.ge [sflag:s3], $0x2800  }
0xda: {  	[sflag:s3] =	ssyncset.done $0x0  }
0xdb: {  	s13 =	sadd.s32 $0x2B00, s29;
	[sflag:s3] =	ssyncadd.s32 $0xFFFFD800  }
0xdc: {  	[spmem:s2] =	stream.indirect.scatter.add.f32 [tilespmem:s31], [sflag:$0x7], $0x80, s13, s5, $0xb8;
	[tilespmem:$0x1D580] =	vst v63  }
0xdd: {  	_ =	swait.ge [sflag:s8], $0x2800  }
0xde: {  	[sflag:s8] =	ssyncset.done $0x0  }
0xdf: {  	[sflag:s8] =	ssyncadd.s32 $0xFFFFD800  }
0xe0: {  	_ =	swait.ge [sflag:s9], $0x50  }
0xe1: {  	[sflag:s9] =	ssyncset.done $0x0  }
0xe2: {  	s21 =	sadd.s32 $0x2B80, s29;
	[sflag:s9] =	ssyncadd.s32 $0xFFFFFFB0  }
0xe3: {  	[spmem:s11] =	stream.indirect.scatter.add.f32 [tilespmem:s7], [sflag:$0x5], $0x1, s21, s5, $0xb8;
	[tilespmem:$0x1D580] =	vst v63  }
0xe4: {  	s17 =	sor.u32 $0xC00, s29  }
0xe5: {  	[tilespmem:s31], [sflag:$0x1] =	stream.indirect.gather [hbm4b:s0+s5], $0x80, s17, s5, $0xb8;
	[tilespmem:$0x1D580] =	vst v63  }
0xe6: {  	_ =	swait.ge [sflag:s10], $0x2800  }
0xe7: {  	[sflag:s10] =	ssyncset.done $0x0  }
0xe8: {  	[sflag:s10] =	ssyncadd.s32 $0xFFFFD800  }
0xe9: {  	[spmem:s2] =	stream.indirect.scatter.add.f32 [tilespmem:s6], [sflag:$0x7], $0x80, s21, s5, $0xb8;
	[tilespmem:$0x1D580] =	vst v63  }
0xea: {  	_ =	swait.ge [sflag:s8], $0x2800  }
0xeb: {  	[sflag:s8] =	ssyncset.done $0x0  }
0xec: {  	[sflag:s8] =	ssyncadd.s32 $0xFFFFD800  }
0xed: {  	_ =	swait.ge [sflag:s9], $0x50  }
0xee: {  	[sflag:s9] =	ssyncset.done $0x0  }
0xef: {  	s22 =	sor.u32 $0x2C00, s29;
	[sflag:s9] =	ssyncadd.s32 $0xFFFFFFB0  }
0xf0: {  	[spmem:s11] =	stream.indirect.scatter.add.f32 [tilespmem:s7], [sflag:$0x5], $0x1, s22, s5, $0xb8;
	[tilespmem:$0x1D580] =	vst v63  }
0xf1: {  	s26 =	sadd.s32 $0xC00, s29  }
0xf2: {  	[tilespmem:s6], [sflag:$0x2] =	stream.indirect.gather [hbm4b:s0+s5], $0x80, s26, s5, $0xb8;
	[tilespmem:$0x1D580] =	vst v63  }
0xf3: {  	_ =	swait.ge [sflag:s3], $0x2800  }
0xf4: {  	[sflag:s3] =	ssyncset.done $0x0  }
0xf5: {  	s29 =	sadd.s32 $0x2C00, s29;
	[sflag:s3] =	ssyncadd.s32 $0xFFFFD800  }
0xf6: {  	[spmem:s2] =	stream.indirect.scatter.add.f32 [tilespmem:s31], [sflag:$0x7], $0x80, s29, s5, $0xb8;
	[tilespmem:$0x1D580] =	vst v63  }
0xf7: {  	_ =	swait.ge [sflag:s8], $0x2800  }
0xf8: {  	[sflag:s8] =	ssyncset.done $0x0  }
0xf9: {  	[sflag:s8] =	ssyncadd.s32 $0xFFFFD800  }
0xfa: {  	p1 =	sne.s32 s28, $0x5;
	_ =	swait.ge [sflag:s9], $0x50  }
.Ltmp2:
0xfb: {  	[sflag:s9] =	ssyncset.done $0x0;
	(pc) =	sbr.rel @p1 .LBB2_4-.Ltmp2, $4  }
0xfc: {  	[sflag:s9] =	ssyncadd.s32 $0xFFFFFFB0  }
0xfd: {  	_ =	swait.ge [sflag:s10], $0x2800  }
0xfe: {  	[sflag:s10] =	ssyncset.done $0x0  }
0xff: {  	p0 =	por !p0, !p0;
	[sflag:s10] =	ssyncadd.s32 $0xFFFFD800  }
0x100: {  	[bflag:$0x0] =	sbarrier.arrive $0xFFFF  }
0x101: {  	s17 =	simm.s32 $0x9080;
	s13 =	rddreg [dreg:$0x14]  }
0x102: {  	[tilespmem:s17], [sflag:$0x5] =	stream.linear.gather [spmem:s13], $0x280, $0x38;
	[tilespmem:$0x1D580] =	vst v63  }
0x103: {  	_ = 	snop  }
0x104: {  	[tilespmem:s31], [sflag:$0x1] =	stream.linear.gather [spmem:s23], $0x2800, $0x38;
	[tilespmem:$0x1D580] =	vst v63  }
0x105: {  	_ = 	snop  }
0x106: {  	[tilespmem:s6], [sflag:$0x2] =	stream.linear.gather [spmem:s24], $0x2800, $0x38;
	[tilespmem:$0x1D580] =	vst v63  }
0x107: {  	_ =	swait.ge [sflag:s3], $0x2800  }
0x108: {  	[sflag:s3] =	ssyncset.done $0x0  }
0x109: {  	s22 =	rddreg [dreg:$0x6];
	[sflag:s3] =	ssyncadd.s32 $0xFFFFD800  }
0x10a: {  	[hbm4b:s22+s12] =	stream.linear.scatter [tilespmem:s31], [sflag:$0x3], $0x2800, $0x38;
	[tilespmem:$0x1D580] =	vst v63  }
0x10b: {  	_ =	swait.ge [sflag:s1], $0x2800  }
0x10c: {  	[sflag:s1] =	ssyncset.done $0x0  }
0x10d: {  	[sflag:s1] =	ssyncadd.s32 $0xFFFFD800  }
0x10e: {  	[tilespmem:s31], [sflag:$0x1] =	stream.linear.gather [spmem:s25], $0x2800, $0x38;
	[tilespmem:$0x1D580] =	vst v63  }
0x10f: {  	_ =	swait.ge [sflag:s10], $0x2800  }
0x110: {  	[sflag:s10] =	ssyncset.done $0x0  }
0x111: {  	s20 =	smov.u32 s23;
	s23 =	rddreg [dreg:$0x7];
	[sflag:s10] =	ssyncadd.s32 $0xFFFFD800  }
0x112: {  	[hbm4b:s23+s12] =	stream.linear.scatter [tilespmem:s6], [sflag:$0x4], $0x2800, $0x38;
	[tilespmem:$0x1D580] =	vst v63  }
0x113: {  	_ =	swait.ge [sflag:s30], $0x2800  }
0x114: {  	[sflag:s30] =	ssyncset.done $0x0  }
0x115: {  	s28 =	rddreg [dreg:$0x17];
	[sflag:s30] =	ssyncadd.s32 $0xFFFFD800  }
0x116: {  	[tilespmem:s6], [sflag:$0x2] =	stream.linear.gather [spmem:s28], $0x2800, $0x38;
	[tilespmem:$0x1D580] =	vst v63  }
0x117: {  	_ =	swait.ge [sflag:s3], $0x2800  }
0x118: {  	[sflag:s3] =	ssyncset.done $0x0  }
0x119: {  	s21 =	smov.u32 s24;
	s24 =	rddreg [dreg:$0x8];
	[sflag:s3] =	ssyncadd.s32 $0xFFFFD800  }
0x11a: {  	[hbm4b:s24+s12] =	stream.linear.scatter [tilespmem:s31], [sflag:$0x3], $0x2800, $0x38;
	[tilespmem:$0x1D580] =	vst v63  }
0x11b: {  	_ =	swait.ge [sflag:s1], $0x2800  }
0x11c: {  	[sflag:s1] =	ssyncset.done $0x0  }
0x11d: {  	s18 =	rddreg [dreg:$0x10];
	[sflag:s1] =	ssyncadd.s32 $0xFFFFD800  }
0x11e: {  	[tilespmem:s31], [sflag:$0x1] =	stream.linear.gather [spmem:s18], $0x2800, $0x38;
	[tilespmem:$0x1D580] =	vst v63  }
0x11f: {  	_ =	swait.ge [sflag:s10], $0x2800  }
0x120: {  	[sflag:s10] =	ssyncset.done $0x0  }
0x121: {  	s22 =	smov.u32 s25;
	s25 =	rddreg [dreg:$0x9];
	[sflag:s10] =	ssyncadd.s32 $0xFFFFD800  }
0x122: {  	[hbm4b:s25+s12] =	stream.linear.scatter [tilespmem:s6], [sflag:$0x4], $0x2800, $0x38;
	[tilespmem:$0x1D580] =	vst v63  }
0x123: {  	_ =	swait.ge [sflag:s30], $0x2800  }
0x124: {  	[sflag:s30] =	ssyncset.done $0x0  }
0x125: {  	s19 =	rddreg [dreg:$0x11];
	[sflag:s30] =	ssyncadd.s32 $0xFFFFD800  }
0x126: {  	[tilespmem:s6], [sflag:$0x2] =	stream.linear.gather [spmem:s19], $0x2800, $0x38;
	[tilespmem:$0x1D580] =	vst v63  }
0x127: {  	_ =	swait.ge [sflag:s3], $0x2800  }
0x128: {  	[sflag:s3] =	ssyncset.done $0x0  }
0x129: {  	s26 =	rddreg [dreg:$0xa];
	[sflag:s3] =	ssyncadd.s32 $0xFFFFD800  }
0x12a: {  	[hbm4b:s26+s12] =	stream.linear.scatter [tilespmem:s31], [sflag:$0x3], $0x2800, $0x38;
	[tilespmem:$0x1D580] =	vst v63  }
0x12b: {  	_ =	swait.ge [sflag:s1], $0x2800  }
0x12c: {  	[sflag:s1] =	ssyncset.done $0x0  }
0x12d: {  	s29 =	rddreg [dreg:$0x12];
	[sflag:s1] =	ssyncadd.s32 $0xFFFFD800  }
0x12e: {  	[tilespmem:s31], [sflag:$0x1] =	stream.linear.gather [spmem:s29], $0x2800, $0x38;
	[tilespmem:$0x1D580] =	vst v63  }
0x12f: {  	_ =	swait.ge [sflag:s10], $0x2800  }
0x130: {  	[sflag:s10] =	ssyncset.done $0x0  }
0x131: {  	s23 =	rddreg [dreg:$0xb];
	[sflag:s10] =	ssyncadd.s32 $0xFFFFD800  }
0x132: {  	[hbm4b:s23+s12] =	stream.linear.scatter [tilespmem:s6], [sflag:$0x4], $0x2800, $0x38;
	[tilespmem:$0x1D580] =	vst v63  }
0x133: {  	_ =	swait.ge [sflag:s30], $0x2800  }
0x134: {  	[sflag:s30] =	ssyncset.done $0x0  }
0x135: {  	s24 =	rddreg [dreg:$0x13];
	[sflag:s30] =	ssyncadd.s32 $0xFFFFD800  }
0x136: {  	[tilespmem:s6], [sflag:$0x2] =	stream.linear.gather [spmem:s24], $0x2800, $0x38;
	[tilespmem:$0x1D580] =	vst v63  }
0x137: {  	_ =	swait.ge [sflag:s3], $0x2800  }
0x138: {  	[sflag:s3] =	ssyncset.done $0x0  }
0x139: {  	s25 =	rddreg [dreg:$0xc];
	[sflag:s3] =	ssyncadd.s32 $0xFFFFD800  }
0x13a: {  	[hbm4b:s25+s12] =	stream.linear.scatter [tilespmem:s31], [sflag:$0x3], $0x2800, $0x38;
	[tilespmem:$0x1D580] =	vst v63  }
0x13b: {  	_ =	swait.ge [sflag:s10], $0x2800  }
0x13c: {  	[sflag:s10] =	ssyncset.done $0x0  }
0x13d: {  	s26 =	rddreg [dreg:$0xd];
	[sflag:s10] =	ssyncadd.s32 $0xFFFFD800  }
0x13e: {  	[hbm4b:s26+s12] =	stream.linear.scatter [tilespmem:s6], [sflag:$0x4], $0x2800, $0x38;
	[tilespmem:$0x1D580] =	vst v63  }
0x13f: {  	_ =	swait.ge [sflag:s9], $0x280  }
0x140: {  	s24 =	simm.s32 $0x80;
	[sflag:s9] =	ssyncset.done $0x0  }
0x141: {  	s25 =	simm.s32 $0x100;
	s23 =	rddreg [dreg:$0xe];
	[sflag:s9] =	ssyncadd.s32 $0xFFFFFD80  }
0x142: {  	[hbm4b:s23+s24] =	stream.strided.scatter [tilespmem:s17], [sflag:$0x5], $0x280, s25, s24, $0x38;
	[tilespmem:$0x1D580] =	vst v63  }
0x143: {  	_ =	swait.ge [sflag:s1], $0x2800  }
0x144: {  	[sflag:s1] =	ssyncset.done $0x0  }
0x145: {  	[sflag:s1] =	ssyncadd.s32 $0xFFFFD800  }
0x146: {  	_ =	swait.ge [sflag:s30], $0x2800  }
0x147: {  	[sflag:s30] =	ssyncset.done $0x0  }
0x148: {  	[sflag:s30] =	ssyncadd.s32 $0xFFFFD800  }
0x149: {  	_ =	swait.ge [sflag:s9], $0x280  }
0x14a: {  	s15 =	sadd.s32 $0x1, s15;
	s25 =	rddreg [dreg:$0x15]  }
0x14b: {  	p0 =	sne.s32 s15, s25  }
.Ltmp3:
0x14c: {  	_ = 	snop;
	(pc) =	sbr.rel @p0 .LBB2_1-.Ltmp3, $3  }
0x14d: {  	_ =	sdelay $0x1  }
0x14e: {  	[sflag:s9] =	ssyncset.done $0x0  }
0x14f: {  	s26 =	simm.s32 $0x9080;
	[sflag:s9] =	ssyncadd.s32 $0xFFFFFD80  }
0x150: {  	_ =	sfence.sel $0x180000  }
0x151: {  	[bflag:$0x0] =	sbarrier.arrive $0xFFFF  }
0x152: {  	_ =	strace $0x90000047  }
0x153: {  	s0 =	stileid.u32;
	[bflag:$0x2] =	sbarrier.arrive $0xFFFF  }
0x154: {  	p0 =	sne.s32 s0, $0x0;
	s0 =	rddreg [dreg:$0x5]  }
0x155: {  	s0 =	sadd.s32 @!p0 $0x100000, s0  }
0x156: {  	[sflag:s0] =	ssyncadd.tile.s32 @!p0 $0x1;
	_ =	shalt  }
.Lfunc_end2:
_tile_overlayer_lowered:
.L_overlay_start_2:
0x157: {  	(tag) =	ssettag $0x2  }
0x158: {  	s0 =	rddreg [dreg:$0x0];
	s2 =	stileid.u32  }
0x159: {  	s1 =	rddreg [dreg:$0x1];
	p0 =	sne.s32 s2, $0x0  }
0x15a: {  	s3 =	rddreg [dreg:$0x2];
	[bflag:$0x3] =	sbarrier.arrive $0xFFFF;
	s2 =	simm.s32 @!p0 $0x1C07  }
0x15b: {  	[timem:s3], [sflag:s2] =	dma.local @!p0 [hbm:s0], s1  }
0x15c: {  	s0 =	simm.s32 @!p0 $0x7  }
0x15d: {  	_ =	swait.ge @!p0 [sflag:s0], s1  }
0x15e: {  	s1 =	ssub.s32 @!p0 $0x0, s1;
	[sflag:s0] =	ssyncset.done @!p0 $0x0  }
0x15f: {  	[sflag:s0] =	ssyncadd.s32 @!p0 s1  }
0x160: {  	[bflag:$0x3] =	sbarrier.arrive $0xFFFF  }
0x161: {  	_ =	shalt  }

// kernel: kernel.9.cloned.1.call-start
scs
__scs_entry_jumppad:
0x0: {  	(pc) =	sbr.rel $0x88, $3  }
0x1: {  	(tag) =	ssettag $0x0;
	lr =	simm.s32 $0x1  }
0x2: {  	[smem:$0x3F98] =	sst lr;
	_ =	strace $0xD0000000  }
0x3: {  	_ = 	snop  }
0x4: {  	_ = 	snop  }
0x5: {  	_ = 	snop  }
0x6: {  	_ = 	snop  }
0x7: {  	_ = 	snop  }
__scs_overlays_trampoline_lowered:
0x8: {  	[smem:$0x3FA7] =	sst s0  }
0x9: {  	[smem:$0x3FA8] =	sst s1  }
0xa: {  	[smem:$0x3FA9] =	sst s2  }
0xb: {  	[smem:$0x3FAA] =	sst s3  }
0xc: {  	[smem:$0x3FAB] =	sst s4  }
0xd: {  	[smem:$0x3FAC] =	sst s5  }
0xe: {  	[smem:$0x3FAD] =	sst s6  }
0xf: {  	[smem:$0x3FAE] =	sst s7  }
0x10: {  	[smem:$0x3FAF] =	sst s8  }
0x11: {  	[smem:$0x3FB0] =	sst s9;
	s0 =	simm.s32 @!p0 $0x0  }
0x12: {  	s1 =	sld [smem:$0x3F96];
	s0 =	simm.s32 @p0 $0x1  }
0x13: {  	[smem:$0x3FB1] =	sst s0;
	s0 =	simm.s32 @!p1 $0x0  }
0x14: {  	s2 =	sld [smem:$0x3F95];
	s0 =	simm.s32 @p1 $0x1  }
0x15: {  	[smem:$0x3FB2] =	sst s0;
	s0 =	simm.s32 @!p2 $0x0  }
0x16: {  	s3 =	sld [smem:$0x3FDB];
	s0 =	simm.s32 @p2 $0x1  }
0x17: {  	s4 =	simm.s32 $0x1BF5;
	[smem:$0x3FB4] =	sst s0  }
0x18: {  	s0 =	sld [smem:$0x3F97];
	_ =	swait.ge [sflag:s4], $0x0  }
0x19: {  	s7 =	sld [smem:$0x3F98]  }
0x1a: {  	s8 =	sadd.s32 $0xFFFFE003, lr  }
0x1b: {  	s9 =	sadd.s32 $0xFFFFFEF7, lr;
	s5 =	simm.s32 $0xFFFFFFFF;
	p2 =	slt.u32 s8, $0xFFFFF086  }
0x1c: {  	p1 =	slt.u32 s9, $0xF7A;
	s5 =	simm.s32 @!p2 $0x0  }
0x1d: {  	s5 =	simm.s32 @p1 $0x1;
	p0 =	seq.s32 s7, s2  }
0x1e: {  	s7 =	smul.u32 @!p0 $0xF7A, s2;
	p2 =	seq.s32 @!p0 s5, $0x0  }
0x1f: {  	s9 =	smul.u32 $0xF7A, s1;
	s8 =	simm.s32 @!p0 $0x1BF5;
	p2 =	por !p2, p0  }
0x20: {  	[sflag:s8] =	ssyncset.s32 @!p0 $0xFFFFF086;
	s6 =	sadd.s32 @!p0 s3, s7;
	s7 =	simm.s32 @!p0 $0x108  }
0x21: {  	s3 =	sadd.s32 s3, s9;
	s6 =	sadd.s32 @!p0 $0x88, s6;
	s7 =	simm.s32 @p2 $0x1082  }
0x22: {  	[simem:s7], [sflag:s8] =	dma.local @!p0 [hbm:s6], $0xF7A  }
0x23: {  	s9 =	sor.u32 $0xD0000000, s2;
	s6 =	simm.s32 $0x108;
	_ =	swait.ge @!p0 [sflag:s8], $0x0  }
0x24: {  	s3 =	sadd.s32 $0x88, s3;
	s6 =	simm.s32 @!p1 $0x1082;
	[sflag:s4] =	ssyncset.s32 $0xFFFFF086  }
0x25: {  	[simem:s6], [sflag:s4] =	dma.local [hbm:s3], $0xF7A  }
0x26: {  	[smem:$0x3F98] =	sst s1;
	(tag) =	ssettag s2;
	_ =	strace s9  }
0x27: {  	s1 =	sld [smem:$0x3FA8]  }
0x28: {  	s2 =	sld [smem:$0x3FA9]  }
0x29: {  	s4 =	sld [smem:$0x3FAB]  }
0x2a: {  	p0 =	seq.s32 s5, $0x0;
	s5 =	sld [smem:$0x3FAC]  }
0x2b: {  	s6 =	sld [smem:$0x3FAD]  }
0x2c: {  	s7 =	sld [smem:$0x3FAE]  }
0x2d: {  	s3 =	simm.s32 $0x108;
	s8 =	sld [smem:$0x3FAF]  }
0x2e: {  	s3 =	simm.s32 @!p0 $0x1082;
	s9 =	sld [smem:$0x3FB0]  }
0x2f: {  	lr =	sadd.s32 s0, s3;
	s0 =	sld [smem:$0x3FA7]  }
0x30: {  	s3 =	sld [smem:$0x3FAA]  }
0x31: {  	[smem:$0x3FB3] =	sst s10  }
0x32: {  	s10 =	sld [smem:$0x3FB1];
	_ =	sdelay $0x3  }
0x33: {  	p0 =	seq.s32 s10, $0x1;
	s10 =	sld [smem:$0x3FB3];
	_ =	sdelay $0x3  }
0x34: {  	[smem:$0x3FB3] =	sst s10  }
0x35: {  	s10 =	sld [smem:$0x3FB2];
	_ =	sdelay $0x3  }
0x36: {  	p1 =	seq.s32 s10, $0x1;
	s10 =	sld [smem:$0x3FB3];
	_ =	sdelay $0x3  }
0x37: {  	[smem:$0x3FB3] =	sst s10  }
0x38: {  	s10 =	sld [smem:$0x3FB4]  }
0x39: {  	_ = 	snop;
	(pc) =	sbr.ind lr, $3  }
0x3a: {  	_ = 	snop  }
0x3b: {  	_ = 	snop  }
0x3c: {  	p2 =	seq.s32 s10, $0x1;
	s10 =	sld [smem:$0x3FB3]  }
0x3d: {  	_ =	shalt  }
0x3e: {  	_ =	shalt  }
0x3f: {  	_ =	shalt  }
0x40: {  	_ =	shalt  }
0x41: {  	_ =	shalt  }
0x42: {  	_ =	shalt  }
0x43: {  	_ =	shalt  }
0x44: {  	_ =	shalt  }
0x45: {  	_ =	shalt  }
0x46: {  	_ =	shalt  }
0x47: {  	_ =	shalt  }
0x48: {  	_ =	shalt  }
0x49: {  	_ =	shalt  }
0x4a: {  	_ =	shalt  }
0x4b: {  	_ =	shalt  }
0x4c: {  	_ =	shalt  }
0x4d: {  	_ =	shalt  }
0x4e: {  	_ =	shalt  }
0x4f: {  	_ =	shalt  }
0x50: {  	_ =	shalt  }
0x51: {  	_ =	shalt  }
0x52: {  	_ =	shalt  }
0x53: {  	_ =	shalt  }
0x54: {  	_ =	shalt  }
0x55: {  	_ =	shalt  }
0x56: {  	_ =	shalt  }
0x57: {  	_ =	shalt  }
0x58: {  	_ =	shalt  }
0x59: {  	_ =	shalt  }
0x5a: {  	_ =	shalt  }
0x5b: {  	_ =	shalt  }
0x5c: {  	_ =	shalt  }
0x5d: {  	_ =	shalt  }
0x5e: {  	_ =	shalt  }
0x5f: {  	_ =	shalt  }
0x60: {  	_ =	shalt  }
0x61: {  	_ =	shalt  }
0x62: {  	_ =	shalt  }
0x63: {  	_ =	shalt  }
0x64: {  	_ =	shalt  }
0x65: {  	_ =	shalt  }
0x66: {  	_ =	shalt  }
0x67: {  	_ =	shalt  }
0x68: {  	_ =	shalt  }
0x69: {  	_ =	shalt  }
0x6a: {  	_ =	shalt  }
0x6b: {  	_ =	shalt  }
0x6c: {  	_ =	shalt  }
0x6d: {  	_ =	shalt  }
0x6e: {  	_ =	shalt  }
0x6f: {  	_ =	shalt  }
0x70: {  	_ =	shalt  }
0x71: {  	_ =	shalt  }
0x72: {  	_ =	shalt  }
0x73: {  	_ =	shalt  }
0x74: {  	_ =	shalt  }
0x75: {  	_ =	shalt  }
0x76: {  	_ =	shalt  }
0x77: {  	_ =	shalt  }
0x78: {  	_ =	shalt  }
0x79: {  	_ =	shalt  }
0x7a: {  	_ =	shalt  }
0x7b: {  	_ =	shalt  }
0x7c: {  	_ =	shalt  }
0x7d: {  	_ =	shalt  }
0x7e: {  	_ =	shalt  }
0x7f: {  	_ =	shalt  }
0x80: {  	_ =	shalt  }
0x81: {  	_ =	shalt  }
0x82: {  	_ =	shalt  }
0x83: {  	_ =	shalt  }
0x84: {  	_ =	shalt  }
0x85: {  	_ =	shalt  }
0x86: {  	_ =	shalt  }
0x87: {  	_ =	shalt  }
.Lfunc_end0:
.L_simem_size_0:
called_computation.1_lowered:
.L_overlay_start_0:
0x88: {  	s2 =	sld [smem:$0x3FD9]  }
0x89: {  	s3 =	sld [smem:$0x3FFE];
	_ =	sdelay $0x1  }
0x8a: {  	s1 =	srdreg.scid  }
0x8b: {  	s0 =	sand.u32 $0x1, s1  }
0x8c: {  	s17 =	sshll.u32 s0, $0xA;
	s2 =	sadd.s32 s3, s2  }
0x8d: {  	s2 =	sadd.s32 s2, s17  }
0x8e: {  	[smem:$0x3FBF] =	sst s2  }
0x8f: {  	_ = 	snop  }
0x90: {  	s2 =	sld [smem:$0x3FD0];
	(tm) =	ssettm $0x1  }
0x91: {  	s18 =	sld [smem:$0x3FFB];
	_ =	sdelay $0x3  }
0x92: {  	_ =	strace s18  }
0x93: {  	s3 =	sld [smem:$0x3FFC];
	_ =	sdelay $0x3  }
0x94: {  	_ =	strace s3  }
0x95: {  	s3 =	sld [smem:$0x3FFD];
	_ =	sdelay $0x3  }
0x96: {  	_ =	strace s3  }
0x97: {  	_ =	strace $0x8FFFFFFF  }
0x98: {  	s19 =	sld [smem:$0x3FDB];
	_ =	sdelay $0x1  }
0x99: {  	s4 =	simm.s32 $_scs_section_size  }
0x9a: {  	s5 =	simm.s32 $_size__tile_overlayer_lowered;
	s6 =	simm.s32 $_tile_overlayer_lowered  }
0x9b: {  	s22 =	simm.s32 $0x1BFF;
	s21 =	sshll.u32 s6, $0x1;
	s3 =	sadd.s32 s4, s19  }
0x9c: {  	s7 =	simm.s32 $0x0;
	s20 =	sshll.u32 s5, $0x1;
	s5 =	sadd.s32 s21, s3  }
0x9d: {  	[timem:s7], [sflag:s22] =	dma.local [hbm:s5], s20  }
0x9e: {  	_ =	swait.ge [sflag:s22], s20  }
0x9f: {  	s4 =	ssub.s32 $0x0, s20;
	[sflag:s22] =	ssyncset.done $0x0  }
0xa0: {  	[sflag:s22] =	ssyncadd.s32 s4;
	_ =	sdelay $0x1  }
0xa1: {  	s23 =	simm.s32 $0x1B8B  }
0xa2: {  	_ =	swait.ge [sflag:s23], $0x1  }
0xa3: {  	[sflag:s23] =	ssyncset.done $0x0  }
0xa4: {  	s25 =	simm.s32 $0x1B8E;
	s24 =	sld [smem:$0x3FFE];
	[sflag:s23] =	ssyncadd.s32 $0xFFFFFFFF  }
0xa5: {  	s26 =	simm.s32 $execute0_lowered;
	[smem:$0x3FD2] =	sst s25  }
0xa6: {  	s5 =	sshll.u32 s26, $0x1;
	_ =	strace $0x80000049;
	[dreg:$0x1] =	wrdreg $0xFFFFFFFF  }
0xa7: {  	s28 =	simm.s32 $_size_execute0_lowered;
	s3 =	sadd.s32 s3, s5;
	[dreg:$0x0] =	wrdreg $0x0  }
0xa8: {  	s5 =	sshll.u32 s28, $0x1;
	[dreg:$0x2] =	wrdreg s3  }
0xa9: {  	[dreg:$0x3] =	wrdreg s5  }
0xaa: {  	[dreg:$0x4] =	wrdreg $0xC0  }
0xab: {  	_ =	task [dreg:s7], $0x5FFFF  }
0xac: {  	[dreg:$0x1] =	wrdreg $0xFFFFFFFF  }
0xad: {  	[dreg:$0x0] =	wrdreg $0x60  }
0xae: {  	[dreg:$0x2] =	wrdreg s2  }
0xaf: {  	[dreg:$0x3] =	wrdreg s24  }
0xb0: {  	[dreg:$0x4] =	wrdreg $0x93000  }
0xb1: {  	[dreg:$0x5] =	wrdreg $0x1D3000  }
0xb2: {  	[dreg:$0x6] =	wrdreg $0x9  }
0xb3: {  	_ =	task.clear_ibuf [dreg:s7], $0x7FFFF;
	_ =	strace $0x90000049  }
0xb4: {  	s29 =	simm.s32 $0x9;
	_ =	strace $0x8000004B  }
0xb5: {  	_ =	swait.ge [sflag:s29], $0x1  }
0xb6: {  	[sflag:s29] =	ssyncadd.s32 $0xFFFFFFFF  }
0xb7: {  	_ =	strace $0x9000004B  }
0xb8: {  	_ =	sfence  }
0xb9: {  	s30 =	sld [smem:$0x0];
	_ =	sdelay $0x2  }
0xba: {  	s31 =	sshll.u32 s1, $0xD;
	s1 =	sshrl.u32 s1, $0x2  }
0xbb: {  	s3 =	sand.u32 $0x4000, s31;
	s1 =	sadd.s32 s1, s30  }
0xbc: {  	s0 =	sor.u32 s3, s0;
	s1 =	sshll.u32 s1, $0x11  }
0xbd: {  	s0 =	sor.u32 s1, s0  }
0xbe: {  	s0 =	sadd.s32 $0x8F2B, s0  }
0xbf: {  	[sflag:s0] =	ssyncadd.remote.s32 $0x1  }
0xc0: {  	_ =	sfence.sel $0xFFFF  }
0xc1: {  	[dreg:$0x0] =	wrdreg $0xFFFFFFFF;
	(pc) =	sbr.abs _section_cstart, $3  }
0xc2: {  	[dreg:$0x1] =	wrdreg $0xFFFFFFFF  }
0xc3: {  	_ =	task.clear_ibuf [dreg:s7], $0x2FFFF;
	_ =	strace $0x9FFFFFFF  }
0xc4: {  	(tm) =	ssettm $0x7FFFFFFF  }
0xc5: {  	_ =	shalt  }
tec
execute0_lowered:
.L_overlay_start_1:
0x0: {  	(tag) =	ssettag $0x1  }
0x1: {  	s1 =	rddreg [dreg:$0x0]  }
0x2: {  	s0 =	rddreg [dreg:$0x1];
	s3 =	srdreg.scid  }
0x3: {  	s20 =	stileid.u32;
	s2 =	rddreg [dreg:$0x2];
	s4 =	simm.s32 $0x0  }
0x4: {  	s31 =	simm.s32 $0x4000;
	s30 =	simm.s32 $0x4;
	s5 =	smul.u32 $0x500, s20  }
0x5: {  	s6 =	sand.u32 $0x1, s3;
	s3 =	rddreg [dreg:$0x3];
	s10 =	smul.u32 $0x280, s20  }
0x6: {  	s8 =	sadd.s32 $0x3200, s0;
	s21 =	sshll.u32 s20, $0x1;
	s14 =	smul.u32 $0x14000, s20  }
0x7: {  	[smem:$0x7FF] =	sst s4;
	s7 =	sshll.u32 s6, $0x7;
	s9 =	ssub.s32 $0x2, s6  }
0x8: {  	s5 =	sor.u32 s7, s5;
	s7 =	sor.u32 s6, s21;
	s12 =	sshrl.u32 s9, $0x1  }
0x9: {  	s22 =	sshll.u32 s10, $0x7;
	s6 =	smul.u32 $0x140000, s6;
	s11 =	sshrl.u32 s5, $0x3  }
0xa: {  	s5 =	smul.u32 $0x5000, s7;
	s7 =	ssub.s32 s9, s12;
	s12 =	sor.u32 $0x2800, s22  }
0xb: {  	s13 =	sadd.s32 $0x5000, s22;
	s16 =	sadd.s32 $0x7800, s22;
	s17 =	sadd.s32 $0xA000, s22  }
0xc: {  	s18 =	sadd.s32 $0xC800, s22;
	s23 =	sadd.s32 $0xF000, s22;
	s9 =	sadd.s32 $0x11800, s22  }
0xd: {  	s14 =	sadd.s32 s14, s6;
	s15 =	sadd.s32 s6, s12;
	s25 =	sadd.s32 s6, s13  }
0xe: {  	s26 =	sadd.s32 s6, s16;
	s19 =	sadd.s32 s6, s17;
	s28 =	sadd.s32 s16, s2  }
0xf: {  	s17 =	sadd.s32 s17, s2;
	s29 =	sadd.s32 s23, s2;
	s14 =	sshrl.u32 s14, $0x3  }
0x10: {  	s15 =	sshrl.u32 s15, $0x3;
	s21 =	sshrl.u32 s19, $0x3;
	s14 =	sadd.s32 s8, s14  }
0x11: {  	s24 =	sadd.s32 s8, s15;
	s15 =	sshrl.u32 s26, $0x3;
	[dreg:$0x5] =	wrdreg s14  }
0x12: {  	s22 =	sadd.s32 s8, s21;
	s21 =	sshrl.u32 s5, $0x3;
	[dreg:$0x6] =	wrdreg s24  }
0x13: {  	s14 =	sshrl.u32 s25, $0x3;
	[dreg:$0x9] =	wrdreg s22;
	s24 =	sadd.s32 s6, s18  }
0x14: {  	s25 =	sadd.s32 s6, s23;
	s6 =	sadd.s32 s6, s9;
	s18 =	sadd.s32 s18, s2  }
0x15: {  	s22 =	sadd.s32 s9, s2;
	s23 =	sadd.s32 s10, s3;
	s14 =	sadd.s32 s8, s14  }
0x16: {  	s6 =	sshrl.u32 s6, $0x3;
	[dreg:$0x7] =	wrdreg s14;
	s14 =	sadd.s32 s8, s15  }
0x17: {  	s6 =	sadd.s32 s8, s6;
	[dreg:$0x8] =	wrdreg s14;
	s14 =	sshrl.u32 s24, $0x3  }
0x18: {  	s26 =	sshrl.u32 s25, $0x3;
	[dreg:$0xc] =	wrdreg s6;
	s14 =	sadd.s32 s8, s14  }
0x19: {  	s9 =	simm.s32 $0x6800;
	[dreg:$0xa] =	wrdreg s14;
	s14 =	sadd.s32 s8, s26  }
0x1a: {  	s10 =	simm.s32 $0x9000;
	s25 =	smax.u32 s7, $0x1;
	[dreg:$0xb] =	wrdreg s14  }
0x1b: {  	s15 =	sadd.s32 $0x7B200, s0;
	_ =	strace $0x8000004A;
	[dreg:$0x11] =	wrdreg s22  }
0x1c: {  	s7 =	simm.s32 $0x6;
	s6 =	sadd.s32 s15, s21;
	[dreg:$0x12] =	wrdreg s23  }
0x1d: {  	s21 =	sadd.s32 s13, s2;
	s8 =	smul.u32 $0x50000, s20;
	[dreg:$0x14] =	wrdreg s25  }
0x1e: {  	s26 =	sadd.s32 $0x14000, s6;
	s14 =	sadd.s32 s11, s0;
	[dreg:$0xd] =	wrdreg s6  }
0x1f: {  	s0 =	simm.s32 $0x3;
	s11 =	simm.s32 $0x7;
	[dreg:$0x15] =	wrdreg s26  }
0x20: {  	s20 =	sshrl.u32 s8, $0x2;
	s24 =	sadd.s32 $0x53200, s14;
	[dreg:$0xe] =	wrdreg s17  }
0x21: {  	s25 =	simm.s32 $0x9080;
	s6 =	simm.s32 $0x1;
	[dreg:$0xf] =	wrdreg s18  }
0x22: {  	s8 =	simm.s32 $0x50;
	s14 =	simm.s32 $0x2;
	[dreg:$0x10] =	wrdreg s29  }
0x23: {  	s26 =	simm.s32 $0x0;
	[dreg:$0x16] =	wrdreg s28;
	s19 =	sadd.s32 s20, s2  }
0x24: {  	v0 =	vimm.f32 $0.0e+00;
	v1 =	vimm.f32 $1.000000000e+00;
	s20 =	sadd.s32 s12, s2;
	[dreg:$0x13] =	wrdreg s24;
	s12 =	simm.s32 $0x5  }
.LBB2_1:
0x25: {  	s13 =	rddreg [dreg:$0xd]  }
0x26: {  	[tilespmem:s4], [sflag:$0x6] =	stream.linear.gather [hbm4b:s13+s4], $0xC80, $0x38;
	[tilespmem:$0x1D580] =	vst v63  }
0x27: {  	s24 =	rddreg [dreg:$0x15];
	s16 =	simm.s32 $0x2000  }
0x28: {  	[tilespmem:s16], [sflag:$0x6] =	stream.linear.gather [hbm4b:s24+s4], $0xC80, $0x38;
	[tilespmem:$0x1D580] =	vst v63  }
0x29: {  	s13 =	simm.s32 $0x0;
	s16 =	simm.s32 $0x200  }
.LBB2_2:
0x2a: {  	p0 =	sne.s32 s16, $0x9E00;
	[tilespmem:s13+$0x4070] =	vst v0  }
0x2b: {  	[tilespmem:s13+$0x4000] =	vst v0  }
0x2c: {  	[tilespmem:s13+$0x4010] =	vst v0  }
.Ltmp0:
0x2d: {  	[tilespmem:s13+$0x4020] =	vst v0;
	(pc) =	sbr.rel @p0 .LBB2_2-.Ltmp0, $4  }
0x2e: {  	[tilespmem:s13+$0x4030] =	vst v0  }
0x2f: {  	[tilespmem:s13+$0x4040] =	vst v0  }
0x30: {  	[tilespmem:s13+$0x4050] =	vst v0  }
0x31: {  	[tilespmem:s13+$0x4060] =	vst v0;
	s13 =	sshra.s32 s16, $0x2;
	s16 =	sadd.s32 $0x200, s16  }
0x32: {  	[tilespmem:s13+$0x4070] =	vst v0  }
0x33: {  	[tilespmem:s13+$0x4000] =	vst v0  }
0x34: {  	[tilespmem:s13+$0x4010] =	vst v0  }
0x35: {  	[tilespmem:s13+$0x4020] =	vst v0  }
0x36: {  	[tilespmem:s13+$0x4030] =	vst v0  }
0x37: {  	[tilespmem:s13+$0x4040] =	vst v0  }
0x38: {  	[tilespmem:s13+$0x4050] =	vst v0  }
0x39: {  	[tilespmem:s13+$0x4060] =	vst v0  }
0x3a: {  	[tilespmem:$0x9080] =	vst v0  }
0x3b: {  	[tilespmem:$0x9090] =	vst v0  }
0x3c: {  	[tilespmem:$0x90A0] =	vst v0  }
0x3d: {  	[tilespmem:$0x90B0] =	vst v0  }
0x3e: {  	[tilespmem:$0x90C0] =	vst v0  }
0x3f: {  	[tilespmem:$0x90D0] =	vst v0  }
0x40: {  	[tilespmem:$0x90E0] =	vst v0  }
0x41: {  	[tilespmem:$0x90F0] =	vst v0  }
0x42: {  	[tilespmem:$0x9100] =	vst v0  }
0x43: {  	[tilespmem:$0x9110] =	vst v0  }
0x44: {  	[tilespmem:$0x9120] =	vst v0  }
0x45: {  	[tilespmem:$0x9130] =	vst v0  }
0x46: {  	[tilespmem:$0x9140] =	vst v0  }
0x47: {  	[tilespmem:$0x9150] =	vst v0  }
0x48: {  	[tilespmem:$0x9160] =	vst v0  }
0x49: {  	[tilespmem:$0x9170] =	vst v0  }
0x4a: {  	[tilespmem:$0x9180] =	vst v0  }
0x4b: {  	[tilespmem:$0x9190] =	vst v0  }
0x4c: {  	[tilespmem:$0x91A0] =	vst v0  }
0x4d: {  	[tilespmem:$0x91B0] =	vst v0  }
0x4e: {  	[tilespmem:$0x91C0] =	vst v0  }
0x4f: {  	[tilespmem:$0x91D0] =	vst v0  }
0x50: {  	[tilespmem:$0x91E0] =	vst v0  }
0x51: {  	[tilespmem:$0x91F0] =	vst v0  }
0x52: {  	[tilespmem:$0x9200] =	vst v0  }
0x53: {  	[tilespmem:$0x9210] =	vst v0  }
0x54: {  	[tilespmem:$0x9220] =	vst v0  }
0x55: {  	[tilespmem:$0x9230] =	vst v0  }
0x56: {  	[tilespmem:$0x9240] =	vst v0  }
0x57: {  	[tilespmem:$0x9250] =	vst v0  }
0x58: {  	[tilespmem:$0x9260] =	vst v0  }
0x59: {  	[tilespmem:$0x9270] =	vst v0  }
0x5a: {  	[tilespmem:$0x9280] =	vst v0  }
0x5b: {  	[tilespmem:$0x9290] =	vst v0  }
0x5c: {  	[tilespmem:$0x92A0] =	vst v0  }
0x5d: {  	[tilespmem:$0x92B0] =	vst v0  }
0x5e: {  	[tilespmem:$0x92C0] =	vst v0  }
0x5f: {  	[tilespmem:$0x92D0] =	vst v0  }
0x60: {  	[tilespmem:$0x92E0] =	vst v0  }
0x61: {  	[tilespmem:$0x92F0] =	vst v0  }
0x62: {  	[tilespmem:$0x9000] =	vst v1  }
0x63: {  	[tilespmem:$0x9010] =	vst v1  }
0x64: {  	[tilespmem:$0x9020] =	vst v1  }
0x65: {  	[tilespmem:$0x9030] =	vst v1  }
0x66: {  	[tilespmem:$0x9040] =	vst v1  }
0x67: {  	[spmem:s19] =	stream.linear.scatter [tilespmem:s31], [sflag:$0x3], $0x2800, $0x38;
	[tilespmem:$0x1D580] =	vst v63  }
0x68: {  	_ = 	snop  }
0x69: {  	[spmem:s20] =	stream.linear.scatter [tilespmem:s31], [sflag:$0x3], $0x2800, $0x38;
	[tilespmem:$0x1D580] =	vst v63  }
0x6a: {  	_ = 	snop  }
0x6b: {  	[spmem:s21] =	stream.linear.scatter [tilespmem:s31], [sflag:$0x3], $0x2800, $0x38;
	[tilespmem:$0x1D580] =	vst v63  }
0x6c: {  	_ = 	snop  }
0x6d: {  	[spmem:s28] =	stream.linear.scatter [tilespmem:s31], [sflag:$0x3], $0x2800, $0x38;
	[tilespmem:$0x1D580] =	vst v63  }
0x6e: {  	_ = 	snop  }
0x6f: {  	[spmem:s17] =	stream.linear.scatter [tilespmem:s31], [sflag:$0x3], $0x2800, $0x38;
	[tilespmem:$0x1D580] =	vst v63  }
0x70: {  	_ = 	snop  }
0x71: {  	[spmem:s18] =	stream.linear.scatter [tilespmem:s31], [sflag:$0x3], $0x2800, $0x38;
	[tilespmem:$0x1D580] =	vst v63  }
0x72: {  	_ = 	snop  }
0x73: {  	[spmem:s29] =	stream.linear.scatter [tilespmem:s31], [sflag:$0x3], $0x2800, $0x38;
	[tilespmem:$0x1D580] =	vst v63  }
0x74: {  	s24 =	smov.u32 s21;
	s21 =	rddreg [dreg:$0x11]  }
0x75: {  	[spmem:s21] =	stream.linear.scatter [tilespmem:s31], [sflag:$0x3], $0x2800, $0x38;
	[tilespmem:$0x1D580] =	vst v63  }
0x76: {  	s29 =	rddreg [dreg:$0x12]  }
0x77: {  	[spmem:s29] =	stream.linear.scatter [tilespmem:s25], [sflag:$0x4], $0x280, $0x38;
	[tilespmem:$0x1D580] =	vst v63  }
0x78: {  	_ =	swait.ge [sflag:s0], $0x2800  }
0x79: {  	[sflag:s0] =	ssyncset.done $0x0  }
0x7a: {  	[sflag:s0] =	ssyncadd.s32 $0xFFFFD800  }
0x7b: {  	_ =	swait.ge [sflag:s0], $0x2800  }
0x7c: {  	[sflag:s0] =	ssyncset.done $0x0  }
0x7d: {  	[sflag:s0] =	ssyncadd.s32 $0xFFFFD800  }
0x7e: {  	_ =	swait.ge [sflag:s0], $0x2800  }
0x7f: {  	[sflag:s0] =	ssyncset.done $0x0  }
0x80: {  	[sflag:s0] =	ssyncadd.s32 $0xFFFFD800  }
0x81: {  	_ =	swait.ge [sflag:s0], $0x2800  }
0x82: {  	[sflag:s0] =	ssyncset.done $0x0  }
0x83: {  	[sflag:s0] =	ssyncadd.s32 $0xFFFFD800  }
0x84: {  	_ =	swait.ge [sflag:s0], $0x2800  }
0x85: {  	[sflag:s0] =	ssyncset.done $0x0  }
0x86: {  	[sflag:s0] =	ssyncadd.s32 $0xFFFFD800  }
0x87: {  	_ =	swait.ge [sflag:s0], $0x2800  }
0x88: {  	[sflag:s0] =	ssyncset.done $0x0  }
0x89: {  	[sflag:s0] =	ssyncadd.s32 $0xFFFFD800  }
0x8a: {  	_ =	swait.ge [sflag:s0], $0x2800  }
0x8b: {  	[sflag:s0] =	ssyncset.done $0x0  }
0x8c: {  	[sflag:s0] =	ssyncadd.s32 $0xFFFFD800  }
0x8d: {  	_ =	swait.ge [sflag:s0], $0x2800  }
0x8e: {  	[sflag:s0] =	ssyncset.done $0x0  }
0x8f: {  	[sflag:s0] =	ssyncadd.s32 $0xFFFFD800  }
0x90: {  	_ =	swait.ge [sflag:s30], $0x280  }
0x91: {  	[sflag:s30] =	ssyncset.done $0x0  }
0x92: {  	s22 =	smov.u32 s19;
	s23 =	smov.u32 s20;
	[sflag:s30] =	ssyncadd.s32 $0xFFFFFD80  }
0x93: {  	p0 =	por $0x0, $0x0;
	s28 =	simm.s32 $0x0;
	[bflag:$0x0] =	sbarrier.arrive $0xFFFF  }
.LBB2_4:
0x94: {  	_ =	swait.ge [sflag:s7], $0xC80;
	s13 =	smov.u32 s28  }
0x95: {  	s28 =	sadd.s32 $0x1, s28;
	[sflag:s7] =	ssyncset.done $0x0;
	p1 =	seq.s32 s13, $0x4  }
0x96: {  	[sflag:s7] =	ssyncadd.s32 $0xFFFFF380;
	s16 =	sshll.u32 @!p1 s28, $0xC  }
0x97: {  	_ =	swait.ge [sflag:s7], $0xC80;
	s17 =	sadd.s32 @!p1 s5, s16  }
0x98: {  	s18 =	simm.s32 @!p1 $0x0;
	[sflag:s7] =	ssyncset.done $0x0;
	s17 =	sshrl.u32 @!p1 s17, $0x3  }
0x99: {  	s16 =	sand.u32 @!p1 $0x1000, s16;
	[sflag:s7] =	ssyncadd.s32 $0xFFFFF380;
	s17 =	sadd.s32 @!p1 s15, s17  }
0x9a: {  	[tilespmem:s16], [sflag:$0x6] =	stream.linear.gather @!p1 [hbm4b:s17+s18], $0xC80, $0x38;
	[tilespmem:$0x1D580] =	vst v63  }
0x9b: {  	s13 =	sshll.u32 s13, $0xC;
	s16 =	sor.u32 @!p1 $0x2000, s16;
	s17 =	sadd.s32 @!p1 $0x14000, s17  }
0x9c: {  	[tilespmem:s16], [sflag:$0x6] =	stream.linear.gather @!p1 [hbm4b:s17+s18], $0xC80, $0x38;
	[tilespmem:$0x1D580] =	vst v63  }
0x9d: {  	s29 =	sand.u32 $0x1000, s13  }
0x9e: {  	[tilespmem:s31], [sflag:$0x1] =	stream.indirect.gather [hbm4b:s1+s8], $0x80, s29, s8, $0xb8;
	[tilespmem:$0x1D580] =	vst v63  }
0x9f: {  	s13 =	simm.s32 $0x1;
	s19 =	sor.u32 $0x80, s29  }
0xa0: {  	[tilespmem:s9], [sflag:$0x2] =	stream.indirect.gather [hbm4b:s1+s8], $0x80, s19, s8, $0xb8;
	[tilespmem:$0x1D580] =	vst v63  }
0xa1: {  	s13 =	simm.s32 @!p0 $0x0;
	s20 =	sor.u32 $0x2000, s29  }
0xa2: {  	[spmem:s3] =	stream.indirect.scatter.add.f32 [tilespmem:s10], [sflag:$0x5], $0x1, s20, s8, $0xb8;
	[tilespmem:$0x1D580] =	vst v63  }
0xa3: {  	s16 =	sshll.u32 s13, $0xC;
	_ =	swait.ge [sflag:s6], $0x2800  }
0xa4: {  	s13 =	sor.u32 $0x2000, s16;
	[sflag:s6] =	ssyncset.done $0x0  }
0xa5: {  	s21 =	sadd.s32 $0x0, s13;
	[sflag:s6] =	ssyncadd.s32 $0xFFFFD800  }
0xa6: {  	[spmem:s2] =	stream.indirect.scatter.add.f32 [tilespmem:s31], [sflag:$0x7], $0x80, s21, s8, $0xb8;
	[tilespmem:$0x1D580] =	vst v63  }
0xa7: {  	_ =	swait.ge [sflag:s11], $0x2800  }
0xa8: {  	[sflag:s11] =	ssyncset.done $0x0  }
0xa9: {  	[sflag:s11] =	ssyncadd.s32 $0xFFFFD800  }
0xaa: {  	_ =	swait.ge [sflag:s12], $0x50  }
0xab: {  	[sflag:s12] =	ssyncset.done $0x0  }
0xac: {  	s25 =	sadd.s32 $0x0, s16;
	s19 =	sadd.s32 $0x80, s21;
	[sflag:s12] =	ssyncadd.s32 $0xFFFFFFB0  }
0xad: {  	[spmem:s3] =	stream.indirect.scatter.add.f32 [tilespmem:s10], [sflag:$0x5], $0x1, s19, s8, $0xb8;
	[tilespmem:$0x1D580] =	vst v63  }
0xae: {  	s20 =	sadd.s32 $0x100, s25  }
0xaf: {  	[tilespmem:s31], [sflag:$0x1] =	stream.indirect.gather [hbm4b:s1+s8], $0x80, s20, s8, $0xb8;
	[tilespmem:$0x1D580] =	vst v63  }
0xb0: {  	_ =	swait.ge [sflag:s14], $0x2800  }
0xb1: {  	[sflag:s14] =	ssyncset.done $0x0  }
0xb2: {  	[sflag:s14] =	ssyncadd.s32 $0xFFFFD800  }
0xb3: {  	[spmem:s2] =	stream.indirect.scatter.add.f32 [tilespmem:s9], [sflag:$0x7], $0x80, s19, s8, $0xb8;
	[tilespmem:$0x1D580] =	vst v63  }
0xb4: {  	_ =	swait.ge [sflag:s11], $0x2800  }
0xb5: {  	[sflag:s11] =	ssyncset.done $0x0  }
0xb6: {  	[sflag:s11] =	ssyncadd.s32 $0xFFFFD800  }
0xb7: {  	_ =	swait.ge [sflag:s12], $0x50  }
0xb8: {  	[sflag:s12] =	ssyncset.done $0x0  }
0xb9: {  	s17 =	sadd.s32 $0x100, s21;
	[sflag:s12] =	ssyncadd.s32 $0xFFFFFFB0  }
0xba: {  	[spmem:s3] =	stream.indirect.scatter.add.f32 [tilespmem:s10], [sflag:$0x5], $0x1, s17, s8, $0xb8;
	[tilespmem:$0x1D580] =	vst v63  }
0xbb: {  	s18 =	sadd.s32 $0x180, s25;
	s17 =	simm.s32 $0x400  }
.LBB2_5:
0xbc: {  	[tilespmem:s9], [sflag:$0x2] =	stream.indirect.gather [hbm4b:s1+s8], $0x80, s18, s8, $0xb8;
	[tilespmem:$0x1D580] =	vst v63  }
0xbd: {  	s18 =	smov.u32 s17  }
0xbe: {  	p1 =	sne.s32 s17, $0x2800;
	s17 =	sadd.s32 $0x400, s17;
	_ =	swait.ge [sflag:s6], $0x2800  }
0xbf: {  	s18 =	sshra.s32 s18, $0x2;
	[sflag:s6] =	ssyncset.done $0x0  }
0xc0: {  	s19 =	sadd.s32 s18, s13;
	s18 =	sadd.s32 s18, s16;
	[sflag:s6] =	ssyncadd.s32 $0xFFFFD800  }
0xc1: {  	[spmem:s2] =	stream.indirect.scatter.add.f32 [tilespmem:s31], [sflag:$0x7], $0x80, s19, s8, $0xb8;
	[tilespmem:$0x1D580] =	vst v63  }
0xc2: {  	_ =	swait.ge [sflag:s11], $0x2800  }
0xc3: {  	[sflag:s11] =	ssyncset.done $0x0  }
0xc4: {  	[sflag:s11] =	ssyncadd.s32 $0xFFFFD800  }
0xc5: {  	_ =	swait.ge [sflag:s12], $0x50  }
0xc6: {  	[sflag:s12] =	ssyncset.done $0x0  }
0xc7: {  	s20 =	sadd.s32 $0x80, s19;
	[sflag:s12] =	ssyncadd.s32 $0xFFFFFFB0  }
0xc8: {  	[spmem:s3] =	stream.indirect.scatter.add.f32 [tilespmem:s10], [sflag:$0x5], $0x1, s20, s8, $0xb8;
	[tilespmem:$0x1D580] =	vst v63  }
0xc9: {  	s21 =	sadd.s32 $0x100, s18  }
0xca: {  	[tilespmem:s31], [sflag:$0x1] =	stream.indirect.gather [hbm4b:s1+s8], $0x80, s21, s8, $0xb8;
	[tilespmem:$0x1D580] =	vst v63  }
0xcb: {  	_ =	swait.ge [sflag:s14], $0x2800  }
0xcc: {  	[sflag:s14] =	ssyncset.done $0x0  }
0xcd: {  	[sflag:s14] =	ssyncadd.s32 $0xFFFFD800  }
0xce: {  	[spmem:s2] =	stream.indirect.scatter.add.f32 [tilespmem:s9], [sflag:$0x7], $0x80, s20, s8, $0xb8;
	[tilespmem:$0x1D580] =	vst v63  }
0xcf: {  	_ =	swait.ge [sflag:s11], $0x2800  }
0xd0: {  	[sflag:s11] =	ssyncset.done $0x0  }
0xd1: {  	[sflag:s11] =	ssyncadd.s32 $0xFFFFD800  }
.Ltmp1:
0xd2: {  	_ =	swait.ge [sflag:s12], $0x50;
	(pc) =	sbr.rel @p1 .LBB2_5-.Ltmp1, $4  }
0xd3: {  	[sflag:s12] =	ssyncset.done $0x0  }
0xd4: {  	s19 =	sadd.s32 $0x100, s19;
	[sflag:s12] =	ssyncadd.s32 $0xFFFFFFB0  }
0xd5: {  	[spmem:s3] =	stream.indirect.scatter.add.f32 [tilespmem:s10], [sflag:$0x5], $0x1, s19, s8, $0xb8;
	[tilespmem:$0x1D580] =	vst v63  }
0xd6: {  	s18 =	sadd.s32 $0x180, s18  }
0xd7: {  	[tilespmem:s9], [sflag:$0x2] =	stream.indirect.gather [hbm4b:s1+s8], $0x80, s18, s8, $0xb8;
	[tilespmem:$0x1D580] =	vst v63  }
0xd8: {  	_ =	swait.ge [sflag:s6], $0x2800  }
0xd9: {  	[sflag:s6] =	ssyncset.done $0x0  }
0xda: {  	s13 =	sadd.s32 $0x2B00, s29;
	[sflag:s6] =	ssyncadd.s32 $0xFFFFD800  }
0xdb: {  	[spmem:s2] =	stream.indirect.scatter.add.f32 [tilespmem:s31], [sflag:$0x7], $0x80, s13, s8, $0xb8;
	[tilespmem:$0x1D580] =	vst v63  }
0xdc: {  	_ =	swait.ge [sflag:s11], $0x2800  }
0xdd: {  	[sflag:s11] =	ssyncset.done $0x0  }
0xde: {  	[sflag:s11] =	ssyncadd.s32 $0xFFFFD800  }
0xdf: {  	_ =	swait.ge [sflag:s12], $0x50  }
0xe0: {  	[sflag:s12] =	ssyncset.done $0x0  }
0xe1: {  	s20 =	sadd.s32 $0x2B80, s29;
	[sflag:s12] =	ssyncadd.s32 $0xFFFFFFB0  }
0xe2: {  	[spmem:s3] =	stream.indirect.scatter.add.f32 [tilespmem:s10], [sflag:$0x5], $0x1, s20, s8, $0xb8;
	[tilespmem:$0x1D580] =	vst v63  }
0xe3: {  	s16 =	sor.u32 $0xC00, s29  }
0xe4: {  	[tilespmem:s31], [sflag:$0x1] =	stream.indirect.gather [hbm4b:s1+s8], $0x80, s16, s8, $0xb8;
	[tilespmem:$0x1D580] =	vst v63  }
0xe5: {  	_ =	swait.ge [sflag:s14], $0x2800  }
0xe6: {  	[sflag:s14] =	ssyncset.done $0x0  }
0xe7: {  	[sflag:s14] =	ssyncadd.s32 $0xFFFFD800  }
0xe8: {  	[spmem:s2] =	stream.indirect.scatter.add.f32 [tilespmem:s9], [sflag:$0x7], $0x80, s20, s8, $0xb8;
	[tilespmem:$0x1D580] =	vst v63  }
0xe9: {  	_ =	swait.ge [sflag:s11], $0x2800  }
0xea: {  	[sflag:s11] =	ssyncset.done $0x0  }
0xeb: {  	[sflag:s11] =	ssyncadd.s32 $0xFFFFD800  }
0xec: {  	_ =	swait.ge [sflag:s12], $0x50  }
0xed: {  	[sflag:s12] =	ssyncset.done $0x0  }
0xee: {  	s21 =	sor.u32 $0x2C00, s29;
	[sflag:s12] =	ssyncadd.s32 $0xFFFFFFB0  }
0xef: {  	[spmem:s3] =	stream.indirect.scatter.add.f32 [tilespmem:s10], [sflag:$0x5], $0x1, s21, s8, $0xb8;
	[tilespmem:$0x1D580] =	vst v63  }
0xf0: {  	s25 =	sadd.s32 $0xC00, s29  }
0xf1: {  	[tilespmem:s9], [sflag:$0x2] =	stream.indirect.gather [hbm4b:s1+s8], $0x80, s25, s8, $0xb8;
	[tilespmem:$0x1D580] =	vst v63  }
0xf2: {  	_ =	swait.ge [sflag:s6], $0x2800  }
0xf3: {  	[sflag:s6] =	ssyncset.done $0x0  }
0xf4: {  	s29 =	sadd.s32 $0x2C00, s29;
	[sflag:s6] =	ssyncadd.s32 $0xFFFFD800  }
0xf5: {  	[spmem:s2] =	stream.indirect.scatter.add.f32 [tilespmem:s31], [sflag:$0x7], $0x80, s29, s8, $0xb8;
	[tilespmem:$0x1D580] =	vst v63  }
0xf6: {  	_ =	swait.ge [sflag:s11], $0x2800  }
0xf7: {  	[sflag:s11] =	ssyncset.done $0x0  }
0xf8: {  	[sflag:s11] =	ssyncadd.s32 $0xFFFFD800  }
0xf9: {  	p1 =	sne.s32 s28, $0x5;
	_ =	swait.ge [sflag:s12], $0x50  }
.Ltmp2:
0xfa: {  	[sflag:s12] =	ssyncset.done $0x0;
	(pc) =	sbr.rel @p1 .LBB2_4-.Ltmp2, $4  }
0xfb: {  	[sflag:s12] =	ssyncadd.s32 $0xFFFFFFB0  }
0xfc: {  	_ =	swait.ge [sflag:s14], $0x2800  }
0xfd: {  	[sflag:s14] =	ssyncset.done $0x0  }
0xfe: {  	p0 =	por !p0, !p0;
	[sflag:s14] =	ssyncadd.s32 $0xFFFFD800  }
0xff: {  	[bflag:$0x0] =	sbarrier.arrive $0xFFFF  }
0x100: {  	s16 =	simm.s32 $0x9080;
	s13 =	rddreg [dreg:$0x12]  }
0x101: {  	[tilespmem:s16], [sflag:$0x5] =	stream.linear.gather [spmem:s13], $0x280, $0x38;
	[tilespmem:$0x1D580] =	vst v63  }
0x102: {  	_ = 	snop  }
0x103: {  	[tilespmem:s31], [sflag:$0x1] =	stream.linear.gather [spmem:s22], $0x2800, $0x38;
	[tilespmem:$0x1D580] =	vst v63  }
0x104: {  	_ = 	snop  }
0x105: {  	[tilespmem:s9], [sflag:$0x2] =	stream.linear.gather [spmem:s23], $0x2800, $0x38;
	[tilespmem:$0x1D580] =	vst v63  }
0x106: {  	_ =	swait.ge [sflag:s6], $0x2800  }
0x107: {  	[sflag:s6] =	ssyncset.done $0x0  }
0x108: {  	s21 =	rddreg [dreg:$0x5];
	[sflag:s6] =	ssyncadd.s32 $0xFFFFD800  }
0x109: {  	[hbm4b:s21+s4] =	stream.linear.scatter [tilespmem:s31], [sflag:$0x3], $0x2800, $0x38;
	[tilespmem:$0x1D580] =	vst v63  }
0x10a: {  	_ =	swait.ge [sflag:s0], $0x2800  }
0x10b: {  	[sflag:s0] =	ssyncset.done $0x0  }
0x10c: {  	[sflag:s0] =	ssyncadd.s32 $0xFFFFD800  }
0x10d: {  	[tilespmem:s31], [sflag:$0x1] =	stream.linear.gather [spmem:s24], $0x2800, $0x38;
	[tilespmem:$0x1D580] =	vst v63  }
0x10e: {  	_ =	swait.ge [sflag:s14], $0x2800  }
0x10f: {  	[sflag:s14] =	ssyncset.done $0x0  }
0x110: {  	s19 =	smov.u32 s22;
	s22 =	rddreg [dreg:$0x6];
	[sflag:s14] =	ssyncadd.s32 $0xFFFFD800  }
0x111: {  	[hbm4b:s22+s4] =	stream.linear.scatter [tilespmem:s9], [sflag:$0x4], $0x2800, $0x38;
	[tilespmem:$0x1D580] =	vst v63  }
0x112: {  	_ =	swait.ge [sflag:s30], $0x2800  }
0x113: {  	[sflag:s30] =	ssyncset.done $0x0  }
0x114: {  	s28 =	rddreg [dreg:$0x16];
	[sflag:s30] =	ssyncadd.s32 $0xFFFFD800  }
0x115: {  	[tilespmem:s9], [sflag:$0x2] =	stream.linear.gather [spmem:s28], $0x2800, $0x38;
	[tilespmem:$0x1D580] =	vst v63  }
0x116: {  	_ =	swait.ge [sflag:s6], $0x2800  }
0x117: {  	[sflag:s6] =	ssyncset.done $0x0  }
0x118: {  	s20 =	smov.u32 s23;
	s23 =	rddreg [dreg:$0x7];
	[sflag:s6] =	ssyncadd.s32 $0xFFFFD800  }
0x119: {  	[hbm4b:s23+s4] =	stream.linear.scatter [tilespmem:s31], [sflag:$0x3], $0x2800, $0x38;
	[tilespmem:$0x1D580] =	vst v63  }
0x11a: {  	_ =	swait.ge [sflag:s0], $0x2800  }
0x11b: {  	[sflag:s0] =	ssyncset.done $0x0  }
0x11c: {  	s17 =	rddreg [dreg:$0xe];
	[sflag:s0] =	ssyncadd.s32 $0xFFFFD800  }
0x11d: {  	[tilespmem:s31], [sflag:$0x1] =	stream.linear.gather [spmem:s17], $0x2800, $0x38;
	[tilespmem:$0x1D580] =	vst v63  }
0x11e: {  	_ =	swait.ge [sflag:s14], $0x2800  }
0x11f: {  	[sflag:s14] =	ssyncset.done $0x0  }
0x120: {  	s21 =	smov.u32 s24;
	s24 =	rddreg [dreg:$0x8];
	[sflag:s14] =	ssyncadd.s32 $0xFFFFD800  }
0x121: {  	[hbm4b:s24+s4] =	stream.linear.scatter [tilespmem:s9], [sflag:$0x4], $0x2800, $0x38;
	[tilespmem:$0x1D580] =	vst v63  }
0x122: {  	_ =	swait.ge [sflag:s30], $0x2800  }
0x123: {  	[sflag:s30] =	ssyncset.done $0x0  }
0x124: {  	s18 =	rddreg [dreg:$0xf];
	[sflag:s30] =	ssyncadd.s32 $0xFFFFD800  }
0x125: {  	[tilespmem:s9], [sflag:$0x2] =	stream.linear.gather [spmem:s18], $0x2800, $0x38;
	[tilespmem:$0x1D580] =	vst v63  }
0x126: {  	_ =	swait.ge [sflag:s6], $0x2800  }
0x127: {  	[sflag:s6] =	ssyncset.done $0x0  }
0x128: {  	s25 =	rddreg [dreg:$0x9];
	[sflag:s6] =	ssyncadd.s32 $0xFFFFD800  }
0x129: {  	[hbm4b:s25+s4] =	stream.linear.scatter [tilespmem:s31], [sflag:$0x3], $0x2800, $0x38;
	[tilespmem:$0x1D580] =	vst v63  }
0x12a: {  	_ =	swait.ge [sflag:s0], $0x2800  }
0x12b: {  	[sflag:s0] =	ssyncset.done $0x0  }
0x12c: {  	s29 =	rddreg [dreg:$0x10];
	[sflag:s0] =	ssyncadd.s32 $0xFFFFD800  }
0x12d: {  	[tilespmem:s31], [sflag:$0x1] =	stream.linear.gather [spmem:s29], $0x2800, $0x38;
	[tilespmem:$0x1D580] =	vst v63  }
0x12e: {  	_ =	swait.ge [sflag:s14], $0x2800  }
0x12f: {  	[sflag:s14] =	ssyncset.done $0x0  }
0x130: {  	s22 =	rddreg [dreg:$0xa];
	[sflag:s14] =	ssyncadd.s32 $0xFFFFD800  }
0x131: {  	[hbm4b:s22+s4] =	stream.linear.scatter [tilespmem:s9], [sflag:$0x4], $0x2800, $0x38;
	[tilespmem:$0x1D580] =	vst v63  }
0x132: {  	_ =	swait.ge [sflag:s30], $0x2800  }
0x133: {  	[sflag:s30] =	ssyncset.done $0x0  }
0x134: {  	s23 =	rddreg [dreg:$0x11];
	[sflag:s30] =	ssyncadd.s32 $0xFFFFD800  }
0x135: {  	[tilespmem:s9], [sflag:$0x2] =	stream.linear.gather [spmem:s23], $0x2800, $0x38;
	[tilespmem:$0x1D580] =	vst v63  }
0x136: {  	_ =	swait.ge [sflag:s6], $0x2800  }
0x137: {  	[sflag:s6] =	ssyncset.done $0x0  }
0x138: {  	s24 =	rddreg [dreg:$0xb];
	[sflag:s6] =	ssyncadd.s32 $0xFFFFD800  }
0x139: {  	[hbm4b:s24+s4] =	stream.linear.scatter [tilespmem:s31], [sflag:$0x3], $0x2800, $0x38;
	[tilespmem:$0x1D580] =	vst v63  }
0x13a: {  	_ =	swait.ge [sflag:s14], $0x2800  }
0x13b: {  	[sflag:s14] =	ssyncset.done $0x0  }
0x13c: {  	s25 =	rddreg [dreg:$0xc];
	[sflag:s14] =	ssyncadd.s32 $0xFFFFD800  }
0x13d: {  	[hbm4b:s25+s4] =	stream.linear.scatter [tilespmem:s9], [sflag:$0x4], $0x2800, $0x38;
	[tilespmem:$0x1D580] =	vst v63  }
0x13e: {  	_ =	swait.ge [sflag:s12], $0x280  }
0x13f: {  	s23 =	simm.s32 $0x80;
	[sflag:s12] =	ssyncset.done $0x0  }
0x140: {  	s24 =	simm.s32 $0x100;
	s22 =	rddreg [dreg:$0x13];
	[sflag:s12] =	ssyncadd.s32 $0xFFFFFD80  }
0x141: {  	[hbm4b:s22+s23] =	stream.strided.scatter [tilespmem:s16], [sflag:$0x5], $0x280, s24, s23, $0x38;
	[tilespmem:$0x1D580] =	vst v63  }
0x142: {  	_ =	swait.ge [sflag:s0], $0x2800  }
0x143: {  	[sflag:s0] =	ssyncset.done $0x0  }
0x144: {  	[sflag:s0] =	ssyncadd.s32 $0xFFFFD800  }
0x145: {  	_ =	swait.ge [sflag:s30], $0x2800  }
0x146: {  	[sflag:s30] =	ssyncset.done $0x0  }
0x147: {  	[sflag:s30] =	ssyncadd.s32 $0xFFFFD800  }
0x148: {  	_ =	swait.ge [sflag:s12], $0x280  }
0x149: {  	s26 =	sadd.s32 $0x1, s26;
	s24 =	rddreg [dreg:$0x14]  }
0x14a: {  	p0 =	sne.s32 s26, s24  }
.Ltmp3:
0x14b: {  	_ = 	snop;
	(pc) =	sbr.rel @p0 .LBB2_1-.Ltmp3, $3  }
0x14c: {  	_ =	sdelay $0x1  }
0x14d: {  	[sflag:s12] =	ssyncset.done $0x0  }
0x14e: {  	s25 =	simm.s32 $0x9080;
	[sflag:s12] =	ssyncadd.s32 $0xFFFFFD80  }
0x14f: {  	_ =	sfence.sel $0x180000  }
0x150: {  	[bflag:$0x0] =	sbarrier.arrive $0xFFFF  }
0x151: {  	_ =	strace $0x9000004A  }
0x152: {  	s0 =	stileid.u32;
	[bflag:$0x2] =	sbarrier.arrive $0xFFFF  }
0x153: {  	p0 =	sne.s32 s0, $0x0;
	s0 =	rddreg [dreg:$0x4]  }
0x154: {  	s0 =	sadd.s32 @!p0 $0x100000, s0  }
0x155: {  	[sflag:s0] =	ssyncadd.tile.s32 @!p0 $0x1;
	_ =	shalt  }
.Lfunc_end2:
_tile_overlayer_lowered:
.L_overlay_start_2:
0x156: {  	(tag) =	ssettag $0x2  }
0x157: {  	s0 =	rddreg [dreg:$0x0];
	s2 =	stileid.u32  }
0x158: {  	s1 =	rddreg [dreg:$0x1];
	p0 =	sne.s32 s2, $0x0  }
0x159: {  	s3 =	rddreg [dreg:$0x2];
	[bflag:$0x3] =	sbarrier.arrive $0xFFFF;
	s2 =	simm.s32 @!p0 $0x1C07  }
0x15a: {  	[timem:s3], [sflag:s2] =	dma.local @!p0 [hbm:s0], s1  }
0x15b: {  	s0 =	simm.s32 @!p0 $0x7  }
0x15c: {  	_ =	swait.ge @!p0 [sflag:s0], s1  }
0x15d: {  	s1 =	ssub.s32 @!p0 $0x0, s1;
	[sflag:s0] =	ssyncset.done @!p0 $0x0  }
0x15e: {  	[sflag:s0] =	ssyncadd.s32 @!p0 s1  }
0x15f: {  	[bflag:$0x3] =	sbarrier.arrive $0xFFFF  }
0x160: {  	_ =	shalt  }

</sc_bundles>
